<compile_context>
chip_gen: v7x
topology: tpu7x:2x2x1
jax: 0.10.2.dev20260603
libtpu: 0.0.44.dev20260713+nightly
codegen_flags: <defaults>
</compile_context>

<pallas_src>
import jax
import jax.numpy as jnp
from jax import lax
from jax.experimental import pallas as pl
from jax.experimental.pallas import tpu as pltpu
from jax.experimental.pallas import tpu_sc as plsc

NC = 2
NS = 16
NW = NC * NS
LANES = 16
NRB = 3
EPS = 1e-12


def _rsqrt1(x):
    xh = x * 0.5
    i = plsc.bitcast(x, jnp.int32)
    i = jnp.int32(0x5F3759DF) - lax.shift_right_logical(i, 1)
    y = plsc.bitcast(i, jnp.float32)
    return y * (1.5 - xh * y * y)


def _make_kernel(batch, seq, hidden):
    rows_per_w = batch // NW
    chunk = seq // 2
    nj = hidden // LANES
    mesh = plsc.VectorSubcoreMesh(core_axis_name="c", subcore_axis_name="s")

    def body(ids_ref, tid_ref, word_ref, pos_ref, te_ref, g_ref, b_ref,
             out_ref, idx_all, tid_all, rbufs, pos_v, te_v, g_v, b_v,
             gsems, osems):
        wid = lax.axis_index("s") * NC + lax.axis_index("c")
        base = wid * rows_per_w
        pltpu.sync_copy(pos_ref.at[pl.ds(0, seq)], pos_v)
        pltpu.sync_copy(te_ref, te_v)
        pltpu.sync_copy(g_ref, g_v)
        pltpu.sync_copy(b_ref, b_v)
        pltpu.sync_copy(ids_ref.at[pl.ds(2 * base, 2 * rows_per_w)], idx_all)
        pltpu.sync_copy(tid_ref.at[pl.ds(2 * base, 2 * rows_per_w)], tid_all)

        g = [g_v[pl.ds(LANES * j, LANES)] for j in range(nj)]
        b = [b_v[pl.ds(LANES * j, LANES)] for j in range(nj)]
        t0 = [te_v[0, pl.ds(LANES * j, LANES)] for j in range(nj)]
        td = [te_v[1, pl.ds(LANES * j, LANES)] - t0[j] for j in range(nj)]

        def fold_body(s, carry):
            for j in range(nj):
                pos_v[s, pl.ds(LANES * j, LANES)] = (
                    pos_v[s, pl.ds(LANES * j, LANES)] + t0[j])
            return carry

        lax.fori_loop(0, seq, fold_body, 0)

        def half_desc(r, rb, h):
            return pltpu.make_async_copy(
                word_ref.at[idx_all.at[2 * r + h]],
                rbufs.at[rb, pl.ds(h * chunk, chunk)], gsems.at[rb])

        def start_gathers(r, rb):
            for h in range(2):
                pltpu.async_copy(word_ref.at[idx_all.at[2 * r + h]],
                                 rbufs.at[rb, pl.ds(h * chunk, chunk)],
                                 gsems.at[rb])

        def wait_gathers(r, rb):
            for h in range(2):
                half_desc(r, rb, h).wait()

        def wait_out(rb):
            pltpu.make_async_copy(rbufs.at[pl.ds(rb, 1)],
                                  out_ref.at[pl.ds(base, 1)],
                                  osems.at[rb]).wait()

        gb_acc = jnp.abs(g[0] - 1.0) + jnp.abs(b[0])
        for j in range(1, nj):
            gb_acc = gb_acc + jnp.abs(g[j] - 1.0) + jnp.abs(b[j])
        gb_identity = jnp.sum(gb_acc) == 0.0

        def compute(r, rb):
            rows_v = rbufs.at[rb]

            def one_token(tid_h, s0, i, affine):
                tsplat = plsc.load_gather(
                    tid_h, [jnp.full((LANES,), i, jnp.int32)])
                tf = tsplat.astype(jnp.float32)
                x = []
                for j in range(nj):
                    w = rows_v[s0 + i, pl.ds(LANES * j, LANES)]
                    p = pos_v[s0 + i, pl.ds(LANES * j, LANES)]
                    x.append(w + p + tf * td[j])
                svec = ((x[0] + x[1]) + (x[2] + x[3])) + (
                    (x[4] + x[5]) + (x[6] + x[7]))
                q = [xj * xj for xj in x]
                qvec = ((q[0] + q[1]) + (q[2] + q[3])) + (
                    (q[4] + q[5]) + (q[6] + q[7]))
                mean = jnp.broadcast_to(jnp.sum(svec), (LANES,)) * (1.0 / hidden)
                msq = jnp.broadcast_to(jnp.sum(qvec), (LANES,)) * (1.0 / hidden)
                var = msq - mean * mean
                inv = _rsqrt1(var + EPS)
                for j in range(nj):
                    n = (x[j] - mean) * inv
                    rows_v[s0 + i, pl.ds(LANES * j, LANES)] = (
                        n * g[j] + b[j] if affine else n)

            for h in range(2):
                tid_h = tid_all.at[2 * r + h]

                @pl.when(gb_identity)
                def _fast(tid_h=tid_h, s0=h * chunk):
                    @plsc.parallel_loop(0, chunk, step=1, unroll=1)
                    def _tok(i):
                        one_token(tid_h, s0, i, affine=False)

                @pl.when(jnp.logical_not(gb_identity))
                def _general(tid_h=tid_h, s0=h * chunk):
                    @plsc.parallel_loop(0, chunk, step=1, unroll=1)
                    def _tok(i):
                        one_token(tid_h, s0, i, affine=True)

        for r0 in range(NRB - 1):
            start_gathers(r0, r0)

        def ring_body(j, carry):
            rb = j % NRB
            wait_gathers(j, rb)
            compute(j, rb)
            pltpu.async_copy(rbufs.at[pl.ds(rb, 1)],
                             out_ref.at[pl.ds(base + j, 1)],
                             osems.at[rb])

            nxt = j + NRB - 1
            nrb = (rb + NRB - 1) % NRB

            @pl.when(nxt < rows_per_w)
            def _issue():
                @pl.when(nxt >= NRB)
                def _():
                    wait_out(nrb)
                start_gathers(nxt, nrb)
            return carry

        lax.fori_loop(0, rows_per_w, ring_body, 0)
        for rb in range(NRB):
            wait_out(rb)

    kern = pl.kernel(
        body,
        out_type=jax.ShapeDtypeStruct((batch, seq, hidden), jnp.float32),
        mesh=mesh,
        compiler_params=pltpu.CompilerParams(needs_layout_passes=False),
        scratch_types=[
            pltpu.VMEM((2 * rows_per_w, chunk), jnp.int32),
            pltpu.VMEM((2 * rows_per_w, chunk), jnp.int32),
            pltpu.VMEM((NRB, seq, hidden), jnp.float32),
            pltpu.VMEM((seq, hidden), jnp.float32),
            pltpu.VMEM((2, hidden), jnp.float32),
            pltpu.VMEM((hidden,), jnp.float32),
            pltpu.VMEM((hidden,), jnp.float32),
            pltpu.SemaphoreType.DMA((NRB,)),
            pltpu.SemaphoreType.DMA((NRB,)),
        ],
    )
    return kern


@jax.jit
def kernel(input_ids, token_type_ids, word_emb, pos_emb, type_emb, gamma, beta):
    batch, seq = input_ids.shape
    hidden = word_emb.shape[1]
    chunk = seq // 2
    ids2 = input_ids.reshape(batch * 2, chunk).astype(jnp.int32)
    tids2 = token_type_ids.reshape(batch * 2, chunk).astype(jnp.int32)
    kern = _make_kernel(batch, seq, hidden)
    return kern(ids2, tids2, word_emb, pos_emb, type_emb, gamma, beta)

# --- scband reference (transcript-rebuilt; emitter-appended) ---
"""Pipeline reference for scband-base-bert-embeddings-15779709846298 (READ-ONLY COPY).

The authoritative reference and input builder live on the scoring server;
editing this copy changes nothing except your own understanding.
"""

import jax, jax.numpy as jnp
import numpy as np

VOCAB = 100000
HIDDEN = 128
MAX_POS = 512
TYPE_VOCAB = 2
BATCH = 1024
SEQ = 200
EPS = 1e-12


def setup_inputs(seed: int = 0) -> dict:
    key = jax.random.key(seed)
    k1, k2, k3, k4, k5 = jax.random.split(key, 5)
    input_ids = jax.random.randint(k1, (BATCH, SEQ), 0, VOCAB, dtype=jnp.int64 if jax.config.jax_enable_x64 else jnp.int32)
    token_type_ids = jax.random.randint(k2, (BATCH, SEQ), 0, TYPE_VOCAB, dtype=input_ids.dtype)
    word_emb = jax.random.normal(k3, (VOCAB, HIDDEN), dtype=jnp.float32) * 0.02
    pos_emb = jax.random.normal(k4, (MAX_POS, HIDDEN), dtype=jnp.float32) * 0.02
    type_emb = jax.random.normal(k5, (TYPE_VOCAB, HIDDEN), dtype=jnp.float32) * 0.02
    gamma = jnp.ones((HIDDEN,), dtype=jnp.float32)
    beta = jnp.zeros((HIDDEN,), dtype=jnp.float32)
    return {
        "input_ids": input_ids,
        "token_type_ids": token_type_ids,
        "word_emb": word_emb,
        "pos_emb": pos_emb,
        "type_emb": type_emb,
        "gamma": gamma,
        "beta": beta,
    }


def reference(input_ids, token_type_ids, word_emb, pos_emb, type_emb, gamma, beta):
    seq_len = input_ids.shape[1]
    position_ids = jnp.arange(seq_len, dtype=input_ids.dtype)
    position_ids = jnp.broadcast_to(position_ids[None, :], input_ids.shape)
    inputs_embeds = jnp.take(word_emb, input_ids, axis=0)
    token_type_embeddings = jnp.take(type_emb, token_type_ids, axis=0)
    position_embeddings = jnp.take(pos_emb, position_ids, axis=0)
    embeddings = inputs_embeds + token_type_embeddings + position_embeddings
    # LayerNorm over last dim (eps=1e-12)
    mean = jnp.mean(embeddings, axis=-1, keepdims=True)
    var = jnp.mean(jnp.square(embeddings - mean), axis=-1, keepdims=True)
    normed = (embeddings - mean) / jnp.sqrt(var + EPS)
    out = normed * gamma + beta
    # dropout is identity in eval mode
    return out

if __name__ == "__main__":
    import jax
    _d = setup_inputs()
    print(jax.jit(kernel)(*tuple(_d.values())))

</pallas_src>

<mosaic_0001>
#map = affine_map<(d0, d1) -> (0, 0)>
#map1 = affine_map<(d0, d1) -> (0)>
#map2 = affine_map<(d0, d1) -> (0, 0, 0)>
module attributes {stable_mosaic.version = 14 : i64} {
  func.func @body(%arg0: i32, %arg1: i32, %arg2: memref<2048x100xi32, #tpu.memory_space<hbm>>, %arg3: memref<2048x100xi32, #tpu.memory_space<hbm>>, %arg4: memref<100000x128xf32, #tpu.memory_space<hbm>>, %arg5: memref<512x128xf32, #tpu.memory_space<hbm>>, %arg6: memref<2x128xf32, #tpu.memory_space<hbm>>, %arg7: memref<128xf32, #tpu.memory_space<hbm>>, %arg8: memref<128xf32, #tpu.memory_space<hbm>>, %arg9: memref<1024x200x128xf32, #tpu.memory_space<hbm>>, %arg10: memref<64x100xi32, #tpu.memory_space<vmem>>, %arg11: memref<64x100xi32, #tpu.memory_space<vmem>>, %arg12: memref<3x200x128xf32, #tpu.memory_space<vmem>>, %arg13: memref<200x128xf32, #tpu.memory_space<vmem>>, %arg14: memref<2x128xf32, #tpu.memory_space<vmem>>, %arg15: memref<128xf32, #tpu.memory_space<vmem>>, %arg16: memref<128xf32, #tpu.memory_space<vmem>>, %arg17: memref<3x!tpu.dma_semaphore, #tpu.memory_space<semaphore_mem>>, %arg18: memref<3x!tpu.dma_semaphore, #tpu.memory_space<semaphore_mem>>) attributes {dimension_semantics = [#tpu.dimension_semantics<core_parallel>, #tpu.dimension_semantics<subcore_parallel>], iteration_bounds = array<i64: 2, 16>, scalar_prefetch = 0 : i64, scratch_operands = 9 : i64, tpu.core_type = #tpu.core_type<sc_vector_subcore>, window_params = [{transform_indices = #map}, {transform_indices = #map}, {transform_indices = #map}, {transform_indices = #map}, {transform_indices = #map}, {transform_indices = #map1}, {transform_indices = #map1}, {transform_indices = #map2}]} {
    %mul3A = arith.constant 2 : i32
    %mul3A_0 = arith.muli %arg1, %mul3A : i32
    %add3A = arith.addi %mul3A_0, %arg0 : i32
    %mul3A_1 = arith.constant 32 : i32
    %mul3A_2 = arith.muli %add3A, %mul3A_1 : i32
    "tpu.region"() ({
      %run_scoped3A = tpu.sem_alloc : memref<!tpu.dma_semaphore, #tpu.memory_space<semaphore_mem>>
      %dma_start3A_287 = arith.constant 0 : i32
      %dma_start3A_288 = arith.constant 0 : i32
      %dma_start3A_289 = tpu.memref_slice %arg5[%dma_start3A_287, %dma_start3A_288] : memref<512x128xf32, #tpu.memory_space<hbm>> -> memref<200x128xf32, #tpu.memory_space<hbm>>
      %dma_start3A_290 = arith.constant 0 : i32
      %dma_start3A_291 = arith.constant 0 : i32
      %dma_start3A_292 = tpu.memref_slice %arg5[%dma_start3A_290, %dma_start3A_291] : memref<512x128xf32, #tpu.memory_space<hbm>> -> memref<200x128xf32, #tpu.memory_space<hbm>>
      tpu.enqueue_dma source(%dma_start3A_292 : memref<200x128xf32, #tpu.memory_space<hbm>>) target(%arg13 : memref<200x128xf32, #tpu.memory_space<vmem>>) target_semaphore(%run_scoped3A : memref<!tpu.dma_semaphore, #tpu.memory_space<semaphore_mem>>)
      %dma_wait3A_293 = arith.constant 0 : i32
      %dma_wait3A_294 = arith.constant 0 : i32
      %dma_wait3A_295 = tpu.memref_slice %arg5[%dma_wait3A_293, %dma_wait3A_294] : memref<512x128xf32, #tpu.memory_space<hbm>> -> memref<200x128xf32, #tpu.memory_space<hbm>>
      %dma_wait3A_296 = arith.constant 0 : i32
      %dma_wait3A_297 = arith.constant 0 : i32
      %dma_wait3A_298 = tpu.memref_slice %arg5[%dma_wait3A_296, %dma_wait3A_297] : memref<512x128xf32, #tpu.memory_space<hbm>> -> memref<200x128xf32, #tpu.memory_space<hbm>>
      tpu.wait_dma2 semaphore(%run_scoped3A : memref<!tpu.dma_semaphore, #tpu.memory_space<semaphore_mem>>) src(%dma_wait3A_298 : memref<200x128xf32, #tpu.memory_space<hbm>>) dst(%arg13 : memref<200x128xf32, #tpu.memory_space<vmem>>)
      tpu.yield
    }) : () -> ()
    "tpu.region"() ({
      %run_scoped3A = tpu.sem_alloc : memref<!tpu.dma_semaphore, #tpu.memory_space<semaphore_mem>>
      tpu.enqueue_dma source(%arg6 : memref<2x128xf32, #tpu.memory_space<hbm>>) target(%arg14 : memref<2x128xf32, #tpu.memory_space<vmem>>) target_semaphore(%run_scoped3A : memref<!tpu.dma_semaphore, #tpu.memory_space<semaphore_mem>>)
      tpu.wait_dma2 semaphore(%run_scoped3A : memref<!tpu.dma_semaphore, #tpu.memory_space<semaphore_mem>>) src(%arg6 : memref<2x128xf32, #tpu.memory_space<hbm>>) dst(%arg14 : memref<2x128xf32, #tpu.memory_space<vmem>>)
      tpu.yield
    }) : () -> ()
    "tpu.region"() ({
      %run_scoped3A = tpu.sem_alloc : memref<!tpu.dma_semaphore, #tpu.memory_space<semaphore_mem>>
      tpu.enqueue_dma source(%arg7 : memref<128xf32, #tpu.memory_space<hbm>>) target(%arg15 : memref<128xf32, #tpu.memory_space<vmem>>) target_semaphore(%run_scoped3A : memref<!tpu.dma_semaphore, #tpu.memory_space<semaphore_mem>>)
      tpu.wait_dma2 semaphore(%run_scoped3A : memref<!tpu.dma_semaphore, #tpu.memory_space<semaphore_mem>>) src(%arg7 : memref<128xf32, #tpu.memory_space<hbm>>) dst(%arg15 : memref<128xf32, #tpu.memory_space<vmem>>)
      tpu.yield
    }) : () -> ()
    "tpu.region"() ({
      %run_scoped3A = tpu.sem_alloc : memref<!tpu.dma_semaphore, #tpu.memory_space<semaphore_mem>>
      tpu.enqueue_dma source(%arg8 : memref<128xf32, #tpu.memory_space<hbm>>) target(%arg16 : memref<128xf32, #tpu.memory_space<vmem>>) target_semaphore(%run_scoped3A : memref<!tpu.dma_semaphore, #tpu.memory_space<semaphore_mem>>)
      tpu.wait_dma2 semaphore(%run_scoped3A : memref<!tpu.dma_semaphore, #tpu.memory_space<semaphore_mem>>) src(%arg8 : memref<128xf32, #tpu.memory_space<hbm>>) dst(%arg16 : memref<128xf32, #tpu.memory_space<vmem>>)
      tpu.yield
    }) : () -> ()
    %mul3A_3 = arith.constant 2 : i32
    %mul3A_4 = arith.muli %mul3A_3, %mul3A_2 : i32
    "tpu.region"() ({
      %run_scoped3A = tpu.sem_alloc : memref<!tpu.dma_semaphore, #tpu.memory_space<semaphore_mem>>
      %dma_start3A_287 = arith.constant 0 : i32
      %dma_start3A_288 = tpu.memref_slice %arg2[%mul3A_4, %dma_start3A_287] : memref<2048x100xi32, #tpu.memory_space<hbm>> -> memref<64x100xi32, #tpu.memory_space<hbm>>
      %dma_start3A_289 = arith.constant 0 : i32
      %dma_start3A_290 = tpu.memref_slice %arg2[%mul3A_4, %dma_start3A_289] : memref<2048x100xi32, #tpu.memory_space<hbm>> -> memref<64x100xi32, #tpu.memory_space<hbm>>
      tpu.enqueue_dma source(%dma_start3A_290 : memref<64x100xi32, #tpu.memory_space<hbm>>) target(%arg10 : memref<64x100xi32, #tpu.memory_space<vmem>>) target_semaphore(%run_scoped3A : memref<!tpu.dma_semaphore, #tpu.memory_space<semaphore_mem>>)
      %dma_wait3A_291 = arith.constant 0 : i32
      %dma_wait3A_292 = tpu.memref_slice %arg2[%mul3A_4, %dma_wait3A_291] : memref<2048x100xi32, #tpu.memory_space<hbm>> -> memref<64x100xi32, #tpu.memory_space<hbm>>
      %dma_wait3A_293 = arith.constant 0 : i32
      %dma_wait3A_294 = tpu.memref_slice %arg2[%mul3A_4, %dma_wait3A_293] : memref<2048x100xi32, #tpu.memory_space<hbm>> -> memref<64x100xi32, #tpu.memory_space<hbm>>
      tpu.wait_dma2 semaphore(%run_scoped3A : memref<!tpu.dma_semaphore, #tpu.memory_space<semaphore_mem>>) src(%dma_wait3A_294 : memref<64x100xi32, #tpu.memory_space<hbm>>) dst(%arg10 : memref<64x100xi32, #tpu.memory_space<vmem>>)
      tpu.yield
    }) : () -> ()
    %mul3A_5 = arith.constant 2 : i32
    %mul3A_6 = arith.muli %mul3A_5, %mul3A_2 : i32
    "tpu.region"() ({
      %run_scoped3A = tpu.sem_alloc : memref<!tpu.dma_semaphore, #tpu.memory_space<semaphore_mem>>
      %dma_start3A_287 = arith.constant 0 : i32
      %dma_start3A_288 = tpu.memref_slice %arg3[%mul3A_6, %dma_start3A_287] : memref<2048x100xi32, #tpu.memory_space<hbm>> -> memref<64x100xi32, #tpu.memory_space<hbm>>
      %dma_start3A_289 = arith.constant 0 : i32
      %dma_start3A_290 = tpu.memref_slice %arg3[%mul3A_6, %dma_start3A_289] : memref<2048x100xi32, #tpu.memory_space<hbm>> -> memref<64x100xi32, #tpu.memory_space<hbm>>
      tpu.enqueue_dma source(%dma_start3A_290 : memref<64x100xi32, #tpu.memory_space<hbm>>) target(%arg11 : memref<64x100xi32, #tpu.memory_space<vmem>>) target_semaphore(%run_scoped3A : memref<!tpu.dma_semaphore, #tpu.memory_space<semaphore_mem>>)
      %dma_wait3A_291 = arith.constant 0 : i32
      %dma_wait3A_292 = tpu.memref_slice %arg3[%mul3A_6, %dma_wait3A_291] : memref<2048x100xi32, #tpu.memory_space<hbm>> -> memref<64x100xi32, #tpu.memory_space<hbm>>
      %dma_wait3A_293 = arith.constant 0 : i32
      %dma_wait3A_294 = tpu.memref_slice %arg3[%mul3A_6, %dma_wait3A_293] : memref<2048x100xi32, #tpu.memory_space<hbm>> -> memref<64x100xi32, #tpu.memory_space<hbm>>
      tpu.wait_dma2 semaphore(%run_scoped3A : memref<!tpu.dma_semaphore, #tpu.memory_space<semaphore_mem>>) src(%dma_wait3A_294 : memref<64x100xi32, #tpu.memory_space<hbm>>) dst(%arg11 : memref<64x100xi32, #tpu.memory_space<vmem>>)
      tpu.yield
    }) : () -> ()
    %get3A = arith.constant 0 : index
    %get3A_7 = tpu.vector_load %arg15[%get3A] {strides = array<i32>} : memref<128xf32, #tpu.memory_space<vmem>>, vector<16xf32>,
    %get3A_8 = arith.constant 16 : index
    %get3A_9 = tpu.vector_load %arg15[%get3A_8] {strides = array<i32>} : memref<128xf32, #tpu.memory_space<vmem>>, vector<16xf32>,
    %get3A_10 = arith.constant 32 : index
    %get3A_11 = tpu.vector_load %arg15[%get3A_10] {strides = array<i32>} : memref<128xf32, #tpu.memory_space<vmem>>, vector<16xf32>,
    %get3A_12 = arith.constant 48 : index
    %get3A_13 = tpu.vector_load %arg15[%get3A_12] {strides = array<i32>} : memref<128xf32, #tpu.memory_space<vmem>>, vector<16xf32>,
    %get3A_14 = arith.constant 64 : index
    %get3A_15 = tpu.vector_load %arg15[%get3A_14] {strides = array<i32>} : memref<128xf32, #tpu.memory_space<vmem>>, vector<16xf32>,
    %get3A_16 = arith.constant 80 : index
    %get3A_17 = tpu.vector_load %arg15[%get3A_16] {strides = array<i32>} : memref<128xf32, #tpu.memory_space<vmem>>, vector<16xf32>,
    %get3A_18 = arith.constant 96 : index
    %get3A_19 = tpu.vector_load %arg15[%get3A_18] {strides = array<i32>} : memref<128xf32, #tpu.memory_space<vmem>>, vector<16xf32>,
    %get3A_20 = arith.constant 112 : index
    %get3A_21 = tpu.vector_load %arg15[%get3A_20] {strides = array<i32>} : memref<128xf32, #tpu.memory_space<vmem>>, vector<16xf32>,
    %get3A_22 = arith.constant 0 : index
    %get3A_23 = tpu.vector_load %arg16[%get3A_22] {strides = array<i32>} : memref<128xf32, #tpu.memory_space<vmem>>, vector<16xf32>,
    %get3A_24 = arith.constant 16 : index
    %get3A_25 = tpu.vector_load %arg16[%get3A_24] {strides = array<i32>} : memref<128xf32, #tpu.memory_space<vmem>>, vector<16xf32>,
    %get3A_26 = arith.constant 32 : index
    %get3A_27 = tpu.vector_load %arg16[%get3A_26] {strides = array<i32>} : memref<128xf32, #tpu.memory_space<vmem>>, vector<16xf32>,
    %get3A_28 = arith.constant 48 : index
    %get3A_29 = tpu.vector_load %arg16[%get3A_28] {strides = array<i32>} : memref<128xf32, #tpu.memory_space<vmem>>, vector<16xf32>,
    %get3A_30 = arith.constant 64 : index
    %get3A_31 = tpu.vector_load %arg16[%get3A_30] {strides = array<i32>} : memref<128xf32, #tpu.memory_space<vmem>>, vector<16xf32>,
    %get3A_32 = arith.constant 80 : index
    %get3A_33 = tpu.vector_load %arg16[%get3A_32] {strides = array<i32>} : memref<128xf32, #tpu.memory_space<vmem>>, vector<16xf32>,
    %get3A_34 = arith.constant 96 : index
    %get3A_35 = tpu.vector_load %arg16[%get3A_34] {strides = array<i32>} : memref<128xf32, #tpu.memory_space<vmem>>, vector<16xf32>,
    %get3A_36 = arith.constant 112 : index
    %get3A_37 = tpu.vector_load %arg16[%get3A_36] {strides = array<i32>} : memref<128xf32, #tpu.memory_space<vmem>>, vector<16xf32>,
    %get3A_38 = arith.constant 0 : i32
    %get3A_39 = arith.index_cast %get3A_38 : i32 to index
    %get3A_40 = arith.constant 0 : index
    %get3A_41 = tpu.vector_load %arg14[%get3A_39, %get3A_40] {strides = array<i32>} : memref<2x128xf32, #tpu.memory_space<vmem>>, vector<16xf32>,
    %get3A_42 = arith.constant 0 : i32
    %get3A_43 = arith.index_cast %get3A_42 : i32 to index
    %get3A_44 = arith.constant 16 : index
    %get3A_45 = tpu.vector_load %arg14[%get3A_43, %get3A_44] {strides = array<i32>} : memref<2x128xf32, #tpu.memory_space<vmem>>, vector<16xf32>,
    %get3A_46 = arith.constant 0 : i32
    %get3A_47 = arith.index_cast %get3A_46 : i32 to index
    %get3A_48 = arith.constant 32 : index
    %get3A_49 = tpu.vector_load %arg14[%get3A_47, %get3A_48] {strides = array<i32>} : memref<2x128xf32, #tpu.memory_space<vmem>>, vector<16xf32>,
    %get3A_50 = arith.constant 0 : i32
    %get3A_51 = arith.index_cast %get3A_50 : i32 to index
    %get3A_52 = arith.constant 48 : index
    %get3A_53 = tpu.vector_load %arg14[%get3A_51, %get3A_52] {strides = array<i32>} : memref<2x128xf32, #tpu.memory_space<vmem>>, vector<16xf32>,
    %get3A_54 = arith.constant 0 : i32
    %get3A_55 = arith.index_cast %get3A_54 : i32 to index
    %get3A_56 = arith.constant 64 : index
    %get3A_57 = tpu.vector_load %arg14[%get3A_55, %get3A_56] {strides = array<i32>} : memref<2x128xf32, #tpu.memory_space<vmem>>, vector<16xf32>,
    %get3A_58 = arith.constant 0 : i32
    %get3A_59 = arith.index_cast %get3A_58 : i32 to index
    %get3A_60 = arith.constant 80 : index
    %get3A_61 = tpu.vector_load %arg14[%get3A_59, %get3A_60] {strides = array<i32>} : memref<2x128xf32, #tpu.memory_space<vmem>>, vector<16xf32>,
    %get3A_62 = arith.constant 0 : i32
    %get3A_63 = arith.index_cast %get3A_62 : i32 to index
    %get3A_64 = arith.constant 96 : index
    %get3A_65 = tpu.vector_load %arg14[%get3A_63, %get3A_64] {strides = array<i32>} : memref<2x128xf32, #tpu.memory_space<vmem>>, vector<16xf32>,
    %get3A_66 = arith.constant 0 : i32
    %get3A_67 = arith.index_cast %get3A_66 : i32 to index
    %get3A_68 = arith.constant 112 : index
    %get3A_69 = tpu.vector_load %arg14[%get3A_67, %get3A_68] {strides = array<i32>} : memref<2x128xf32, #tpu.memory_space<vmem>>, vector<16xf32>,
    %get3A_70 = arith.constant 1 : i32
    %get3A_71 = arith.index_cast %get3A_70 : i32 to index
    %get3A_72 = arith.constant 0 : index
    %get3A_73 = tpu.vector_load %arg14[%get3A_71, %get3A_72] {strides = array<i32>} : memref<2x128xf32, #tpu.memory_space<vmem>>, vector<16xf32>,
    %sub3A = arith.subf %get3A_73, %get3A_41 : vector<16xf32>
    %get3A_74 = arith.constant 1 : i32
    %get3A_75 = arith.index_cast %get3A_74 : i32 to index
    %get3A_76 = arith.constant 16 : index
    %get3A_77 = tpu.vector_load %arg14[%get3A_75, %get3A_76] {strides = array<i32>} : memref<2x128xf32, #tpu.memory_space<vmem>>, vector<16xf32>,
    %sub3A_78 = arith.subf %get3A_77, %get3A_45 : vector<16xf32>
    %get3A_79 = arith.constant 1 : i32
    %get3A_80 = arith.index_cast %get3A_79 : i32 to index
    %get3A_81 = arith.constant 32 : index
    %get3A_82 = tpu.vector_load %arg14[%get3A_80, %get3A_81] {strides = array<i32>} : memref<2x128xf32, #tpu.memory_space<vmem>>, vector<16xf32>,
    %sub3A_83 = arith.subf %get3A_82, %get3A_49 : vector<16xf32>
    %get3A_84 = arith.constant 1 : i32
    %get3A_85 = arith.index_cast %get3A_84 : i32 to index
    %get3A_86 = arith.constant 48 : index
    %get3A_87 = tpu.vector_load %arg14[%get3A_85, %get3A_86] {strides = array<i32>} : memref<2x128xf32, #tpu.memory_space<vmem>>, vector<16xf32>,
    %sub3A_88 = arith.subf %get3A_87, %get3A_53 : vector<16xf32>
    %get3A_89 = arith.constant 1 : i32
    %get3A_90 = arith.index_cast %get3A_89 : i32 to index
    %get3A_91 = arith.constant 64 : index
    %get3A_92 = tpu.vector_load %arg14[%get3A_90, %get3A_91] {strides = array<i32>} : memref<2x128xf32, #tpu.memory_space<vmem>>, vector<16xf32>,
    %sub3A_93 = arith.subf %get3A_92, %get3A_57 : vector<16xf32>
    %get3A_94 = arith.constant 1 : i32
    %get3A_95 = arith.index_cast %get3A_94 : i32 to index
    %get3A_96 = arith.constant 80 : index
    %get3A_97 = tpu.vector_load %arg14[%get3A_95, %get3A_96] {strides = array<i32>} : memref<2x128xf32, #tpu.memory_space<vmem>>, vector<16xf32>,
    %sub3A_98 = arith.subf %get3A_97, %get3A_61 : vector<16xf32>
    %get3A_99 = arith.constant 1 : i32
    %get3A_100 = arith.index_cast %get3A_99 : i32 to index
    %get3A_101 = arith.constant 96 : index
    %get3A_102 = tpu.vector_load %arg14[%get3A_100, %get3A_101] {strides = array<i32>} : memref<2x128xf32, #tpu.memory_space<vmem>>, vector<16xf32>,
    %sub3A_103 = arith.subf %get3A_102, %get3A_65 : vector<16xf32>
    %get3A_104 = arith.constant 1 : i32
    %get3A_105 = arith.index_cast %get3A_104 : i32 to index
    %get3A_106 = arith.constant 112 : index
    %get3A_107 = tpu.vector_load %arg14[%get3A_105, %get3A_106] {strides = array<i32>} : memref<2x128xf32, #tpu.memory_space<vmem>>, vector<16xf32>,
    %sub3A_108 = arith.subf %get3A_107, %get3A_69 : vector<16xf32>
    %scan3A = arith.constant 0 : i32
    %scan3A_109 = arith.constant 0 : i32
    %scan3A_110 = arith.constant 200 : i32
    %scan3A_111 = arith.addi %scan3A_109, %scan3A_110 : i32
    %scan3A_112 = arith.constant 1 : i32
    scf.for %scan3A_287 = %scan3A_109 to %scan3A_111 step %scan3A_112  : i32 {
      %get3A_288 = arith.index_cast %scan3A_287 : i32 to index
      %get3A_289 = arith.constant 0 : index
      %get3A_290 = tpu.vector_load %arg13[%get3A_288, %get3A_289] {strides = array<i32>} : memref<200x128xf32, #tpu.memory_space<vmem>>, vector<16xf32>,
      %add3A_291 = arith.addf %get3A_290, %get3A_41 : vector<16xf32>
      %swap3A = arith.index_cast %scan3A_287 : i32 to index
      %swap3A_292 = arith.constant 0 : index
      %swap3A_293 = tpu.vector_load %arg13[%swap3A, %swap3A_292] {strides = array<i32>} : memref<200x128xf32, #tpu.memory_space<vmem>>, vector<16xf32>,
      tpu.vector_store %arg13[%swap3A, %swap3A_292], %add3A_291 {strides = array<i32>} : memref<200x128xf32, #tpu.memory_space<vmem>>, vector<16xf32>,
      %get3A_294 = arith.index_cast %scan3A_287 : i32 to index
      %get3A_295 = arith.constant 16 : index
      %get3A_296 = tpu.vector_load %arg13[%get3A_294, %get3A_295] {strides = array<i32>} : memref<200x128xf32, #tpu.memory_space<vmem>>, vector<16xf32>,
      %add3A_297 = arith.addf %get3A_296, %get3A_45 : vector<16xf32>
      %swap3A_298 = arith.index_cast %scan3A_287 : i32 to index
      %swap3A_299 = arith.constant 16 : index
      %swap3A_300 = tpu.vector_load %arg13[%swap3A_298, %swap3A_299] {strides = array<i32>} : memref<200x128xf32, #tpu.memory_space<vmem>>, vector<16xf32>,
      tpu.vector_store %arg13[%swap3A_298, %swap3A_299], %add3A_297 {strides = array<i32>} : memref<200x128xf32, #tpu.memory_space<vmem>>, vector<16xf32>,
      %get3A_301 = arith.index_cast %scan3A_287 : i32 to index
      %get3A_302 = arith.constant 32 : index
      %get3A_303 = tpu.vector_load %arg13[%get3A_301, %get3A_302] {strides = array<i32>} : memref<200x128xf32, #tpu.memory_space<vmem>>, vector<16xf32>,
      %add3A_304 = arith.addf %get3A_303, %get3A_49 : vector<16xf32>
      %swap3A_305 = arith.index_cast %scan3A_287 : i32 to index
      %swap3A_306 = arith.constant 32 : index
      %swap3A_307 = tpu.vector_load %arg13[%swap3A_305, %swap3A_306] {strides = array<i32>} : memref<200x128xf32, #tpu.memory_space<vmem>>, vector<16xf32>,
      tpu.vector_store %arg13[%swap3A_305, %swap3A_306], %add3A_304 {strides = array<i32>} : memref<200x128xf32, #tpu.memory_space<vmem>>, vector<16xf32>,
      %get3A_308 = arith.index_cast %scan3A_287 : i32 to index
      %get3A_309 = arith.constant 48 : index
      %get3A_310 = tpu.vector_load %arg13[%get3A_308, %get3A_309] {strides = array<i32>} : memref<200x128xf32, #tpu.memory_space<vmem>>, vector<16xf32>,
      %add3A_311 = arith.addf %get3A_310, %get3A_53 : vector<16xf32>
      %swap3A_312 = arith.index_cast %scan3A_287 : i32 to index
      %swap3A_313 = arith.constant 48 : index
      %swap3A_314 = tpu.vector_load %arg13[%swap3A_312, %swap3A_313] {strides = array<i32>} : memref<200x128xf32, #tpu.memory_space<vmem>>, vector<16xf32>,
      tpu.vector_store %arg13[%swap3A_312, %swap3A_313], %add3A_311 {strides = array<i32>} : memref<200x128xf32, #tpu.memory_space<vmem>>, vector<16xf32>,
      %get3A_315 = arith.index_cast %scan3A_287 : i32 to index
      %get3A_316 = arith.constant 64 : index
      %get3A_317 = tpu.vector_load %arg13[%get3A_315, %get3A_316] {strides = array<i32>} : memref<200x128xf32, #tpu.memory_space<vmem>>, vector<16xf32>,
      %add3A_318 = arith.addf %get3A_317, %get3A_57 : vector<16xf32>
      %swap3A_319 = arith.index_cast %scan3A_287 : i32 to index
      %swap3A_320 = arith.constant 64 : index
      %swap3A_321 = tpu.vector_load %arg13[%swap3A_319, %swap3A_320] {strides = array<i32>} : memref<200x128xf32, #tpu.memory_space<vmem>>, vector<16xf32>,
      tpu.vector_store %arg13[%swap3A_319, %swap3A_320], %add3A_318 {strides = array<i32>} : memref<200x128xf32, #tpu.memory_space<vmem>>, vector<16xf32>,
      %get3A_322 = arith.index_cast %scan3A_287 : i32 to index
      %get3A_323 = arith.constant 80 : index
      %get3A_324 = tpu.vector_load %arg13[%get3A_322, %get3A_323] {strides = array<i32>} : memref<200x128xf32, #tpu.memory_space<vmem>>, vector<16xf32>,
      %add3A_325 = arith.addf %get3A_324, %get3A_61 : vector<16xf32>
      %swap3A_326 = arith.index_cast %scan3A_287 : i32 to index
      %swap3A_327 = arith.constant 80 : index
      %swap3A_328 = tpu.vector_load %arg13[%swap3A_326, %swap3A_327] {strides = array<i32>} : memref<200x128xf32, #tpu.memory_space<vmem>>, vector<16xf32>,
      tpu.vector_store %arg13[%swap3A_326, %swap3A_327], %add3A_325 {strides = array<i32>} : memref<200x128xf32, #tpu.memory_space<vmem>>, vector<16xf32>,
      %get3A_329 = arith.index_cast %scan3A_287 : i32 to index
      %get3A_330 = arith.constant 96 : index
      %get3A_331 = tpu.vector_load %arg13[%get3A_329, %get3A_330] {strides = array<i32>} : memref<200x128xf32, #tpu.memory_space<vmem>>, vector<16xf32>,
      %add3A_332 = arith.addf %get3A_331, %get3A_65 : vector<16xf32>
      %swap3A_333 = arith.index_cast %scan3A_287 : i32 to index
      %swap3A_334 = arith.constant 96 : index
      %swap3A_335 = tpu.vector_load %arg13[%swap3A_333, %swap3A_334] {strides = array<i32>} : memref<200x128xf32, #tpu.memory_space<vmem>>, vector<16xf32>,
      tpu.vector_store %arg13[%swap3A_333, %swap3A_334], %add3A_332 {strides = array<i32>} : memref<200x128xf32, #tpu.memory_space<vmem>>, vector<16xf32>,
      %get3A_336 = arith.index_cast %scan3A_287 : i32 to index
      %get3A_337 = arith.constant 112 : index
      %get3A_338 = tpu.vector_load %arg13[%get3A_336, %get3A_337] {strides = array<i32>} : memref<200x128xf32, #tpu.memory_space<vmem>>, vector<16xf32>,
      %add3A_339 = arith.addf %get3A_338, %get3A_69 : vector<16xf32>
      %swap3A_340 = arith.index_cast %scan3A_287 : i32 to index
      %swap3A_341 = arith.constant 112 : index
      %swap3A_342 = tpu.vector_load %arg13[%swap3A_340, %swap3A_341] {strides = array<i32>} : memref<200x128xf32, #tpu.memory_space<vmem>>, vector<16xf32>,
      tpu.vector_store %arg13[%swap3A_340, %swap3A_341], %add3A_339 {strides = array<i32>} : memref<200x128xf32, #tpu.memory_space<vmem>>, vector<16xf32>,
    }
    %scan3A_113 = arith.constant 200 : i32
    %sub3A_114 = arith.constant 1.000000e+00 : f32
    %sub3A_115 = vector.broadcast %sub3A_114 : f32 to vector<16xf32>
    %sub3A_116 = arith.subf %get3A_7, %sub3A_115 : vector<16xf32>
    %abs3A = math.absf %sub3A_116 : vector<16xf32>
    %abs3A_117 = math.absf %get3A_23 : vector<16xf32>
    %add3A_118 = arith.addf %abs3A, %abs3A_117 : vector<16xf32>
    %sub3A_119 = arith.constant 1.000000e+00 : f32
    %sub3A_120 = vector.broadcast %sub3A_119 : f32 to vector<16xf32>
    %sub3A_121 = arith.subf %get3A_9, %sub3A_120 : vector<16xf32>
    %abs3A_122 = math.absf %sub3A_121 : vector<16xf32>
    %add3A_123 = arith.addf %add3A_118, %abs3A_122 : vector<16xf32>
    %abs3A_124 = math.absf %get3A_25 : vector<16xf32>
    %add3A_125 = arith.addf %add3A_123, %abs3A_124 : vector<16xf32>
    %sub3A_126 = arith.constant 1.000000e+00 : f32
    %sub3A_127 = vector.broadcast %sub3A_126 : f32 to vector<16xf32>
    %sub3A_128 = arith.subf %get3A_11, %sub3A_127 : vector<16xf32>
    %abs3A_129 = math.absf %sub3A_128 : vector<16xf32>
    %add3A_130 = arith.addf %add3A_125, %abs3A_129 : vector<16xf32>
    %abs3A_131 = math.absf %get3A_27 : vector<16xf32>
    %add3A_132 = arith.addf %add3A_130, %abs3A_131 : vector<16xf32>
    %sub3A_133 = arith.constant 1.000000e+00 : f32
    %sub3A_134 = vector.broadcast %sub3A_133 : f32 to vector<16xf32>
    %sub3A_135 = arith.subf %get3A_13, %sub3A_134 : vector<16xf32>
    %abs3A_136 = math.absf %sub3A_135 : vector<16xf32>
    %add3A_137 = arith.addf %add3A_132, %abs3A_136 : vector<16xf32>
    %abs3A_138 = math.absf %get3A_29 : vector<16xf32>
    %add3A_139 = arith.addf %add3A_137, %abs3A_138 : vector<16xf32>
    %sub3A_140 = arith.constant 1.000000e+00 : f32
    %sub3A_141 = vector.broadcast %sub3A_140 : f32 to vector<16xf32>
    %sub3A_142 = arith.subf %get3A_15, %sub3A_141 : vector<16xf32>
    %abs3A_143 = math.absf %sub3A_142 : vector<16xf32>
    %add3A_144 = arith.addf %add3A_139, %abs3A_143 : vector<16xf32>
    %abs3A_145 = math.absf %get3A_31 : vector<16xf32>
    %add3A_146 = arith.addf %add3A_144, %abs3A_145 : vector<16xf32>
    %sub3A_147 = arith.constant 1.000000e+00 : f32
    %sub3A_148 = vector.broadcast %sub3A_147 : f32 to vector<16xf32>
    %sub3A_149 = arith.subf %get3A_17, %sub3A_148 : vector<16xf32>
    %abs3A_150 = math.absf %sub3A_149 : vector<16xf32>
    %add3A_151 = arith.addf %add3A_146, %abs3A_150 : vector<16xf32>
    %abs3A_152 = math.absf %get3A_33 : vector<16xf32>
    %add3A_153 = arith.addf %add3A_151, %abs3A_152 : vector<16xf32>
    %sub3A_154 = arith.constant 1.000000e+00 : f32
    %sub3A_155 = vector.broadcast %sub3A_154 : f32 to vector<16xf32>
    %sub3A_156 = arith.subf %get3A_19, %sub3A_155 : vector<16xf32>
    %abs3A_157 = math.absf %sub3A_156 : vector<16xf32>
    %add3A_158 = arith.addf %add3A_153, %abs3A_157 : vector<16xf32>
    %abs3A_159 = math.absf %get3A_35 : vector<16xf32>
    %add3A_160 = arith.addf %add3A_158, %abs3A_159 : vector<16xf32>
    %sub3A_161 = arith.constant 1.000000e+00 : f32
    %sub3A_162 = vector.broadcast %sub3A_161 : f32 to vector<16xf32>
    %sub3A_163 = arith.subf %get3A_21, %sub3A_162 : vector<16xf32>
    %abs3A_164 = math.absf %sub3A_163 : vector<16xf32>
    %add3A_165 = arith.addf %add3A_160, %abs3A_164 : vector<16xf32>
    %abs3A_166 = math.absf %get3A_37 : vector<16xf32>
    %add3A_167 = arith.addf %add3A_165, %abs3A_166 : vector<16xf32>
    %reduce_sum3A = arith.constant true
    %reduce_sum3A_168 = vector.broadcast %reduce_sum3A : i1 to vector<16xi1>
    %reduce_sum3A_169 = tpu.scan <sum>, %add3A_167 masked %reduce_sum3A_168 : vector<16xf32>, vector<16xi1> -> vector<16xf32>
    %reduce_sum3A_170 = vector.extract %reduce_sum3A_169[15] : f32 from vector<16xf32>
    %eq3A = arith.constant 0.000000e+00 : f32
    %eq3A_171 = arith.cmpf oeq, %reduce_sum3A_170, %eq3A : f32
    %dma_start3A = arith.constant 0 : i32
    %dma_start3A_172 = arith.constant 0 : i32
    %dma_start3A_173 = arith.constant 0 : i32
    %dma_start3A_174 = arith.constant 0 : i32
    %dma_start3A_175 = arith.constant 0 : i32
    %dma_start3A_176 = tpu.memref_slice %arg12[%dma_start3A_172, %dma_start3A_174, %dma_start3A_175] : memref<3x200x128xf32, #tpu.memory_space<vmem>> -> memref<1x100x128xf32, #tpu.memory_space<vmem>>
    %dma_start3A_177 = tpu.memref_squeeze %dma_start3A_176 : memref<1x100x128xf32, #tpu.memory_space<vmem>> -> memref<100x128xf32, #tpu.memory_space<vmem>>
    %dma_start3A_178 = arith.constant 0 : i32
    %dma_start3A_179 = tpu.memref_slice %arg10[%dma_start3A, %dma_start3A_178] : memref<64x100xi32, #tpu.memory_space<vmem>> -> memref<1x100xi32, #tpu.memory_space<vmem>>
    %dma_start3A_180 = tpu.memref_squeeze %dma_start3A_179 : memref<1x100xi32, #tpu.memory_space<vmem>> -> memref<100xi32, #tpu.memory_space<vmem>>
    %dma_start3A_181 = arith.constant 0 : i32
    %dma_start3A_182 = arith.constant 0 : i32
    %dma_start3A_183 = tpu.memref_slice %arg4[%dma_start3A_181, %dma_start3A_182] : memref<100000x128xf32, #tpu.memory_space<hbm>> -> memref<100000x128xf32, #tpu.memory_space<hbm>>
    %dma_start3A_184 = tpu.memref_slice %arg17[%dma_start3A_173] : memref<3x!tpu.dma_semaphore, #tpu.memory_space<semaphore_mem>> -> memref<1x!tpu.dma_semaphore, #tpu.memory_space<semaphore_mem>>
    %dma_start3A_185 = tpu.memref_squeeze %dma_start3A_184 : memref<1x!tpu.dma_semaphore, #tpu.memory_space<semaphore_mem>> -> memref<!tpu.dma_semaphore, #tpu.memory_space<semaphore_mem>>
    tpu.enqueue_indirect_dma source(%dma_start3A_183 : memref<100000x128xf32, #tpu.memory_space<hbm>>) target(%dma_start3A_177 : memref<100x128xf32, #tpu.memory_space<vmem>>) offsets(%dma_start3A_180 : memref<100xi32, #tpu.memory_space<vmem>>) semaphore(%dma_start3A_185 : memref<!tpu.dma_semaphore, #tpu.memory_space<semaphore_mem>>)
    %dma_start3A_186 = arith.constant 1 : i32
    %dma_start3A_187 = arith.constant 0 : i32
    %dma_start3A_188 = arith.constant 0 : i32
    %dma_start3A_189 = arith.constant 100 : i32
    %dma_start3A_190 = arith.constant 0 : i32
    %dma_start3A_191 = tpu.memref_slice %arg12[%dma_start3A_187, %dma_start3A_189, %dma_start3A_190] : memref<3x200x128xf32, #tpu.memory_space<vmem>> -> memref<1x100x128xf32, #tpu.memory_space<vmem>>
    %dma_start3A_192 = tpu.memref_squeeze %dma_start3A_191 : memref<1x100x128xf32, #tpu.memory_space<vmem>> -> memref<100x128xf32, #tpu.memory_space<vmem>>
    %dma_start3A_193 = arith.constant 0 : i32
    %dma_start3A_194 = tpu.memref_slice %arg10[%dma_start3A_186, %dma_start3A_193] : memref<64x100xi32, #tpu.memory_space<vmem>> -> memref<1x100xi32, #tpu.memory_space<vmem>>
    %dma_start3A_195 = tpu.memref_squeeze %dma_start3A_194 : memref<1x100xi32, #tpu.memory_space<vmem>> -> memref<100xi32, #tpu.memory_space<vmem>>
    %dma_start3A_196 = arith.constant 0 : i32
    %dma_start3A_197 = arith.constant 0 : i32
    %dma_start3A_198 = tpu.memref_slice %arg4[%dma_start3A_196, %dma_start3A_197] : memref<100000x128xf32, #tpu.memory_space<hbm>> -> memref<100000x128xf32, #tpu.memory_space<hbm>>
    %dma_start3A_199 = tpu.memref_slice %arg17[%dma_start3A_188] : memref<3x!tpu.dma_semaphore, #tpu.memory_space<semaphore_mem>> -> memref<1x!tpu.dma_semaphore, #tpu.memory_space<semaphore_mem>>
    %dma_start3A_200 = tpu.memref_squeeze %dma_start3A_199 : memref<1x!tpu.dma_semaphore, #tpu.memory_space<semaphore_mem>> -> memref<!tpu.dma_semaphore, #tpu.memory_space<semaphore_mem>>
    tpu.enqueue_indirect_dma source(%dma_start3A_198 : memref<100000x128xf32, #tpu.memory_space<hbm>>) target(%dma_start3A_192 : memref<100x128xf32, #tpu.memory_space<vmem>>) offsets(%dma_start3A_195 : memref<100xi32, #tpu.memory_space<vmem>>) semaphore(%dma_start3A_200 : memref<!tpu.dma_semaphore, #tpu.memory_space<semaphore_mem>>)
    %dma_start3A_201 = arith.constant 2 : i32
    %dma_start3A_202 = arith.constant 1 : i32
    %dma_start3A_203 = arith.constant 1 : i32
    %dma_start3A_204 = arith.constant 0 : i32
    %dma_start3A_205 = arith.constant 0 : i32
    %dma_start3A_206 = tpu.memref_slice %arg12[%dma_start3A_202, %dma_start3A_204, %dma_start3A_205] : memref<3x200x128xf32, #tpu.memory_space<vmem>> -> memref<1x100x128xf32, #tpu.memory_space<vmem>>
    %dma_start3A_207 = tpu.memref_squeeze %dma_start3A_206 : memref<1x100x128xf32, #tpu.memory_space<vmem>> -> memref<100x128xf32, #tpu.memory_space<vmem>>
    %dma_start3A_208 = arith.constant 0 : i32
    %dma_start3A_209 = tpu.memref_slice %arg10[%dma_start3A_201, %dma_start3A_208] : memref<64x100xi32, #tpu.memory_space<vmem>> -> memref<1x100xi32, #tpu.memory_space<vmem>>
    %dma_start3A_210 = tpu.memref_squeeze %dma_start3A_209 : memref<1x100xi32, #tpu.memory_space<vmem>> -> memref<100xi32, #tpu.memory_space<vmem>>
    %dma_start3A_211 = arith.constant 0 : i32
    %dma_start3A_212 = arith.constant 0 : i32
    %dma_start3A_213 = tpu.memref_slice %arg4[%dma_start3A_211, %dma_start3A_212] : memref<100000x128xf32, #tpu.memory_space<hbm>> -> memref<100000x128xf32, #tpu.memory_space<hbm>>
    %dma_start3A_214 = tpu.memref_slice %arg17[%dma_start3A_203] : memref<3x!tpu.dma_semaphore, #tpu.memory_space<semaphore_mem>> -> memref<1x!tpu.dma_semaphore, #tpu.memory_space<semaphore_mem>>
    %dma_start3A_215 = tpu.memref_squeeze %dma_start3A_214 : memref<1x!tpu.dma_semaphore, #tpu.memory_space<semaphore_mem>> -> memref<!tpu.dma_semaphore, #tpu.memory_space<semaphore_mem>>
    tpu.enqueue_indirect_dma source(%dma_start3A_213 : memref<100000x128xf32, #tpu.memory_space<hbm>>) target(%dma_start3A_207 : memref<100x128xf32, #tpu.memory_space<vmem>>) offsets(%dma_start3A_210 : memref<100xi32, #tpu.memory_space<vmem>>) semaphore(%dma_start3A_215 : memref<!tpu.dma_semaphore, #tpu.memory_space<semaphore_mem>>)
    %dma_start3A_216 = arith.constant 3 : i32
    %dma_start3A_217 = arith.constant 1 : i32
    %dma_start3A_218 = arith.constant 1 : i32
    %dma_start3A_219 = arith.constant 100 : i32
    %dma_start3A_220 = arith.constant 0 : i32
    %dma_start3A_221 = tpu.memref_slice %arg12[%dma_start3A_217, %dma_start3A_219, %dma_start3A_220] : memref<3x200x128xf32, #tpu.memory_space<vmem>> -> memref<1x100x128xf32, #tpu.memory_space<vmem>>
    %dma_start3A_222 = tpu.memref_squeeze %dma_start3A_221 : memref<1x100x128xf32, #tpu.memory_space<vmem>> -> memref<100x128xf32, #tpu.memory_space<vmem>>
    %dma_start3A_223 = arith.constant 0 : i32
    %dma_start3A_224 = tpu.memref_slice %arg10[%dma_start3A_216, %dma_start3A_223] : memref<64x100xi32, #tpu.memory_space<vmem>> -> memref<1x100xi32, #tpu.memory_space<vmem>>
    %dma_start3A_225 = tpu.memref_squeeze %dma_start3A_224 : memref<1x100xi32, #tpu.memory_space<vmem>> -> memref<100xi32, #tpu.memory_space<vmem>>
    %dma_start3A_226 = arith.constant 0 : i32
    %dma_start3A_227 = arith.constant 0 : i32
    %dma_start3A_228 = tpu.memref_slice %arg4[%dma_start3A_226, %dma_start3A_227] : memref<100000x128xf32, #tpu.memory_space<hbm>> -> memref<100000x128xf32, #tpu.memory_space<hbm>>
    %dma_start3A_229 = tpu.memref_slice %arg17[%dma_start3A_218] : memref<3x!tpu.dma_semaphore, #tpu.memory_space<semaphore_mem>> -> memref<1x!tpu.dma_semaphore, #tpu.memory_space<semaphore_mem>>
    %dma_start3A_230 = tpu.memref_squeeze %dma_start3A_229 : memref<1x!tpu.dma_semaphore, #tpu.memory_space<semaphore_mem>> -> memref<!tpu.dma_semaphore, #tpu.memory_space<semaphore_mem>>
    tpu.enqueue_indirect_dma source(%dma_start3A_228 : memref<100000x128xf32, #tpu.memory_space<hbm>>) target(%dma_start3A_222 : memref<100x128xf32, #tpu.memory_space<vmem>>) offsets(%dma_start3A_225 : memref<100xi32, #tpu.memory_space<vmem>>) semaphore(%dma_start3A_230 : memref<!tpu.dma_semaphore, #tpu.memory_space<semaphore_mem>>)
    %scan3A_231 = arith.constant 0 : i32
    %scan3A_232 = arith.constant 0 : i32
    %scan3A_233 = arith.constant 32 : i32
    %scan3A_234 = arith.addi %scan3A_232, %scan3A_233 : i32
    %scan3A_235 = arith.constant 1 : i32
    scf.for %scan3A_287 = %scan3A_232 to %scan3A_234 step %scan3A_235  : i32 {
      %jit3A = arith.constant 3 : i32
      %eq3A_288 = arith.constant 0 : i32
      %eq3A_289 = arith.cmpi eq, %jit3A, %eq3A_288 : i32
      %jit3A_290 = arith.constant 1 : i32
      %select_n3A = arith.select %eq3A_289, %jit3A_290, %jit3A : i32
      %rem3A = arith.remsi %scan3A_287, %select_n3A : i32
      %ne3A = arith.constant 0 : i32
      %ne3A_291 = arith.cmpi ne, %rem3A, %ne3A : i32
      %lt3A = arith.constant 0 : i32
      %lt3A_292 = arith.cmpi slt, %rem3A, %lt3A : i32
      %lt3A_293 = arith.constant 0 : i32
      %lt3A_294 = arith.cmpi slt, %select_n3A, %lt3A_293 : i32
      %ne3A_295 = arith.xori %lt3A_292, %lt3A_294 : i1
      %and3A = arith.andi %ne3A_295, %ne3A_291 : i1
      %add3A_296 = arith.addi %rem3A, %select_n3A : i32
      %select_n3A_297 = arith.select %and3A, %add3A_296, %rem3A : i32
      %mul3A_298 = arith.constant 2 : i32
      %mul3A_299 = arith.muli %mul3A_298, %scan3A_287 : i32
      %add3A_300 = arith.constant 0 : i32
      %add3A_301 = arith.addi %mul3A_299, %add3A_300 : i32
      %dma_wait3A_302 = arith.constant 0 : i32
      %dma_wait3A_303 = arith.constant 0 : i32
      %dma_wait3A_304 = tpu.memref_slice %arg12[%select_n3A_297, %dma_wait3A_302, %dma_wait3A_303] : memref<3x200x128xf32, #tpu.memory_space<vmem>> -> memref<1x100x128xf32, #tpu.memory_space<vmem>>
      %dma_wait3A_305 = tpu.memref_squeeze %dma_wait3A_304 : memref<1x100x128xf32, #tpu.memory_space<vmem>> -> memref<100x128xf32, #tpu.memory_space<vmem>>
      %dma_wait3A_306 = arith.constant 0 : i32
      %dma_wait3A_307 = tpu.memref_slice %arg10[%add3A_301, %dma_wait3A_306] : memref<64x100xi32, #tpu.memory_space<vmem>> -> memref<1x100xi32, #tpu.memory_space<vmem>>
      %dma_wait3A_308 = tpu.memref_squeeze %dma_wait3A_307 : memref<1x100xi32, #tpu.memory_space<vmem>> -> memref<100xi32, #tpu.memory_space<vmem>>
      %dma_wait3A_309 = arith.constant 0 : i32
      %dma_wait3A_310 = arith.constant 0 : i32
      %dma_wait3A_311 = tpu.memref_slice %arg4[%dma_wait3A_309, %dma_wait3A_310] : memref<100000x128xf32, #tpu.memory_space<hbm>> -> memref<100000x128xf32, #tpu.memory_space<hbm>>
      %dma_wait3A_312 = tpu.memref_slice %arg17[%select_n3A_297] : memref<3x!tpu.dma_semaphore, #tpu.memory_space<semaphore_mem>> -> memref<1x!tpu.dma_semaphore, #tpu.memory_space<semaphore_mem>>
      %dma_wait3A_313 = tpu.memref_squeeze %dma_wait3A_312 : memref<1x!tpu.dma_semaphore, #tpu.memory_space<semaphore_mem>> -> memref<!tpu.dma_semaphore, #tpu.memory_space<semaphore_mem>>
      tpu.wait_indirect_dma semaphore(%dma_wait3A_313 : memref<!tpu.dma_semaphore, #tpu.memory_space<semaphore_mem>>) src(%dma_wait3A_311 : memref<100000x128xf32, #tpu.memory_space<hbm>>) dst(%dma_wait3A_305 : memref<100x128xf32, #tpu.memory_space<vmem>>)
      %mul3A_314 = arith.constant 2 : i32
      %mul3A_315 = arith.muli %mul3A_314, %scan3A_287 : i32
      %add3A_316 = arith.constant 1 : i32
      %add3A_317 = arith.addi %mul3A_315, %add3A_316 : i32
      %dma_wait3A_318 = arith.constant 100 : i32
      %dma_wait3A_319 = arith.constant 0 : i32
      %dma_wait3A_320 = tpu.memref_slice %arg12[%select_n3A_297, %dma_wait3A_318, %dma_wait3A_319] : memref<3x200x128xf32, #tpu.memory_space<vmem>> -> memref<1x100x128xf32, #tpu.memory_space<vmem>>
      %dma_wait3A_321 = tpu.memref_squeeze %dma_wait3A_320 : memref<1x100x128xf32, #tpu.memory_space<vmem>> -> memref<100x128xf32, #tpu.memory_space<vmem>>
      %dma_wait3A_322 = arith.constant 0 : i32
      %dma_wait3A_323 = tpu.memref_slice %arg10[%add3A_317, %dma_wait3A_322] : memref<64x100xi32, #tpu.memory_space<vmem>> -> memref<1x100xi32, #tpu.memory_space<vmem>>
      %dma_wait3A_324 = tpu.memref_squeeze %dma_wait3A_323 : memref<1x100xi32, #tpu.memory_space<vmem>> -> memref<100xi32, #tpu.memory_space<vmem>>
      %dma_wait3A_325 = arith.constant 0 : i32
      %dma_wait3A_326 = arith.constant 0 : i32
      %dma_wait3A_327 = tpu.memref_slice %arg4[%dma_wait3A_325, %dma_wait3A_326] : memref<100000x128xf32, #tpu.memory_space<hbm>> -> memref<100000x128xf32, #tpu.memory_space<hbm>>
      %dma_wait3A_328 = tpu.memref_slice %arg17[%select_n3A_297] : memref<3x!tpu.dma_semaphore, #tpu.memory_space<semaphore_mem>> -> memref<1x!tpu.dma_semaphore, #tpu.memory_space<semaphore_mem>>
      %dma_wait3A_329 = tpu.memref_squeeze %dma_wait3A_328 : memref<1x!tpu.dma_semaphore, #tpu.memory_space<semaphore_mem>> -> memref<!tpu.dma_semaphore, #tpu.memory_space<semaphore_mem>>
      tpu.wait_indirect_dma semaphore(%dma_wait3A_329 : memref<!tpu.dma_semaphore, #tpu.memory_space<semaphore_mem>>) src(%dma_wait3A_327 : memref<100000x128xf32, #tpu.memory_space<hbm>>) dst(%dma_wait3A_321 : memref<100x128xf32, #tpu.memory_space<vmem>>)
      %mul3A_330 = arith.constant 2 : i32
      %mul3A_331 = arith.muli %mul3A_330, %scan3A_287 : i32
      %add3A_332 = arith.constant 0 : i32
      %add3A_333 = arith.addi %mul3A_331, %add3A_332 : i32
      %convert_element_type3A = arith.extui %eq3A_171 : i1 to i32
      %cond3A = arith.constant 0 : i32
      %cond3A_334 = arith.cmpi ne, %convert_element_type3A, %cond3A : i32
      scf.if %cond3A_334 {
        %parallel_loop3A = arith.constant 0 : i32
        %parallel_loop3A_395 = arith.constant 100 : i32
        %parallel_loop3A_396 = arith.constant 1 : i32
        scf.for %parallel_loop3A_397 = %parallel_loop3A to %parallel_loop3A_395 step %parallel_loop3A_396  : i32 {
          %parallel_loop3A_398 = vector.broadcast %parallel_loop3A_397 : i32 to vector<16xi32>
          %parallel_loop3A_399 = arith.constant 0 : i32
          %parallel_loop3A_400 = tpu.memref_slice %arg11[%add3A_333, %parallel_loop3A_399] : memref<64x100xi32, #tpu.memory_space<vmem>> -> memref<1x100xi32, #tpu.memory_space<vmem>>
          %parallel_loop3A_401 = tpu.memref_squeeze %parallel_loop3A_400 : memref<1x100xi32, #tpu.memory_space<vmem>> -> memref<100xi32, #tpu.memory_space<vmem>>
          %parallel_loop3A_402 = tpu.vector_load_idx %parallel_loop3A_401[%parallel_loop3A_398] : memref<100xi32, #tpu.memory_space<vmem>>[vector<16xi32>], vector<16xi32>,
          %parallel_loop3A_403 = arith.sitofp %parallel_loop3A_402 : vector<16xi32> to vector<16xf32>
          %parallel_loop3A_404 = arith.constant 0 : i32
          %parallel_loop3A_405 = arith.addi %parallel_loop3A_404, %parallel_loop3A_397 : i32
          %parallel_loop3A_406 = arith.constant 0 : i32
          %parallel_loop3A_407 = arith.constant 0 : i32
          %parallel_loop3A_408 = tpu.memref_slice %arg12[%select_n3A_297, %parallel_loop3A_406, %parallel_loop3A_407] : memref<3x200x128xf32, #tpu.memory_space<vmem>> -> memref<1x200x128xf32, #tpu.memory_space<vmem>>
          %parallel_loop3A_409 = tpu.memref_squeeze %parallel_loop3A_408 : memref<1x200x128xf32, #tpu.memory_space<vmem>> -> memref<200x128xf32, #tpu.memory_space<vmem>>
          %parallel_loop3A_410 = arith.index_cast %parallel_loop3A_405 : i32 to index
          %parallel_loop3A_411 = arith.constant 0 : index
          %parallel_loop3A_412 = tpu.vector_load %parallel_loop3A_409[%parallel_loop3A_410, %parallel_loop3A_411] {strides = array<i32>} : memref<200x128xf32, #tpu.memory_space<vmem>>, vector<16xf32>,
          %parallel_loop3A_413 = arith.constant 0 : i32
          %parallel_loop3A_414 = arith.addi %parallel_loop3A_413, %parallel_loop3A_397 : i32
          %parallel_loop3A_415 = arith.index_cast %parallel_loop3A_414 : i32 to index
          %parallel_loop3A_416 = arith.constant 0 : index
          %parallel_loop3A_417 = tpu.vector_load %arg13[%parallel_loop3A_415, %parallel_loop3A_416] {strides = array<i32>} : memref<200x128xf32, #tpu.memory_space<vmem>>, vector<16xf32>,
          %parallel_loop3A_418 = arith.addf %parallel_loop3A_412, %parallel_loop3A_417 : vector<16xf32>
          %parallel_loop3A_419 = arith.mulf %parallel_loop3A_403, %sub3A : vector<16xf32>
          %parallel_loop3A_420 = arith.addf %parallel_loop3A_418, %parallel_loop3A_419 : vector<16xf32>
          %parallel_loop3A_421 = arith.constant 0 : i32
          %parallel_loop3A_422 = arith.addi %parallel_loop3A_421, %parallel_loop3A_397 : i32
          %parallel_loop3A_423 = arith.constant 0 : i32
          %parallel_loop3A_424 = arith.constant 0 : i32
          %parallel_loop3A_425 = tpu.memref_slice %arg12[%select_n3A_297, %parallel_loop3A_423, %parallel_loop3A_424] : memref<3x200x128xf32, #tpu.memory_space<vmem>> -> memref<1x200x128xf32, #tpu.memory_space<vmem>>
          %parallel_loop3A_426 = tpu.memref_squeeze %parallel_loop3A_425 : memref<1x200x128xf32, #tpu.memory_space<vmem>> -> memref<200x128xf32, #tpu.memory_space<vmem>>
          %parallel_loop3A_427 = arith.index_cast %parallel_loop3A_422 : i32 to index
          %parallel_loop3A_428 = arith.constant 16 : index
          %parallel_loop3A_429 = tpu.vector_load %parallel_loop3A_426[%parallel_loop3A_427, %parallel_loop3A_428] {strides = array<i32>} : memref<200x128xf32, #tpu.memory_space<vmem>>, vector<16xf32>,
          %parallel_loop3A_430 = arith.constant 0 : i32
          %parallel_loop3A_431 = arith.addi %parallel_loop3A_430, %parallel_loop3A_397 : i32
          %parallel_loop3A_432 = arith.index_cast %parallel_loop3A_431 : i32 to index
          %parallel_loop3A_433 = arith.constant 16 : index
          %parallel_loop3A_434 = tpu.vector_load %arg13[%parallel_loop3A_432, %parallel_loop3A_433] {strides = array<i32>} : memref<200x128xf32, #tpu.memory_space<vmem>>, vector<16xf32>,
          %parallel_loop3A_435 = arith.addf %parallel_loop3A_429, %parallel_loop3A_434 : vector<16xf32>
          %parallel_loop3A_436 = arith.mulf %parallel_loop3A_403, %sub3A_78 : vector<16xf32>
          %parallel_loop3A_437 = arith.addf %parallel_loop3A_435, %parallel_loop3A_436 : vector<16xf32>
          %parallel_loop3A_438 = arith.constant 0 : i32
          %parallel_loop3A_439 = arith.addi %parallel_loop3A_438, %parallel_loop3A_397 : i32
          %parallel_loop3A_440 = arith.constant 0 : i32
          %parallel_loop3A_441 = arith.constant 0 : i32
          %parallel_loop3A_442 = tpu.memref_slice %arg12[%select_n3A_297, %parallel_loop3A_440, %parallel_loop3A_441] : memref<3x200x128xf32, #tpu.memory_space<vmem>> -> memref<1x200x128xf32, #tpu.memory_space<vmem>>
          %parallel_loop3A_443 = tpu.memref_squeeze %parallel_loop3A_442 : memref<1x200x128xf32, #tpu.memory_space<vmem>> -> memref<200x128xf32, #tpu.memory_space<vmem>>
          %parallel_loop3A_444 = arith.index_cast %parallel_loop3A_439 : i32 to index
          %parallel_loop3A_445 = arith.constant 32 : index
          %parallel_loop3A_446 = tpu.vector_load %parallel_loop3A_443[%parallel_loop3A_444, %parallel_loop3A_445] {strides = array<i32>} : memref<200x128xf32, #tpu.memory_space<vmem>>, vector<16xf32>,
          %parallel_loop3A_447 = arith.constant 0 : i32
          %parallel_loop3A_448 = arith.addi %parallel_loop3A_447, %parallel_loop3A_397 : i32
          %parallel_loop3A_449 = arith.index_cast %parallel_loop3A_448 : i32 to index
          %parallel_loop3A_450 = arith.constant 32 : index
          %parallel_loop3A_451 = tpu.vector_load %arg13[%parallel_loop3A_449, %parallel_loop3A_450] {strides = array<i32>} : memref<200x128xf32, #tpu.memory_space<vmem>>, vector<16xf32>,
          %parallel_loop3A_452 = arith.addf %parallel_loop3A_446, %parallel_loop3A_451 : vector<16xf32>
          %parallel_loop3A_453 = arith.mulf %parallel_loop3A_403, %sub3A_83 : vector<16xf32>
          %parallel_loop3A_454 = arith.addf %parallel_loop3A_452, %parallel_loop3A_453 : vector<16xf32>
          %parallel_loop3A_455 = arith.constant 0 : i32
          %parallel_loop3A_456 = arith.addi %parallel_loop3A_455, %parallel_loop3A_397 : i32
          %parallel_loop3A_457 = arith.constant 0 : i32
          %parallel_loop3A_458 = arith.constant 0 : i32
          %parallel_loop3A_459 = tpu.memref_slice %arg12[%select_n3A_297, %parallel_loop3A_457, %parallel_loop3A_458] : memref<3x200x128xf32, #tpu.memory_space<vmem>> -> memref<1x200x128xf32, #tpu.memory_space<vmem>>
          %parallel_loop3A_460 = tpu.memref_squeeze %parallel_loop3A_459 : memref<1x200x128xf32, #tpu.memory_space<vmem>> -> memref<200x128xf32, #tpu.memory_space<vmem>>
          %parallel_loop3A_461 = arith.index_cast %parallel_loop3A_456 : i32 to index
          %parallel_loop3A_462 = arith.constant 48 : index
          %parallel_loop3A_463 = tpu.vector_load %parallel_loop3A_460[%parallel_loop3A_461, %parallel_loop3A_462] {strides = array<i32>} : memref<200x128xf32, #tpu.memory_space<vmem>>, vector<16xf32>,
          %parallel_loop3A_464 = arith.constant 0 : i32
          %parallel_loop3A_465 = arith.addi %parallel_loop3A_464, %parallel_loop3A_397 : i32
          %parallel_loop3A_466 = arith.index_cast %parallel_loop3A_465 : i32 to index
          %parallel_loop3A_467 = arith.constant 48 : index
          %parallel_loop3A_468 = tpu.vector_load %arg13[%parallel_loop3A_466, %parallel_loop3A_467] {strides = array<i32>} : memref<200x128xf32, #tpu.memory_space<vmem>>, vector<16xf32>,
          %parallel_loop3A_469 = arith.addf %parallel_loop3A_463, %parallel_loop3A_468 : vector<16xf32>
          %parallel_loop3A_470 = arith.mulf %parallel_loop3A_403, %sub3A_88 : vector<16xf32>
          %parallel_loop3A_471 = arith.addf %parallel_loop3A_469, %parallel_loop3A_470 : vector<16xf32>
          %parallel_loop3A_472 = arith.constant 0 : i32
          %parallel_loop3A_473 = arith.addi %parallel_loop3A_472, %parallel_loop3A_397 : i32
          %parallel_loop3A_474 = arith.constant 0 : i32
          %parallel_loop3A_475 = arith.constant 0 : i32
          %parallel_loop3A_476 = tpu.memref_slice %arg12[%select_n3A_297, %parallel_loop3A_474, %parallel_loop3A_475] : memref<3x200x128xf32, #tpu.memory_space<vmem>> -> memref<1x200x128xf32, #tpu.memory_space<vmem>>
          %parallel_loop3A_477 = tpu.memref_squeeze %parallel_loop3A_476 : memref<1x200x128xf32, #tpu.memory_space<vmem>> -> memref<200x128xf32, #tpu.memory_space<vmem>>
          %parallel_loop3A_478 = arith.index_cast %parallel_loop3A_473 : i32 to index
          %parallel_loop3A_479 = arith.constant 64 : index
          %parallel_loop3A_480 = tpu.vector_load %parallel_loop3A_477[%parallel_loop3A_478, %parallel_loop3A_479] {strides = array<i32>} : memref<200x128xf32, #tpu.memory_space<vmem>>, vector<16xf32>,
          %parallel_loop3A_481 = arith.constant 0 : i32
          %parallel_loop3A_482 = arith.addi %parallel_loop3A_481, %parallel_loop3A_397 : i32
          %parallel_loop3A_483 = arith.index_cast %parallel_loop3A_482 : i32 to index
          %parallel_loop3A_484 = arith.constant 64 : index
          %parallel_loop3A_485 = tpu.vector_load %arg13[%parallel_loop3A_483, %parallel_loop3A_484] {strides = array<i32>} : memref<200x128xf32, #tpu.memory_space<vmem>>, vector<16xf32>,
          %parallel_loop3A_486 = arith.addf %parallel_loop3A_480, %parallel_loop3A_485 : vector<16xf32>
          %parallel_loop3A_487 = arith.mulf %parallel_loop3A_403, %sub3A_93 : vector<16xf32>
          %parallel_loop3A_488 = arith.addf %parallel_loop3A_486, %parallel_loop3A_487 : vector<16xf32>
          %parallel_loop3A_489 = arith.constant 0 : i32
          %parallel_loop3A_490 = arith.addi %parallel_loop3A_489, %parallel_loop3A_397 : i32
          %parallel_loop3A_491 = arith.constant 0 : i32
          %parallel_loop3A_492 = arith.constant 0 : i32
          %parallel_loop3A_493 = tpu.memref_slice %arg12[%select_n3A_297, %parallel_loop3A_491, %parallel_loop3A_492] : memref<3x200x128xf32, #tpu.memory_space<vmem>> -> memref<1x200x128xf32, #tpu.memory_space<vmem>>
          %parallel_loop3A_494 = tpu.memref_squeeze %parallel_loop3A_493 : memref<1x200x128xf32, #tpu.memory_space<vmem>> -> memref<200x128xf32, #tpu.memory_space<vmem>>
          %parallel_loop3A_495 = arith.index_cast %parallel_loop3A_490 : i32 to index
          %parallel_loop3A_496 = arith.constant 80 : index
          %parallel_loop3A_497 = tpu.vector_load %parallel_loop3A_494[%parallel_loop3A_495, %parallel_loop3A_496] {strides = array<i32>} : memref<200x128xf32, #tpu.memory_space<vmem>>, vector<16xf32>,
          %parallel_loop3A_498 = arith.constant 0 : i32
          %parallel_loop3A_499 = arith.addi %parallel_loop3A_498, %parallel_loop3A_397 : i32
          %parallel_loop3A_500 = arith.index_cast %parallel_loop3A_499 : i32 to index
          %parallel_loop3A_501 = arith.constant 80 : index
          %parallel_loop3A_502 = tpu.vector_load %arg13[%parallel_loop3A_500, %parallel_loop3A_501] {strides = array<i32>} : memref<200x128xf32, #tpu.memory_space<vmem>>, vector<16xf32>,
          %parallel_loop3A_503 = arith.addf %parallel_loop3A_497, %parallel_loop3A_502 : vector<16xf32>
          %parallel_loop3A_504 = arith.mulf %parallel_loop3A_403, %sub3A_98 : vector<16xf32>
          %parallel_loop3A_505 = arith.addf %parallel_loop3A_503, %parallel_loop3A_504 : vector<16xf32>
          %parallel_loop3A_506 = arith.constant 0 : i32
          %parallel_loop3A_507 = arith.addi %parallel_loop3A_506, %parallel_loop3A_397 : i32
          %parallel_loop3A_508 = arith.constant 0 : i32
          %parallel_loop3A_509 = arith.constant 0 : i32
          %parallel_loop3A_510 = tpu.memref_slice %arg12[%select_n3A_297, %parallel_loop3A_508, %parallel_loop3A_509] : memref<3x200x128xf32, #tpu.memory_space<vmem>> -> memref<1x200x128xf32, #tpu.memory_space<vmem>>
          %parallel_loop3A_511 = tpu.memref_squeeze %parallel_loop3A_510 : memref<1x200x128xf32, #tpu.memory_space<vmem>> -> memref<200x128xf32, #tpu.memory_space<vmem>>
          %parallel_loop3A_512 = arith.index_cast %parallel_loop3A_507 : i32 to index
          %parallel_loop3A_513 = arith.constant 96 : index
          %parallel_loop3A_514 = tpu.vector_load %parallel_loop3A_511[%parallel_loop3A_512, %parallel_loop3A_513] {strides = array<i32>} : memref<200x128xf32, #tpu.memory_space<vmem>>, vector<16xf32>,
          %parallel_loop3A_515 = arith.constant 0 : i32
          %parallel_loop3A_516 = arith.addi %parallel_loop3A_515, %parallel_loop3A_397 : i32
          %parallel_loop3A_517 = arith.index_cast %parallel_loop3A_516 : i32 to index
          %parallel_loop3A_518 = arith.constant 96 : index
          %parallel_loop3A_519 = tpu.vector_load %arg13[%parallel_loop3A_517, %parallel_loop3A_518] {strides = array<i32>} : memref<200x128xf32, #tpu.memory_space<vmem>>, vector<16xf32>,
          %parallel_loop3A_520 = arith.addf %parallel_loop3A_514, %parallel_loop3A_519 : vector<16xf32>
          %parallel_loop3A_521 = arith.mulf %parallel_loop3A_403, %sub3A_103 : vector<16xf32>
          %parallel_loop3A_522 = arith.addf %parallel_loop3A_520, %parallel_loop3A_521 : vector<16xf32>
          %parallel_loop3A_523 = arith.constant 0 : i32
          %parallel_loop3A_524 = arith.addi %parallel_loop3A_523, %parallel_loop3A_397 : i32
          %parallel_loop3A_525 = arith.constant 0 : i32
          %parallel_loop3A_526 = arith.constant 0 : i32
          %parallel_loop3A_527 = tpu.memref_slice %arg12[%select_n3A_297, %parallel_loop3A_525, %parallel_loop3A_526] : memref<3x200x128xf32, #tpu.memory_space<vmem>> -> memref<1x200x128xf32, #tpu.memory_space<vmem>>
          %parallel_loop3A_528 = tpu.memref_squeeze %parallel_loop3A_527 : memref<1x200x128xf32, #tpu.memory_space<vmem>> -> memref<200x128xf32, #tpu.memory_space<vmem>>
          %parallel_loop3A_529 = arith.index_cast %parallel_loop3A_524 : i32 to index
          %parallel_loop3A_530 = arith.constant 112 : index
          %parallel_loop3A_531 = tpu.vector_load %parallel_loop3A_528[%parallel_loop3A_529, %parallel_loop3A_530] {strides = array<i32>} : memref<200x128xf32, #tpu.memory_space<vmem>>, vector<16xf32>,
          %parallel_loop3A_532 = arith.constant 0 : i32
          %parallel_loop3A_533 = arith.addi %parallel_loop3A_532, %parallel_loop3A_397 : i32
          %parallel_loop3A_534 = arith.index_cast %parallel_loop3A_533 : i32 to index
          %parallel_loop3A_535 = arith.constant 112 : index
          %parallel_loop3A_536 = tpu.vector_load %arg13[%parallel_loop3A_534, %parallel_loop3A_535] {strides = array<i32>} : memref<200x128xf32, #tpu.memory_space<vmem>>, vector<16xf32>,
          %parallel_loop3A_537 = arith.addf %parallel_loop3A_531, %parallel_loop3A_536 : vector<16xf32>
          %parallel_loop3A_538 = arith.mulf %parallel_loop3A_403, %sub3A_108 : vector<16xf32>
          %parallel_loop3A_539 = arith.addf %parallel_loop3A_537, %parallel_loop3A_538 : vector<16xf32>
          %parallel_loop3A_540 = arith.addf %parallel_loop3A_420, %parallel_loop3A_437 : vector<16xf32>
          %parallel_loop3A_541 = arith.addf %parallel_loop3A_454, %parallel_loop3A_471 : vector<16xf32>
          %parallel_loop3A_542 = arith.addf %parallel_loop3A_540, %parallel_loop3A_541 : vector<16xf32>
          %parallel_loop3A_543 = arith.addf %parallel_loop3A_488, %parallel_loop3A_505 : vector<16xf32>
          %parallel_loop3A_544 = arith.addf %parallel_loop3A_522, %parallel_loop3A_539 : vector<16xf32>
          %parallel_loop3A_545 = arith.addf %parallel_loop3A_543, %parallel_loop3A_544 : vector<16xf32>
          %parallel_loop3A_546 = arith.addf %parallel_loop3A_542, %parallel_loop3A_545 : vector<16xf32>
          %parallel_loop3A_547 = arith.mulf %parallel_loop3A_420, %parallel_loop3A_420 : vector<16xf32>
          %parallel_loop3A_548 = arith.mulf %parallel_loop3A_437, %parallel_loop3A_437 : vector<16xf32>
          %parallel_loop3A_549 = arith.mulf %parallel_loop3A_454, %parallel_loop3A_454 : vector<16xf32>
          %parallel_loop3A_550 = arith.mulf %parallel_loop3A_471, %parallel_loop3A_471 : vector<16xf32>
          %parallel_loop3A_551 = arith.mulf %parallel_loop3A_488, %parallel_loop3A_488 : vector<16xf32>
          %parallel_loop3A_552 = arith.mulf %parallel_loop3A_505, %parallel_loop3A_505 : vector<16xf32>
          %parallel_loop3A_553 = arith.mulf %parallel_loop3A_522, %parallel_loop3A_522 : vector<16xf32>
          %parallel_loop3A_554 = arith.mulf %parallel_loop3A_539, %parallel_loop3A_539 : vector<16xf32>
          %parallel_loop3A_555 = arith.addf %parallel_loop3A_547, %parallel_loop3A_548 : vector<16xf32>
          %parallel_loop3A_556 = arith.addf %parallel_loop3A_549, %parallel_loop3A_550 : vector<16xf32>
          %parallel_loop3A_557 = arith.addf %parallel_loop3A_555, %parallel_loop3A_556 : vector<16xf32>
          %parallel_loop3A_558 = arith.addf %parallel_loop3A_551, %parallel_loop3A_552 : vector<16xf32>
          %parallel_loop3A_559 = arith.addf %parallel_loop3A_553, %parallel_loop3A_554 : vector<16xf32>
          %parallel_loop3A_560 = arith.addf %parallel_loop3A_558, %parallel_loop3A_559 : vector<16xf32>
          %parallel_loop3A_561 = arith.addf %parallel_loop3A_557, %parallel_loop3A_560 : vector<16xf32>
          %parallel_loop3A_562 = arith.constant true
          %parallel_loop3A_563 = vector.broadcast %parallel_loop3A_562 : i1 to vector<16xi1>
          %parallel_loop3A_564 = tpu.scan <sum>, %parallel_loop3A_546 masked %parallel_loop3A_563 : vector<16xf32>, vector<16xi1> -> vector<16xf32>
          %parallel_loop3A_565 = vector.extract %parallel_loop3A_564[15] : f32 from vector<16xf32>
          %parallel_loop3A_566 = vector.broadcast %parallel_loop3A_565 : f32 to vector<16xf32>
          %parallel_loop3A_567 = arith.constant 7.812500e-03 : f32
          %parallel_loop3A_568 = vector.broadcast %parallel_loop3A_567 : f32 to vector<16xf32>
          %parallel_loop3A_569 = arith.mulf %parallel_loop3A_566, %parallel_loop3A_568 : vector<16xf32>
          %parallel_loop3A_570 = arith.constant true
          %parallel_loop3A_571 = vector.broadcast %parallel_loop3A_570 : i1 to vector<16xi1>
          %parallel_loop3A_572 = tpu.scan <sum>, %parallel_loop3A_561 masked %parallel_loop3A_571 : vector<16xf32>, vector<16xi1> -> vector<16xf32>
          %parallel_loop3A_573 = vector.extract %parallel_loop3A_572[15] : f32 from vector<16xf32>
          %parallel_loop3A_574 = vector.broadcast %parallel_loop3A_573 : f32 to vector<16xf32>
          %parallel_loop3A_575 = arith.constant 7.812500e-03 : f32
          %parallel_loop3A_576 = vector.broadcast %parallel_loop3A_575 : f32 to vector<16xf32>
          %parallel_loop3A_577 = arith.mulf %parallel_loop3A_574, %parallel_loop3A_576 : vector<16xf32>
          %parallel_loop3A_578 = arith.mulf %parallel_loop3A_569, %parallel_loop3A_569 : vector<16xf32>
          %parallel_loop3A_579 = arith.subf %parallel_loop3A_577, %parallel_loop3A_578 : vector<16xf32>
          %parallel_loop3A_580 = arith.constant 9.99999996E-13 : f32
          %parallel_loop3A_581 = vector.broadcast %parallel_loop3A_580 : f32 to vector<16xf32>
          %parallel_loop3A_582 = arith.addf %parallel_loop3A_579, %parallel_loop3A_581 : vector<16xf32>
          %parallel_loop3A_583 = arith.constant 5.000000e-01 : f32
          %parallel_loop3A_584 = vector.broadcast %parallel_loop3A_583 : f32 to vector<16xf32>
          %parallel_loop3A_585 = arith.mulf %parallel_loop3A_582, %parallel_loop3A_584 : vector<16xf32>
          %parallel_loop3A_586 = vector.bitcast %parallel_loop3A_582 : vector<16xf32> to vector<16xi32>
          %parallel_loop3A_587 = arith.constant 1 : i32
          %parallel_loop3A_588 = vector.broadcast %parallel_loop3A_587 : i32 to vector<16xi32>
          %parallel_loop3A_589 = arith.shrui %parallel_loop3A_586, %parallel_loop3A_588 : vector<16xi32>
          %parallel_loop3A_590 = arith.constant 1597463007 : i32
          %parallel_loop3A_591 = vector.broadcast %parallel_loop3A_590 : i32 to vector<16xi32>
          %parallel_loop3A_592 = arith.subi %parallel_loop3A_591, %parallel_loop3A_589 : vector<16xi32>
          %parallel_loop3A_593 = vector.bitcast %parallel_loop3A_592 : vector<16xi32> to vector<16xf32>
          %parallel_loop3A_594 = arith.mulf %parallel_loop3A_585, %parallel_loop3A_593 : vector<16xf32>
          %parallel_loop3A_595 = arith.mulf %parallel_loop3A_594, %parallel_loop3A_593 : vector<16xf32>
          %parallel_loop3A_596 = arith.constant 1.500000e+00 : f32
          %parallel_loop3A_597 = vector.broadcast %parallel_loop3A_596 : f32 to vector<16xf32>
          %parallel_loop3A_598 = arith.subf %parallel_loop3A_597, %parallel_loop3A_595 : vector<16xf32>
          %parallel_loop3A_599 = arith.mulf %parallel_loop3A_593, %parallel_loop3A_598 : vector<16xf32>
          %parallel_loop3A_600 = arith.subf %parallel_loop3A_420, %parallel_loop3A_569 : vector<16xf32>
          %parallel_loop3A_601 = arith.mulf %parallel_loop3A_600, %parallel_loop3A_599 : vector<16xf32>
          %parallel_loop3A_602 = arith.constant 0 : i32
          %parallel_loop3A_603 = arith.addi %parallel_loop3A_602, %parallel_loop3A_397 : i32
          %parallel_loop3A_604 = arith.constant 0 : i32
          %parallel_loop3A_605 = arith.constant 0 : i32
          %parallel_loop3A_606 = tpu.memref_slice %arg12[%select_n3A_297, %parallel_loop3A_604, %parallel_loop3A_605] : memref<3x200x128xf32, #tpu.memory_space<vmem>> -> memref<1x200x128xf32, #tpu.memory_space<vmem>>
          %parallel_loop3A_607 = tpu.memref_squeeze %parallel_loop3A_606 : memref<1x200x128xf32, #tpu.memory_space<vmem>> -> memref<200x128xf32, #tpu.memory_space<vmem>>
          %parallel_loop3A_608 = arith.index_cast %parallel_loop3A_603 : i32 to index
          %parallel_loop3A_609 = arith.constant 0 : index
          %parallel_loop3A_610 = tpu.vector_load %parallel_loop3A_607[%parallel_loop3A_608, %parallel_loop3A_609] {strides = array<i32>} : memref<200x128xf32, #tpu.memory_space<vmem>>, vector<16xf32>,
          tpu.vector_store %parallel_loop3A_607[%parallel_loop3A_608, %parallel_loop3A_609], %parallel_loop3A_601 {strides = array<i32>} : memref<200x128xf32, #tpu.memory_space<vmem>>, vector<16xf32>,
          %parallel_loop3A_611 = arith.subf %parallel_loop3A_437, %parallel_loop3A_569 : vector<16xf32>
          %parallel_loop3A_612 = arith.mulf %parallel_loop3A_611, %parallel_loop3A_599 : vector<16xf32>
          %parallel_loop3A_613 = arith.constant 0 : i32
          %parallel_loop3A_614 = arith.addi %parallel_loop3A_613, %parallel_loop3A_397 : i32
          %parallel_loop3A_615 = arith.constant 0 : i32
          %parallel_loop3A_616 = arith.constant 0 : i32
          %parallel_loop3A_617 = tpu.memref_slice %arg12[%select_n3A_297, %parallel_loop3A_615, %parallel_loop3A_616] : memref<3x200x128xf32, #tpu.memory_space<vmem>> -> memref<1x200x128xf32, #tpu.memory_space<vmem>>
          %parallel_loop3A_618 = tpu.memref_squeeze %parallel_loop3A_617 : memref<1x200x128xf32, #tpu.memory_space<vmem>> -> memref<200x128xf32, #tpu.memory_space<vmem>>
          %parallel_loop3A_619 = arith.index_cast %parallel_loop3A_614 : i32 to index
          %parallel_loop3A_620 = arith.constant 16 : index
          %parallel_loop3A_621 = tpu.vector_load %parallel_loop3A_618[%parallel_loop3A_619, %parallel_loop3A_620] {strides = array<i32>} : memref<200x128xf32, #tpu.memory_space<vmem>>, vector<16xf32>,
          tpu.vector_store %parallel_loop3A_618[%parallel_loop3A_619, %parallel_loop3A_620], %parallel_loop3A_612 {strides = array<i32>} : memref<200x128xf32, #tpu.memory_space<vmem>>, vector<16xf32>,
          %parallel_loop3A_622 = arith.subf %parallel_loop3A_454, %parallel_loop3A_569 : vector<16xf32>
          %parallel_loop3A_623 = arith.mulf %parallel_loop3A_622, %parallel_loop3A_599 : vector<16xf32>
          %parallel_loop3A_624 = arith.constant 0 : i32
          %parallel_loop3A_625 = arith.addi %parallel_loop3A_624, %parallel_loop3A_397 : i32
          %parallel_loop3A_626 = arith.constant 0 : i32
          %parallel_loop3A_627 = arith.constant 0 : i32
          %parallel_loop3A_628 = tpu.memref_slice %arg12[%select_n3A_297, %parallel_loop3A_626, %parallel_loop3A_627] : memref<3x200x128xf32, #tpu.memory_space<vmem>> -> memref<1x200x128xf32, #tpu.memory_space<vmem>>
          %parallel_loop3A_629 = tpu.memref_squeeze %parallel_loop3A_628 : memref<1x200x128xf32, #tpu.memory_space<vmem>> -> memref<200x128xf32, #tpu.memory_space<vmem>>
          %parallel_loop3A_630 = arith.index_cast %parallel_loop3A_625 : i32 to index
          %parallel_loop3A_631 = arith.constant 32 : index
          %parallel_loop3A_632 = tpu.vector_load %parallel_loop3A_629[%parallel_loop3A_630, %parallel_loop3A_631] {strides = array<i32>} : memref<200x128xf32, #tpu.memory_space<vmem>>, vector<16xf32>,
          tpu.vector_store %parallel_loop3A_629[%parallel_loop3A_630, %parallel_loop3A_631], %parallel_loop3A_623 {strides = array<i32>} : memref<200x128xf32, #tpu.memory_space<vmem>>, vector<16xf32>,
          %parallel_loop3A_633 = arith.subf %parallel_loop3A_471, %parallel_loop3A_569 : vector<16xf32>
          %parallel_loop3A_634 = arith.mulf %parallel_loop3A_633, %parallel_loop3A_599 : vector<16xf32>
          %parallel_loop3A_635 = arith.constant 0 : i32
          %parallel_loop3A_636 = arith.addi %parallel_loop3A_635, %parallel_loop3A_397 : i32
          %parallel_loop3A_637 = arith.constant 0 : i32
          %parallel_loop3A_638 = arith.constant 0 : i32
          %parallel_loop3A_639 = tpu.memref_slice %arg12[%select_n3A_297, %parallel_loop3A_637, %parallel_loop3A_638] : memref<3x200x128xf32, #tpu.memory_space<vmem>> -> memref<1x200x128xf32, #tpu.memory_space<vmem>>
          %parallel_loop3A_640 = tpu.memref_squeeze %parallel_loop3A_639 : memref<1x200x128xf32, #tpu.memory_space<vmem>> -> memref<200x128xf32, #tpu.memory_space<vmem>>
          %parallel_loop3A_641 = arith.index_cast %parallel_loop3A_636 : i32 to index
          %parallel_loop3A_642 = arith.constant 48 : index
          %parallel_loop3A_643 = tpu.vector_load %parallel_loop3A_640[%parallel_loop3A_641, %parallel_loop3A_642] {strides = array<i32>} : memref<200x128xf32, #tpu.memory_space<vmem>>, vector<16xf32>,
          tpu.vector_store %parallel_loop3A_640[%parallel_loop3A_641, %parallel_loop3A_642], %parallel_loop3A_634 {strides = array<i32>} : memref<200x128xf32, #tpu.memory_space<vmem>>, vector<16xf32>,
          %parallel_loop3A_644 = arith.subf %parallel_loop3A_488, %parallel_loop3A_569 : vector<16xf32>
          %parallel_loop3A_645 = arith.mulf %parallel_loop3A_644, %parallel_loop3A_599 : vector<16xf32>
          %parallel_loop3A_646 = arith.constant 0 : i32
          %parallel_loop3A_647 = arith.addi %parallel_loop3A_646, %parallel_loop3A_397 : i32
          %parallel_loop3A_648 = arith.constant 0 : i32
          %parallel_loop3A_649 = arith.constant 0 : i32
          %parallel_loop3A_650 = tpu.memref_slice %arg12[%select_n3A_297, %parallel_loop3A_648, %parallel_loop3A_649] : memref<3x200x128xf32, #tpu.memory_space<vmem>> -> memref<1x200x128xf32, #tpu.memory_space<vmem>>
          %parallel_loop3A_651 = tpu.memref_squeeze %parallel_loop3A_650 : memref<1x200x128xf32, #tpu.memory_space<vmem>> -> memref<200x128xf32, #tpu.memory_space<vmem>>
          %parallel_loop3A_652 = arith.index_cast %parallel_loop3A_647 : i32 to index
          %parallel_loop3A_653 = arith.constant 64 : index
          %parallel_loop3A_654 = tpu.vector_load %parallel_loop3A_651[%parallel_loop3A_652, %parallel_loop3A_653] {strides = array<i32>} : memref<200x128xf32, #tpu.memory_space<vmem>>, vector<16xf32>,
          tpu.vector_store %parallel_loop3A_651[%parallel_loop3A_652, %parallel_loop3A_653], %parallel_loop3A_645 {strides = array<i32>} : memref<200x128xf32, #tpu.memory_space<vmem>>, vector<16xf32>,
          %parallel_loop3A_655 = arith.subf %parallel_loop3A_505, %parallel_loop3A_569 : vector<16xf32>
          %parallel_loop3A_656 = arith.mulf %parallel_loop3A_655, %parallel_loop3A_599 : vector<16xf32>
          %parallel_loop3A_657 = arith.constant 0 : i32
          %parallel_loop3A_658 = arith.addi %parallel_loop3A_657, %parallel_loop3A_397 : i32
          %parallel_loop3A_659 = arith.constant 0 : i32
          %parallel_loop3A_660 = arith.constant 0 : i32
          %parallel_loop3A_661 = tpu.memref_slice %arg12[%select_n3A_297, %parallel_loop3A_659, %parallel_loop3A_660] : memref<3x200x128xf32, #tpu.memory_space<vmem>> -> memref<1x200x128xf32, #tpu.memory_space<vmem>>
          %parallel_loop3A_662 = tpu.memref_squeeze %parallel_loop3A_661 : memref<1x200x128xf32, #tpu.memory_space<vmem>> -> memref<200x128xf32, #tpu.memory_space<vmem>>
          %parallel_loop3A_663 = arith.index_cast %parallel_loop3A_658 : i32 to index
          %parallel_loop3A_664 = arith.constant 80 : index
          %parallel_loop3A_665 = tpu.vector_load %parallel_loop3A_662[%parallel_loop3A_663, %parallel_loop3A_664] {strides = array<i32>} : memref<200x128xf32, #tpu.memory_space<vmem>>, vector<16xf32>,
          tpu.vector_store %parallel_loop3A_662[%parallel_loop3A_663, %parallel_loop3A_664], %parallel_loop3A_656 {strides = array<i32>} : memref<200x128xf32, #tpu.memory_space<vmem>>, vector<16xf32>,
          %parallel_loop3A_666 = arith.subf %parallel_loop3A_522, %parallel_loop3A_569 : vector<16xf32>
          %parallel_loop3A_667 = arith.mulf %parallel_loop3A_666, %parallel_loop3A_599 : vector<16xf32>
          %parallel_loop3A_668 = arith.constant 0 : i32
          %parallel_loop3A_669 = arith.addi %parallel_loop3A_668, %parallel_loop3A_397 : i32
          %parallel_loop3A_670 = arith.constant 0 : i32
          %parallel_loop3A_671 = arith.constant 0 : i32
          %parallel_loop3A_672 = tpu.memref_slice %arg12[%select_n3A_297, %parallel_loop3A_670, %parallel_loop3A_671] : memref<3x200x128xf32, #tpu.memory_space<vmem>> -> memref<1x200x128xf32, #tpu.memory_space<vmem>>
          %parallel_loop3A_673 = tpu.memref_squeeze %parallel_loop3A_672 : memref<1x200x128xf32, #tpu.memory_space<vmem>> -> memref<200x128xf32, #tpu.memory_space<vmem>>
          %parallel_loop3A_674 = arith.index_cast %parallel_loop3A_669 : i32 to index
          %parallel_loop3A_675 = arith.constant 96 : index
          %parallel_loop3A_676 = tpu.vector_load %parallel_loop3A_673[%parallel_loop3A_674, %parallel_loop3A_675] {strides = array<i32>} : memref<200x128xf32, #tpu.memory_space<vmem>>, vector<16xf32>,
          tpu.vector_store %parallel_loop3A_673[%parallel_loop3A_674, %parallel_loop3A_675], %parallel_loop3A_667 {strides = array<i32>} : memref<200x128xf32, #tpu.memory_space<vmem>>, vector<16xf32>,
          %parallel_loop3A_677 = arith.subf %parallel_loop3A_539, %parallel_loop3A_569 : vector<16xf32>
          %parallel_loop3A_678 = arith.mulf %parallel_loop3A_677, %parallel_loop3A_599 : vector<16xf32>
          %parallel_loop3A_679 = arith.constant 0 : i32
          %parallel_loop3A_680 = arith.addi %parallel_loop3A_679, %parallel_loop3A_397 : i32
          %parallel_loop3A_681 = arith.constant 0 : i32
          %parallel_loop3A_682 = arith.constant 0 : i32
          %parallel_loop3A_683 = tpu.memref_slice %arg12[%select_n3A_297, %parallel_loop3A_681, %parallel_loop3A_682] : memref<3x200x128xf32, #tpu.memory_space<vmem>> -> memref<1x200x128xf32, #tpu.memory_space<vmem>>
          %parallel_loop3A_684 = tpu.memref_squeeze %parallel_loop3A_683 : memref<1x200x128xf32, #tpu.memory_space<vmem>> -> memref<200x128xf32, #tpu.memory_space<vmem>>
          %parallel_loop3A_685 = arith.index_cast %parallel_loop3A_680 : i32 to index
          %parallel_loop3A_686 = arith.constant 112 : index
          %parallel_loop3A_687 = tpu.vector_load %parallel_loop3A_684[%parallel_loop3A_685, %parallel_loop3A_686] {strides = array<i32>} : memref<200x128xf32, #tpu.memory_space<vmem>>, vector<16xf32>,
          tpu.vector_store %parallel_loop3A_684[%parallel_loop3A_685, %parallel_loop3A_686], %parallel_loop3A_678 {strides = array<i32>} : memref<200x128xf32, #tpu.memory_space<vmem>>, vector<16xf32>,
        } {sc.loop_unroll_factor = 1 : i64, sc.parallel_access}
      } else {
      }
      %not3A = arith.constant true
      %not3A_335 = arith.xori %eq3A_171, %not3A : i1
      %convert_element_type3A_336 = arith.extui %not3A_335 : i1 to i32
      %cond3A_337 = arith.constant 0 : i32
      %cond3A_338 = arith.cmpi ne, %convert_element_type3A_336, %cond3A_337 : i32
      scf.if %cond3A_338 {
        %parallel_loop3A = arith.constant 0 : i32
        %parallel_loop3A_395 = arith.constant 100 : i32
        %parallel_loop3A_396 = arith.constant 1 : i32
        scf.for %parallel_loop3A_397 = %parallel_loop3A to %parallel_loop3A_395 step %parallel_loop3A_396  : i32 {
          %parallel_loop3A_398 = vector.broadcast %parallel_loop3A_397 : i32 to vector<16xi32>
          %parallel_loop3A_399 = arith.constant 0 : i32
          %parallel_loop3A_400 = tpu.memref_slice %arg11[%add3A_333, %parallel_loop3A_399] : memref<64x100xi32, #tpu.memory_space<vmem>> -> memref<1x100xi32, #tpu.memory_space<vmem>>
          %parallel_loop3A_401 = tpu.memref_squeeze %parallel_loop3A_400 : memref<1x100xi32, #tpu.memory_space<vmem>> -> memref<100xi32, #tpu.memory_space<vmem>>
          %parallel_loop3A_402 = tpu.vector_load_idx %parallel_loop3A_401[%parallel_loop3A_398] : memref<100xi32, #tpu.memory_space<vmem>>[vector<16xi32>], vector<16xi32>,
          %parallel_loop3A_403 = arith.sitofp %parallel_loop3A_402 : vector<16xi32> to vector<16xf32>
          %parallel_loop3A_404 = arith.constant 0 : i32
          %parallel_loop3A_405 = arith.addi %parallel_loop3A_404, %parallel_loop3A_397 : i32
          %parallel_loop3A_406 = arith.constant 0 : i32
          %parallel_loop3A_407 = arith.constant 0 : i32
          %parallel_loop3A_408 = tpu.memref_slice %arg12[%select_n3A_297, %parallel_loop3A_406, %parallel_loop3A_407] : memref<3x200x128xf32, #tpu.memory_space<vmem>> -> memref<1x200x128xf32, #tpu.memory_space<vmem>>
          %parallel_loop3A_409 = tpu.memref_squeeze %parallel_loop3A_408 : memref<1x200x128xf32, #tpu.memory_space<vmem>> -> memref<200x128xf32, #tpu.memory_space<vmem>>
          %parallel_loop3A_410 = arith.index_cast %parallel_loop3A_405 : i32 to index
          %parallel_loop3A_411 = arith.constant 0 : index
          %parallel_loop3A_412 = tpu.vector_load %parallel_loop3A_409[%parallel_loop3A_410, %parallel_loop3A_411] {strides = array<i32>} : memref<200x128xf32, #tpu.memory_space<vmem>>, vector<16xf32>,
          %parallel_loop3A_413 = arith.constant 0 : i32
          %parallel_loop3A_414 = arith.addi %parallel_loop3A_413, %parallel_loop3A_397 : i32
          %parallel_loop3A_415 = arith.index_cast %parallel_loop3A_414 : i32 to index
          %parallel_loop3A_416 = arith.constant 0 : index
          %parallel_loop3A_417 = tpu.vector_load %arg13[%parallel_loop3A_415, %parallel_loop3A_416] {strides = array<i32>} : memref<200x128xf32, #tpu.memory_space<vmem>>, vector<16xf32>,
          %parallel_loop3A_418 = arith.addf %parallel_loop3A_412, %parallel_loop3A_417 : vector<16xf32>
          %parallel_loop3A_419 = arith.mulf %parallel_loop3A_403, %sub3A : vector<16xf32>
          %parallel_loop3A_420 = arith.addf %parallel_loop3A_418, %parallel_loop3A_419 : vector<16xf32>
          %parallel_loop3A_421 = arith.constant 0 : i32
          %parallel_loop3A_422 = arith.addi %parallel_loop3A_421, %parallel_loop3A_397 : i32
          %parallel_loop3A_423 = arith.constant 0 : i32
          %parallel_loop3A_424 = arith.constant 0 : i32
          %parallel_loop3A_425 = tpu.memref_slice %arg12[%select_n3A_297, %parallel_loop3A_423, %parallel_loop3A_424] : memref<3x200x128xf32, #tpu.memory_space<vmem>> -> memref<1x200x128xf32, #tpu.memory_space<vmem>>
          %parallel_loop3A_426 = tpu.memref_squeeze %parallel_loop3A_425 : memref<1x200x128xf32, #tpu.memory_space<vmem>> -> memref<200x128xf32, #tpu.memory_space<vmem>>
          %parallel_loop3A_427 = arith.index_cast %parallel_loop3A_422 : i32 to index
          %parallel_loop3A_428 = arith.constant 16 : index
          %parallel_loop3A_429 = tpu.vector_load %parallel_loop3A_426[%parallel_loop3A_427, %parallel_loop3A_428] {strides = array<i32>} : memref<200x128xf32, #tpu.memory_space<vmem>>, vector<16xf32>,
          %parallel_loop3A_430 = arith.constant 0 : i32
          %parallel_loop3A_431 = arith.addi %parallel_loop3A_430, %parallel_loop3A_397 : i32
          %parallel_loop3A_432 = arith.index_cast %parallel_loop3A_431 : i32 to index
          %parallel_loop3A_433 = arith.constant 16 : index
          %parallel_loop3A_434 = tpu.vector_load %arg13[%parallel_loop3A_432, %parallel_loop3A_433] {strides = array<i32>} : memref<200x128xf32, #tpu.memory_space<vmem>>, vector<16xf32>,
          %parallel_loop3A_435 = arith.addf %parallel_loop3A_429, %parallel_loop3A_434 : vector<16xf32>
          %parallel_loop3A_436 = arith.mulf %parallel_loop3A_403, %sub3A_78 : vector<16xf32>
          %parallel_loop3A_437 = arith.addf %parallel_loop3A_435, %parallel_loop3A_436 : vector<16xf32>
          %parallel_loop3A_438 = arith.constant 0 : i32
          %parallel_loop3A_439 = arith.addi %parallel_loop3A_438, %parallel_loop3A_397 : i32
          %parallel_loop3A_440 = arith.constant 0 : i32
          %parallel_loop3A_441 = arith.constant 0 : i32
          %parallel_loop3A_442 = tpu.memref_slice %arg12[%select_n3A_297, %parallel_loop3A_440, %parallel_loop3A_441] : memref<3x200x128xf32, #tpu.memory_space<vmem>> -> memref<1x200x128xf32, #tpu.memory_space<vmem>>
          %parallel_loop3A_443 = tpu.memref_squeeze %parallel_loop3A_442 : memref<1x200x128xf32, #tpu.memory_space<vmem>> -> memref<200x128xf32, #tpu.memory_space<vmem>>
          %parallel_loop3A_444 = arith.index_cast %parallel_loop3A_439 : i32 to index
          %parallel_loop3A_445 = arith.constant 32 : index
          %parallel_loop3A_446 = tpu.vector_load %parallel_loop3A_443[%parallel_loop3A_444, %parallel_loop3A_445] {strides = array<i32>} : memref<200x128xf32, #tpu.memory_space<vmem>>, vector<16xf32>,
          %parallel_loop3A_447 = arith.constant 0 : i32
          %parallel_loop3A_448 = arith.addi %parallel_loop3A_447, %parallel_loop3A_397 : i32
          %parallel_loop3A_449 = arith.index_cast %parallel_loop3A_448 : i32 to index
          %parallel_loop3A_450 = arith.constant 32 : index
          %parallel_loop3A_451 = tpu.vector_load %arg13[%parallel_loop3A_449, %parallel_loop3A_450] {strides = array<i32>} : memref<200x128xf32, #tpu.memory_space<vmem>>, vector<16xf32>,
          %parallel_loop3A_452 = arith.addf %parallel_loop3A_446, %parallel_loop3A_451 : vector<16xf32>
          %parallel_loop3A_453 = arith.mulf %parallel_loop3A_403, %sub3A_83 : vector<16xf32>
          %parallel_loop3A_454 = arith.addf %parallel_loop3A_452, %parallel_loop3A_453 : vector<16xf32>
          %parallel_loop3A_455 = arith.constant 0 : i32
          %parallel_loop3A_456 = arith.addi %parallel_loop3A_455, %parallel_loop3A_397 : i32
          %parallel_loop3A_457 = arith.constant 0 : i32
          %parallel_loop3A_458 = arith.constant 0 : i32
          %parallel_loop3A_459 = tpu.memref_slice %arg12[%select_n3A_297, %parallel_loop3A_457, %parallel_loop3A_458] : memref<3x200x128xf32, #tpu.memory_space<vmem>> -> memref<1x200x128xf32, #tpu.memory_space<vmem>>
          %parallel_loop3A_460 = tpu.memref_squeeze %parallel_loop3A_459 : memref<1x200x128xf32, #tpu.memory_space<vmem>> -> memref<200x128xf32, #tpu.memory_space<vmem>>
          %parallel_loop3A_461 = arith.index_cast %parallel_loop3A_456 : i32 to index
          %parallel_loop3A_462 = arith.constant 48 : index
          %parallel_loop3A_463 = tpu.vector_load %parallel_loop3A_460[%parallel_loop3A_461, %parallel_loop3A_462] {strides = array<i32>} : memref<200x128xf32, #tpu.memory_space<vmem>>, vector<16xf32>,
          %parallel_loop3A_464 = arith.constant 0 : i32
          %parallel_loop3A_465 = arith.addi %parallel_loop3A_464, %parallel_loop3A_397 : i32
          %parallel_loop3A_466 = arith.index_cast %parallel_loop3A_465 : i32 to index
          %parallel_loop3A_467 = arith.constant 48 : index
          %parallel_loop3A_468 = tpu.vector_load %arg13[%parallel_loop3A_466, %parallel_loop3A_467] {strides = array<i32>} : memref<200x128xf32, #tpu.memory_space<vmem>>, vector<16xf32>,
          %parallel_loop3A_469 = arith.addf %parallel_loop3A_463, %parallel_loop3A_468 : vector<16xf32>
          %parallel_loop3A_470 = arith.mulf %parallel_loop3A_403, %sub3A_88 : vector<16xf32>
          %parallel_loop3A_471 = arith.addf %parallel_loop3A_469, %parallel_loop3A_470 : vector<16xf32>
          %parallel_loop3A_472 = arith.constant 0 : i32
          %parallel_loop3A_473 = arith.addi %parallel_loop3A_472, %parallel_loop3A_397 : i32
          %parallel_loop3A_474 = arith.constant 0 : i32
          %parallel_loop3A_475 = arith.constant 0 : i32
          %parallel_loop3A_476 = tpu.memref_slice %arg12[%select_n3A_297, %parallel_loop3A_474, %parallel_loop3A_475] : memref<3x200x128xf32, #tpu.memory_space<vmem>> -> memref<1x200x128xf32, #tpu.memory_space<vmem>>
          %parallel_loop3A_477 = tpu.memref_squeeze %parallel_loop3A_476 : memref<1x200x128xf32, #tpu.memory_space<vmem>> -> memref<200x128xf32, #tpu.memory_space<vmem>>
          %parallel_loop3A_478 = arith.index_cast %parallel_loop3A_473 : i32 to index
          %parallel_loop3A_479 = arith.constant 64 : index
          %parallel_loop3A_480 = tpu.vector_load %parallel_loop3A_477[%parallel_loop3A_478, %parallel_loop3A_479] {strides = array<i32>} : memref<200x128xf32, #tpu.memory_space<vmem>>, vector<16xf32>,
          %parallel_loop3A_481 = arith.constant 0 : i32
          %parallel_loop3A_482 = arith.addi %parallel_loop3A_481, %parallel_loop3A_397 : i32
          %parallel_loop3A_483 = arith.index_cast %parallel_loop3A_482 : i32 to index
          %parallel_loop3A_484 = arith.constant 64 : index
          %parallel_loop3A_485 = tpu.vector_load %arg13[%parallel_loop3A_483, %parallel_loop3A_484] {strides = array<i32>} : memref<200x128xf32, #tpu.memory_space<vmem>>, vector<16xf32>,
          %parallel_loop3A_486 = arith.addf %parallel_loop3A_480, %parallel_loop3A_485 : vector<16xf32>
          %parallel_loop3A_487 = arith.mulf %parallel_loop3A_403, %sub3A_93 : vector<16xf32>
          %parallel_loop3A_488 = arith.addf %parallel_loop3A_486, %parallel_loop3A_487 : vector<16xf32>
          %parallel_loop3A_489 = arith.constant 0 : i32
          %parallel_loop3A_490 = arith.addi %parallel_loop3A_489, %parallel_loop3A_397 : i32
          %parallel_loop3A_491 = arith.constant 0 : i32
          %parallel_loop3A_492 = arith.constant 0 : i32
          %parallel_loop3A_493 = tpu.memref_slice %arg12[%select_n3A_297, %parallel_loop3A_491, %parallel_loop3A_492] : memref<3x200x128xf32, #tpu.memory_space<vmem>> -> memref<1x200x128xf32, #tpu.memory_space<vmem>>
          %parallel_loop3A_494 = tpu.memref_squeeze %parallel_loop3A_493 : memref<1x200x128xf32, #tpu.memory_space<vmem>> -> memref<200x128xf32, #tpu.memory_space<vmem>>
          %parallel_loop3A_495 = arith.index_cast %parallel_loop3A_490 : i32 to index
          %parallel_loop3A_496 = arith.constant 80 : index
          %parallel_loop3A_497 = tpu.vector_load %parallel_loop3A_494[%parallel_loop3A_495, %parallel_loop3A_496] {strides = array<i32>} : memref<200x128xf32, #tpu.memory_space<vmem>>, vector<16xf32>,
          %parallel_loop3A_498 = arith.constant 0 : i32
          %parallel_loop3A_499 = arith.addi %parallel_loop3A_498, %parallel_loop3A_397 : i32
          %parallel_loop3A_500 = arith.index_cast %parallel_loop3A_499 : i32 to index
          %parallel_loop3A_501 = arith.constant 80 : index
          %parallel_loop3A_502 = tpu.vector_load %arg13[%parallel_loop3A_500, %parallel_loop3A_501] {strides = array<i32>} : memref<200x128xf32, #tpu.memory_space<vmem>>, vector<16xf32>,
          %parallel_loop3A_503 = arith.addf %parallel_loop3A_497, %parallel_loop3A_502 : vector<16xf32>
          %parallel_loop3A_504 = arith.mulf %parallel_loop3A_403, %sub3A_98 : vector<16xf32>
          %parallel_loop3A_505 = arith.addf %parallel_loop3A_503, %parallel_loop3A_504 : vector<16xf32>
          %parallel_loop3A_506 = arith.constant 0 : i32
          %parallel_loop3A_507 = arith.addi %parallel_loop3A_506, %parallel_loop3A_397 : i32
          %parallel_loop3A_508 = arith.constant 0 : i32
          %parallel_loop3A_509 = arith.constant 0 : i32
          %parallel_loop3A_510 = tpu.memref_slice %arg12[%select_n3A_297, %parallel_loop3A_508, %parallel_loop3A_509] : memref<3x200x128xf32, #tpu.memory_space<vmem>> -> memref<1x200x128xf32, #tpu.memory_space<vmem>>
          %parallel_loop3A_511 = tpu.memref_squeeze %parallel_loop3A_510 : memref<1x200x128xf32, #tpu.memory_space<vmem>> -> memref<200x128xf32, #tpu.memory_space<vmem>>
          %parallel_loop3A_512 = arith.index_cast %parallel_loop3A_507 : i32 to index
          %parallel_loop3A_513 = arith.constant 96 : index
          %parallel_loop3A_514 = tpu.vector_load %parallel_loop3A_511[%parallel_loop3A_512, %parallel_loop3A_513] {strides = array<i32>} : memref<200x128xf32, #tpu.memory_space<vmem>>, vector<16xf32>,
          %parallel_loop3A_515 = arith.constant 0 : i32
          %parallel_loop3A_516 = arith.addi %parallel_loop3A_515, %parallel_loop3A_397 : i32
          %parallel_loop3A_517 = arith.index_cast %parallel_loop3A_516 : i32 to index
          %parallel_loop3A_518 = arith.constant 96 : index
          %parallel_loop3A_519 = tpu.vector_load %arg13[%parallel_loop3A_517, %parallel_loop3A_518] {strides = array<i32>} : memref<200x128xf32, #tpu.memory_space<vmem>>, vector<16xf32>,
          %parallel_loop3A_520 = arith.addf %parallel_loop3A_514, %parallel_loop3A_519 : vector<16xf32>
          %parallel_loop3A_521 = arith.mulf %parallel_loop3A_403, %sub3A_103 : vector<16xf32>
          %parallel_loop3A_522 = arith.addf %parallel_loop3A_520, %parallel_loop3A_521 : vector<16xf32>
          %parallel_loop3A_523 = arith.constant 0 : i32
          %parallel_loop3A_524 = arith.addi %parallel_loop3A_523, %parallel_loop3A_397 : i32
          %parallel_loop3A_525 = arith.constant 0 : i32
          %parallel_loop3A_526 = arith.constant 0 : i32
          %parallel_loop3A_527 = tpu.memref_slice %arg12[%select_n3A_297, %parallel_loop3A_525, %parallel_loop3A_526] : memref<3x200x128xf32, #tpu.memory_space<vmem>> -> memref<1x200x128xf32, #tpu.memory_space<vmem>>
          %parallel_loop3A_528 = tpu.memref_squeeze %parallel_loop3A_527 : memref<1x200x128xf32, #tpu.memory_space<vmem>> -> memref<200x128xf32, #tpu.memory_space<vmem>>
          %parallel_loop3A_529 = arith.index_cast %parallel_loop3A_524 : i32 to index
          %parallel_loop3A_530 = arith.constant 112 : index
          %parallel_loop3A_531 = tpu.vector_load %parallel_loop3A_528[%parallel_loop3A_529, %parallel_loop3A_530] {strides = array<i32>} : memref<200x128xf32, #tpu.memory_space<vmem>>, vector<16xf32>,
          %parallel_loop3A_532 = arith.constant 0 : i32
          %parallel_loop3A_533 = arith.addi %parallel_loop3A_532, %parallel_loop3A_397 : i32
          %parallel_loop3A_534 = arith.index_cast %parallel_loop3A_533 : i32 to index
          %parallel_loop3A_535 = arith.constant 112 : index
          %parallel_loop3A_536 = tpu.vector_load %arg13[%parallel_loop3A_534, %parallel_loop3A_535] {strides = array<i32>} : memref<200x128xf32, #tpu.memory_space<vmem>>, vector<16xf32>,
          %parallel_loop3A_537 = arith.addf %parallel_loop3A_531, %parallel_loop3A_536 : vector<16xf32>
          %parallel_loop3A_538 = arith.mulf %parallel_loop3A_403, %sub3A_108 : vector<16xf32>
          %parallel_loop3A_539 = arith.addf %parallel_loop3A_537, %parallel_loop3A_538 : vector<16xf32>
          %parallel_loop3A_540 = arith.addf %parallel_loop3A_420, %parallel_loop3A_437 : vector<16xf32>
          %parallel_loop3A_541 = arith.addf %parallel_loop3A_454, %parallel_loop3A_471 : vector<16xf32>
          %parallel_loop3A_542 = arith.addf %parallel_loop3A_540, %parallel_loop3A_541 : vector<16xf32>
          %parallel_loop3A_543 = arith.addf %parallel_loop3A_488, %parallel_loop3A_505 : vector<16xf32>
          %parallel_loop3A_544 = arith.addf %parallel_loop3A_522, %parallel_loop3A_539 : vector<16xf32>
          %parallel_loop3A_545 = arith.addf %parallel_loop3A_543, %parallel_loop3A_544 : vector<16xf32>
          %parallel_loop3A_546 = arith.addf %parallel_loop3A_542, %parallel_loop3A_545 : vector<16xf32>
          %parallel_loop3A_547 = arith.mulf %parallel_loop3A_420, %parallel_loop3A_420 : vector<16xf32>
          %parallel_loop3A_548 = arith.mulf %parallel_loop3A_437, %parallel_loop3A_437 : vector<16xf32>
          %parallel_loop3A_549 = arith.mulf %parallel_loop3A_454, %parallel_loop3A_454 : vector<16xf32>
          %parallel_loop3A_550 = arith.mulf %parallel_loop3A_471, %parallel_loop3A_471 : vector<16xf32>
          %parallel_loop3A_551 = arith.mulf %parallel_loop3A_488, %parallel_loop3A_488 : vector<16xf32>
          %parallel_loop3A_552 = arith.mulf %parallel_loop3A_505, %parallel_loop3A_505 : vector<16xf32>
          %parallel_loop3A_553 = arith.mulf %parallel_loop3A_522, %parallel_loop3A_522 : vector<16xf32>
          %parallel_loop3A_554 = arith.mulf %parallel_loop3A_539, %parallel_loop3A_539 : vector<16xf32>
          %parallel_loop3A_555 = arith.addf %parallel_loop3A_547, %parallel_loop3A_548 : vector<16xf32>
          %parallel_loop3A_556 = arith.addf %parallel_loop3A_549, %parallel_loop3A_550 : vector<16xf32>
          %parallel_loop3A_557 = arith.addf %parallel_loop3A_555, %parallel_loop3A_556 : vector<16xf32>
          %parallel_loop3A_558 = arith.addf %parallel_loop3A_551, %parallel_loop3A_552 : vector<16xf32>
          %parallel_loop3A_559 = arith.addf %parallel_loop3A_553, %parallel_loop3A_554 : vector<16xf32>
          %parallel_loop3A_560 = arith.addf %parallel_loop3A_558, %parallel_loop3A_559 : vector<16xf32>
          %parallel_loop3A_561 = arith.addf %parallel_loop3A_557, %parallel_loop3A_560 : vector<16xf32>
          %parallel_loop3A_562 = arith.constant true
          %parallel_loop3A_563 = vector.broadcast %parallel_loop3A_562 : i1 to vector<16xi1>
          %parallel_loop3A_564 = tpu.scan <sum>, %parallel_loop3A_546 masked %parallel_loop3A_563 : vector<16xf32>, vector<16xi1> -> vector<16xf32>
          %parallel_loop3A_565 = vector.extract %parallel_loop3A_564[15] : f32 from vector<16xf32>
          %parallel_loop3A_566 = vector.broadcast %parallel_loop3A_565 : f32 to vector<16xf32>
          %parallel_loop3A_567 = arith.constant 7.812500e-03 : f32
          %parallel_loop3A_568 = vector.broadcast %parallel_loop3A_567 : f32 to vector<16xf32>
          %parallel_loop3A_569 = arith.mulf %parallel_loop3A_566, %parallel_loop3A_568 : vector<16xf32>
          %parallel_loop3A_570 = arith.constant true
          %parallel_loop3A_571 = vector.broadcast %parallel_loop3A_570 : i1 to vector<16xi1>
          %parallel_loop3A_572 = tpu.scan <sum>, %parallel_loop3A_561 masked %parallel_loop3A_571 : vector<16xf32>, vector<16xi1> -> vector<16xf32>
          %parallel_loop3A_573 = vector.extract %parallel_loop3A_572[15] : f32 from vector<16xf32>
          %parallel_loop3A_574 = vector.broadcast %parallel_loop3A_573 : f32 to vector<16xf32>
          %parallel_loop3A_575 = arith.constant 7.812500e-03 : f32
          %parallel_loop3A_576 = vector.broadcast %parallel_loop3A_575 : f32 to vector<16xf32>
          %parallel_loop3A_577 = arith.mulf %parallel_loop3A_574, %parallel_loop3A_576 : vector<16xf32>
          %parallel_loop3A_578 = arith.mulf %parallel_loop3A_569, %parallel_loop3A_569 : vector<16xf32>
          %parallel_loop3A_579 = arith.subf %parallel_loop3A_577, %parallel_loop3A_578 : vector<16xf32>
          %parallel_loop3A_580 = arith.constant 9.99999996E-13 : f32
          %parallel_loop3A_581 = vector.broadcast %parallel_loop3A_580 : f32 to vector<16xf32>
          %parallel_loop3A_582 = arith.addf %parallel_loop3A_579, %parallel_loop3A_581 : vector<16xf32>
          %parallel_loop3A_583 = arith.constant 5.000000e-01 : f32
          %parallel_loop3A_584 = vector.broadcast %parallel_loop3A_583 : f32 to vector<16xf32>
          %parallel_loop3A_585 = arith.mulf %parallel_loop3A_582, %parallel_loop3A_584 : vector<16xf32>
          %parallel_loop3A_586 = vector.bitcast %parallel_loop3A_582 : vector<16xf32> to vector<16xi32>
          %parallel_loop3A_587 = arith.constant 1 : i32
          %parallel_loop3A_588 = vector.broadcast %parallel_loop3A_587 : i32 to vector<16xi32>
          %parallel_loop3A_589 = arith.shrui %parallel_loop3A_586, %parallel_loop3A_588 : vector<16xi32>
          %parallel_loop3A_590 = arith.constant 1597463007 : i32
          %parallel_loop3A_591 = vector.broadcast %parallel_loop3A_590 : i32 to vector<16xi32>
          %parallel_loop3A_592 = arith.subi %parallel_loop3A_591, %parallel_loop3A_589 : vector<16xi32>
          %parallel_loop3A_593 = vector.bitcast %parallel_loop3A_592 : vector<16xi32> to vector<16xf32>
          %parallel_loop3A_594 = arith.mulf %parallel_loop3A_585, %parallel_loop3A_593 : vector<16xf32>
          %parallel_loop3A_595 = arith.mulf %parallel_loop3A_594, %parallel_loop3A_593 : vector<16xf32>
          %parallel_loop3A_596 = arith.constant 1.500000e+00 : f32
          %parallel_loop3A_597 = vector.broadcast %parallel_loop3A_596 : f32 to vector<16xf32>
          %parallel_loop3A_598 = arith.subf %parallel_loop3A_597, %parallel_loop3A_595 : vector<16xf32>
          %parallel_loop3A_599 = arith.mulf %parallel_loop3A_593, %parallel_loop3A_598 : vector<16xf32>
          %parallel_loop3A_600 = arith.subf %parallel_loop3A_420, %parallel_loop3A_569 : vector<16xf32>
          %parallel_loop3A_601 = arith.mulf %parallel_loop3A_600, %parallel_loop3A_599 : vector<16xf32>
          %parallel_loop3A_602 = arith.mulf %parallel_loop3A_601, %get3A_7 : vector<16xf32>
          %parallel_loop3A_603 = arith.addf %parallel_loop3A_602, %get3A_23 : vector<16xf32>
          %parallel_loop3A_604 = arith.constant 0 : i32
          %parallel_loop3A_605 = arith.addi %parallel_loop3A_604, %parallel_loop3A_397 : i32
          %parallel_loop3A_606 = arith.constant 0 : i32
          %parallel_loop3A_607 = arith.constant 0 : i32
          %parallel_loop3A_608 = tpu.memref_slice %arg12[%select_n3A_297, %parallel_loop3A_606, %parallel_loop3A_607] : memref<3x200x128xf32, #tpu.memory_space<vmem>> -> memref<1x200x128xf32, #tpu.memory_space<vmem>>
          %parallel_loop3A_609 = tpu.memref_squeeze %parallel_loop3A_608 : memref<1x200x128xf32, #tpu.memory_space<vmem>> -> memref<200x128xf32, #tpu.memory_space<vmem>>
          %parallel_loop3A_610 = arith.index_cast %parallel_loop3A_605 : i32 to index
          %parallel_loop3A_611 = arith.constant 0 : index
          %parallel_loop3A_612 = tpu.vector_load %parallel_loop3A_609[%parallel_loop3A_610, %parallel_loop3A_611] {strides = array<i32>} : memref<200x128xf32, #tpu.memory_space<vmem>>, vector<16xf32>,
          tpu.vector_store %parallel_loop3A_609[%parallel_loop3A_610, %parallel_loop3A_611], %parallel_loop3A_603 {strides = array<i32>} : memref<200x128xf32, #tpu.memory_space<vmem>>, vector<16xf32>,
          %parallel_loop3A_613 = arith.subf %parallel_loop3A_437, %parallel_loop3A_569 : vector<16xf32>
          %parallel_loop3A_614 = arith.mulf %parallel_loop3A_613, %parallel_loop3A_599 : vector<16xf32>
          %parallel_loop3A_615 = arith.mulf %parallel_loop3A_614, %get3A_9 : vector<16xf32>
          %parallel_loop3A_616 = arith.addf %parallel_loop3A_615, %get3A_25 : vector<16xf32>
          %parallel_loop3A_617 = arith.constant 0 : i32
          %parallel_loop3A_618 = arith.addi %parallel_loop3A_617, %parallel_loop3A_397 : i32
          %parallel_loop3A_619 = arith.constant 0 : i32
          %parallel_loop3A_620 = arith.constant 0 : i32
          %parallel_loop3A_621 = tpu.memref_slice %arg12[%select_n3A_297, %parallel_loop3A_619, %parallel_loop3A_620] : memref<3x200x128xf32, #tpu.memory_space<vmem>> -> memref<1x200x128xf32, #tpu.memory_space<vmem>>
          %parallel_loop3A_622 = tpu.memref_squeeze %parallel_loop3A_621 : memref<1x200x128xf32, #tpu.memory_space<vmem>> -> memref<200x128xf32, #tpu.memory_space<vmem>>
          %parallel_loop3A_623 = arith.index_cast %parallel_loop3A_618 : i32 to index
          %parallel_loop3A_624 = arith.constant 16 : index
          %parallel_loop3A_625 = tpu.vector_load %parallel_loop3A_622[%parallel_loop3A_623, %parallel_loop3A_624] {strides = array<i32>} : memref<200x128xf32, #tpu.memory_space<vmem>>, vector<16xf32>,
          tpu.vector_store %parallel_loop3A_622[%parallel_loop3A_623, %parallel_loop3A_624], %parallel_loop3A_616 {strides = array<i32>} : memref<200x128xf32, #tpu.memory_space<vmem>>, vector<16xf32>,
          %parallel_loop3A_626 = arith.subf %parallel_loop3A_454, %parallel_loop3A_569 : vector<16xf32>
          %parallel_loop3A_627 = arith.mulf %parallel_loop3A_626, %parallel_loop3A_599 : vector<16xf32>
          %parallel_loop3A_628 = arith.mulf %parallel_loop3A_627, %get3A_11 : vector<16xf32>
          %parallel_loop3A_629 = arith.addf %parallel_loop3A_628, %get3A_27 : vector<16xf32>
          %parallel_loop3A_630 = arith.constant 0 : i32
          %parallel_loop3A_631 = arith.addi %parallel_loop3A_630, %parallel_loop3A_397 : i32
          %parallel_loop3A_632 = arith.constant 0 : i32
          %parallel_loop3A_633 = arith.constant 0 : i32
          %parallel_loop3A_634 = tpu.memref_slice %arg12[%select_n3A_297, %parallel_loop3A_632, %parallel_loop3A_633] : memref<3x200x128xf32, #tpu.memory_space<vmem>> -> memref<1x200x128xf32, #tpu.memory_space<vmem>>
          %parallel_loop3A_635 = tpu.memref_squeeze %parallel_loop3A_634 : memref<1x200x128xf32, #tpu.memory_space<vmem>> -> memref<200x128xf32, #tpu.memory_space<vmem>>
          %parallel_loop3A_636 = arith.index_cast %parallel_loop3A_631 : i32 to index
          %parallel_loop3A_637 = arith.constant 32 : index
          %parallel_loop3A_638 = tpu.vector_load %parallel_loop3A_635[%parallel_loop3A_636, %parallel_loop3A_637] {strides = array<i32>} : memref<200x128xf32, #tpu.memory_space<vmem>>, vector<16xf32>,
          tpu.vector_store %parallel_loop3A_635[%parallel_loop3A_636, %parallel_loop3A_637], %parallel_loop3A_629 {strides = array<i32>} : memref<200x128xf32, #tpu.memory_space<vmem>>, vector<16xf32>,
          %parallel_loop3A_639 = arith.subf %parallel_loop3A_471, %parallel_loop3A_569 : vector<16xf32>
          %parallel_loop3A_640 = arith.mulf %parallel_loop3A_639, %parallel_loop3A_599 : vector<16xf32>
          %parallel_loop3A_641 = arith.mulf %parallel_loop3A_640, %get3A_13 : vector<16xf32>
          %parallel_loop3A_642 = arith.addf %parallel_loop3A_641, %get3A_29 : vector<16xf32>
          %parallel_loop3A_643 = arith.constant 0 : i32
          %parallel_loop3A_644 = arith.addi %parallel_loop3A_643, %parallel_loop3A_397 : i32
          %parallel_loop3A_645 = arith.constant 0 : i32
          %parallel_loop3A_646 = arith.constant 0 : i32
          %parallel_loop3A_647 = tpu.memref_slice %arg12[%select_n3A_297, %parallel_loop3A_645, %parallel_loop3A_646] : memref<3x200x128xf32, #tpu.memory_space<vmem>> -> memref<1x200x128xf32, #tpu.memory_space<vmem>>
          %parallel_loop3A_648 = tpu.memref_squeeze %parallel_loop3A_647 : memref<1x200x128xf32, #tpu.memory_space<vmem>> -> memref<200x128xf32, #tpu.memory_space<vmem>>
          %parallel_loop3A_649 = arith.index_cast %parallel_loop3A_644 : i32 to index
          %parallel_loop3A_650 = arith.constant 48 : index
          %parallel_loop3A_651 = tpu.vector_load %parallel_loop3A_648[%parallel_loop3A_649, %parallel_loop3A_650] {strides = array<i32>} : memref<200x128xf32, #tpu.memory_space<vmem>>, vector<16xf32>,
          tpu.vector_store %parallel_loop3A_648[%parallel_loop3A_649, %parallel_loop3A_650], %parallel_loop3A_642 {strides = array<i32>} : memref<200x128xf32, #tpu.memory_space<vmem>>, vector<16xf32>,
          %parallel_loop3A_652 = arith.subf %parallel_loop3A_488, %parallel_loop3A_569 : vector<16xf32>
          %parallel_loop3A_653 = arith.mulf %parallel_loop3A_652, %parallel_loop3A_599 : vector<16xf32>
          %parallel_loop3A_654 = arith.mulf %parallel_loop3A_653, %get3A_15 : vector<16xf32>
          %parallel_loop3A_655 = arith.addf %parallel_loop3A_654, %get3A_31 : vector<16xf32>
          %parallel_loop3A_656 = arith.constant 0 : i32
          %parallel_loop3A_657 = arith.addi %parallel_loop3A_656, %parallel_loop3A_397 : i32
          %parallel_loop3A_658 = arith.constant 0 : i32
          %parallel_loop3A_659 = arith.constant 0 : i32
          %parallel_loop3A_660 = tpu.memref_slice %arg12[%select_n3A_297, %parallel_loop3A_658, %parallel_loop3A_659] : memref<3x200x128xf32, #tpu.memory_space<vmem>> -> memref<1x200x128xf32, #tpu.memory_space<vmem>>
          %parallel_loop3A_661 = tpu.memref_squeeze %parallel_loop3A_660 : memref<1x200x128xf32, #tpu.memory_space<vmem>> -> memref<200x128xf32, #tpu.memory_space<vmem>>
          %parallel_loop3A_662 = arith.index_cast %parallel_loop3A_657 : i32 to index
          %parallel_loop3A_663 = arith.constant 64 : index
          %parallel_loop3A_664 = tpu.vector_load %parallel_loop3A_661[%parallel_loop3A_662, %parallel_loop3A_663] {strides = array<i32>} : memref<200x128xf32, #tpu.memory_space<vmem>>, vector<16xf32>,
          tpu.vector_store %parallel_loop3A_661[%parallel_loop3A_662, %parallel_loop3A_663], %parallel_loop3A_655 {strides = array<i32>} : memref<200x128xf32, #tpu.memory_space<vmem>>, vector<16xf32>,
          %parallel_loop3A_665 = arith.subf %parallel_loop3A_505, %parallel_loop3A_569 : vector<16xf32>
          %parallel_loop3A_666 = arith.mulf %parallel_loop3A_665, %parallel_loop3A_599 : vector<16xf32>
          %parallel_loop3A_667 = arith.mulf %parallel_loop3A_666, %get3A_17 : vector<16xf32>
          %parallel_loop3A_668 = arith.addf %parallel_loop3A_667, %get3A_33 : vector<16xf32>
          %parallel_loop3A_669 = arith.constant 0 : i32
          %parallel_loop3A_670 = arith.addi %parallel_loop3A_669, %parallel_loop3A_397 : i32
          %parallel_loop3A_671 = arith.constant 0 : i32
          %parallel_loop3A_672 = arith.constant 0 : i32
          %parallel_loop3A_673 = tpu.memref_slice %arg12[%select_n3A_297, %parallel_loop3A_671, %parallel_loop3A_672] : memref<3x200x128xf32, #tpu.memory_space<vmem>> -> memref<1x200x128xf32, #tpu.memory_space<vmem>>
          %parallel_loop3A_674 = tpu.memref_squeeze %parallel_loop3A_673 : memref<1x200x128xf32, #tpu.memory_space<vmem>> -> memref<200x128xf32, #tpu.memory_space<vmem>>
          %parallel_loop3A_675 = arith.index_cast %parallel_loop3A_670 : i32 to index
          %parallel_loop3A_676 = arith.constant 80 : index
          %parallel_loop3A_677 = tpu.vector_load %parallel_loop3A_674[%parallel_loop3A_675, %parallel_loop3A_676] {strides = array<i32>} : memref<200x128xf32, #tpu.memory_space<vmem>>, vector<16xf32>,
          tpu.vector_store %parallel_loop3A_674[%parallel_loop3A_675, %parallel_loop3A_676], %parallel_loop3A_668 {strides = array<i32>} : memref<200x128xf32, #tpu.memory_space<vmem>>, vector<16xf32>,
          %parallel_loop3A_678 = arith.subf %parallel_loop3A_522, %parallel_loop3A_569 : vector<16xf32>
          %parallel_loop3A_679 = arith.mulf %parallel_loop3A_678, %parallel_loop3A_599 : vector<16xf32>
          %parallel_loop3A_680 = arith.mulf %parallel_loop3A_679, %get3A_19 : vector<16xf32>
          %parallel_loop3A_681 = arith.addf %parallel_loop3A_680, %get3A_35 : vector<16xf32>
          %parallel_loop3A_682 = arith.constant 0 : i32
          %parallel_loop3A_683 = arith.addi %parallel_loop3A_682, %parallel_loop3A_397 : i32
          %parallel_loop3A_684 = arith.constant 0 : i32
          %parallel_loop3A_685 = arith.constant 0 : i32
          %parallel_loop3A_686 = tpu.memref_slice %arg12[%select_n3A_297, %parallel_loop3A_684, %parallel_loop3A_685] : memref<3x200x128xf32, #tpu.memory_space<vmem>> -> memref<1x200x128xf32, #tpu.memory_space<vmem>>
          %parallel_loop3A_687 = tpu.memref_squeeze %parallel_loop3A_686 : memref<1x200x128xf32, #tpu.memory_space<vmem>> -> memref<200x128xf32, #tpu.memory_space<vmem>>
          %parallel_loop3A_688 = arith.index_cast %parallel_loop3A_683 : i32 to index
          %parallel_loop3A_689 = arith.constant 96 : index
          %parallel_loop3A_690 = tpu.vector_load %parallel_loop3A_687[%parallel_loop3A_688, %parallel_loop3A_689] {strides = array<i32>} : memref<200x128xf32, #tpu.memory_space<vmem>>, vector<16xf32>,
          tpu.vector_store %parallel_loop3A_687[%parallel_loop3A_688, %parallel_loop3A_689], %parallel_loop3A_681 {strides = array<i32>} : memref<200x128xf32, #tpu.memory_space<vmem>>, vector<16xf32>,
          %parallel_loop3A_691 = arith.subf %parallel_loop3A_539, %parallel_loop3A_569 : vector<16xf32>
          %parallel_loop3A_692 = arith.mulf %parallel_loop3A_691, %parallel_loop3A_599 : vector<16xf32>
          %parallel_loop3A_693 = arith.mulf %parallel_loop3A_692, %get3A_21 : vector<16xf32>
          %parallel_loop3A_694 = arith.addf %parallel_loop3A_693, %get3A_37 : vector<16xf32>
          %parallel_loop3A_695 = arith.constant 0 : i32
          %parallel_loop3A_696 = arith.addi %parallel_loop3A_695, %parallel_loop3A_397 : i32
          %parallel_loop3A_697 = arith.constant 0 : i32
          %parallel_loop3A_698 = arith.constant 0 : i32
          %parallel_loop3A_699 = tpu.memref_slice %arg12[%select_n3A_297, %parallel_loop3A_697, %parallel_loop3A_698] : memref<3x200x128xf32, #tpu.memory_space<vmem>> -> memref<1x200x128xf32, #tpu.memory_space<vmem>>
          %parallel_loop3A_700 = tpu.memref_squeeze %parallel_loop3A_699 : memref<1x200x128xf32, #tpu.memory_space<vmem>> -> memref<200x128xf32, #tpu.memory_space<vmem>>
          %parallel_loop3A_701 = arith.index_cast %parallel_loop3A_696 : i32 to index
          %parallel_loop3A_702 = arith.constant 112 : index
          %parallel_loop3A_703 = tpu.vector_load %parallel_loop3A_700[%parallel_loop3A_701, %parallel_loop3A_702] {strides = array<i32>} : memref<200x128xf32, #tpu.memory_space<vmem>>, vector<16xf32>,
          tpu.vector_store %parallel_loop3A_700[%parallel_loop3A_701, %parallel_loop3A_702], %parallel_loop3A_694 {strides = array<i32>} : memref<200x128xf32, #tpu.memory_space<vmem>>, vector<16xf32>,
        } {sc.loop_unroll_factor = 1 : i64, sc.parallel_access}
      } else {
      }
      %mul3A_339 = arith.constant 2 : i32
      %mul3A_340 = arith.muli %mul3A_339, %scan3A_287 : i32
      %add3A_341 = arith.constant 1 : i32
      %add3A_342 = arith.addi %mul3A_340, %add3A_341 : i32
      %convert_element_type3A_343 = arith.extui %eq3A_171 : i1 to i32
      %cond3A_344 = arith.constant 0 : i32
      %cond3A_345 = arith.cmpi ne, %convert_element_type3A_343, %cond3A_344 : i32
      scf.if %cond3A_345 {
        %parallel_loop3A = arith.constant 0 : i32
        %parallel_loop3A_395 = arith.constant 100 : i32
        %parallel_loop3A_396 = arith.constant 1 : i32
        scf.for %parallel_loop3A_397 = %parallel_loop3A to %parallel_loop3A_395 step %parallel_loop3A_396  : i32 {
          %parallel_loop3A_398 = vector.broadcast %parallel_loop3A_397 : i32 to vector<16xi32>
          %parallel_loop3A_399 = arith.constant 0 : i32
          %parallel_loop3A_400 = tpu.memref_slice %arg11[%add3A_342, %parallel_loop3A_399] : memref<64x100xi32, #tpu.memory_space<vmem>> -> memref<1x100xi32, #tpu.memory_space<vmem>>
          %parallel_loop3A_401 = tpu.memref_squeeze %parallel_loop3A_400 : memref<1x100xi32, #tpu.memory_space<vmem>> -> memref<100xi32, #tpu.memory_space<vmem>>
          %parallel_loop3A_402 = tpu.vector_load_idx %parallel_loop3A_401[%parallel_loop3A_398] : memref<100xi32, #tpu.memory_space<vmem>>[vector<16xi32>], vector<16xi32>,
          %parallel_loop3A_403 = arith.sitofp %parallel_loop3A_402 : vector<16xi32> to vector<16xf32>
          %parallel_loop3A_404 = arith.constant 100 : i32
          %parallel_loop3A_405 = arith.addi %parallel_loop3A_404, %parallel_loop3A_397 : i32
          %parallel_loop3A_406 = arith.constant 0 : i32
          %parallel_loop3A_407 = arith.constant 0 : i32
          %parallel_loop3A_408 = tpu.memref_slice %arg12[%select_n3A_297, %parallel_loop3A_406, %parallel_loop3A_407] : memref<3x200x128xf32, #tpu.memory_space<vmem>> -> memref<1x200x128xf32, #tpu.memory_space<vmem>>
          %parallel_loop3A_409 = tpu.memref_squeeze %parallel_loop3A_408 : memref<1x200x128xf32, #tpu.memory_space<vmem>> -> memref<200x128xf32, #tpu.memory_space<vmem>>
          %parallel_loop3A_410 = arith.index_cast %parallel_loop3A_405 : i32 to index
          %parallel_loop3A_411 = arith.constant 0 : index
          %parallel_loop3A_412 = tpu.vector_load %parallel_loop3A_409[%parallel_loop3A_410, %parallel_loop3A_411] {strides = array<i32>} : memref<200x128xf32, #tpu.memory_space<vmem>>, vector<16xf32>,
          %parallel_loop3A_413 = arith.constant 100 : i32
          %parallel_loop3A_414 = arith.addi %parallel_loop3A_413, %parallel_loop3A_397 : i32
          %parallel_loop3A_415 = arith.index_cast %parallel_loop3A_414 : i32 to index
          %parallel_loop3A_416 = arith.constant 0 : index
          %parallel_loop3A_417 = tpu.vector_load %arg13[%parallel_loop3A_415, %parallel_loop3A_416] {strides = array<i32>} : memref<200x128xf32, #tpu.memory_space<vmem>>, vector<16xf32>,
          %parallel_loop3A_418 = arith.addf %parallel_loop3A_412, %parallel_loop3A_417 : vector<16xf32>
          %parallel_loop3A_419 = arith.mulf %parallel_loop3A_403, %sub3A : vector<16xf32>
          %parallel_loop3A_420 = arith.addf %parallel_loop3A_418, %parallel_loop3A_419 : vector<16xf32>
          %parallel_loop3A_421 = arith.constant 100 : i32
          %parallel_loop3A_422 = arith.addi %parallel_loop3A_421, %parallel_loop3A_397 : i32
          %parallel_loop3A_423 = arith.constant 0 : i32
          %parallel_loop3A_424 = arith.constant 0 : i32
          %parallel_loop3A_425 = tpu.memref_slice %arg12[%select_n3A_297, %parallel_loop3A_423, %parallel_loop3A_424] : memref<3x200x128xf32, #tpu.memory_space<vmem>> -> memref<1x200x128xf32, #tpu.memory_space<vmem>>
          %parallel_loop3A_426 = tpu.memref_squeeze %parallel_loop3A_425 : memref<1x200x128xf32, #tpu.memory_space<vmem>> -> memref<200x128xf32, #tpu.memory_space<vmem>>
          %parallel_loop3A_427 = arith.index_cast %parallel_loop3A_422 : i32 to index
          %parallel_loop3A_428 = arith.constant 16 : index
          %parallel_loop3A_429 = tpu.vector_load %parallel_loop3A_426[%parallel_loop3A_427, %parallel_loop3A_428] {strides = array<i32>} : memref<200x128xf32, #tpu.memory_space<vmem>>, vector<16xf32>,
          %parallel_loop3A_430 = arith.constant 100 : i32
          %parallel_loop3A_431 = arith.addi %parallel_loop3A_430, %parallel_loop3A_397 : i32
          %parallel_loop3A_432 = arith.index_cast %parallel_loop3A_431 : i32 to index
          %parallel_loop3A_433 = arith.constant 16 : index
          %parallel_loop3A_434 = tpu.vector_load %arg13[%parallel_loop3A_432, %parallel_loop3A_433] {strides = array<i32>} : memref<200x128xf32, #tpu.memory_space<vmem>>, vector<16xf32>,
          %parallel_loop3A_435 = arith.addf %parallel_loop3A_429, %parallel_loop3A_434 : vector<16xf32>
          %parallel_loop3A_436 = arith.mulf %parallel_loop3A_403, %sub3A_78 : vector<16xf32>
          %parallel_loop3A_437 = arith.addf %parallel_loop3A_435, %parallel_loop3A_436 : vector<16xf32>
          %parallel_loop3A_438 = arith.constant 100 : i32
          %parallel_loop3A_439 = arith.addi %parallel_loop3A_438, %parallel_loop3A_397 : i32
          %parallel_loop3A_440 = arith.constant 0 : i32
          %parallel_loop3A_441 = arith.constant 0 : i32
          %parallel_loop3A_442 = tpu.memref_slice %arg12[%select_n3A_297, %parallel_loop3A_440, %parallel_loop3A_441] : memref<3x200x128xf32, #tpu.memory_space<vmem>> -> memref<1x200x128xf32, #tpu.memory_space<vmem>>
          %parallel_loop3A_443 = tpu.memref_squeeze %parallel_loop3A_442 : memref<1x200x128xf32, #tpu.memory_space<vmem>> -> memref<200x128xf32, #tpu.memory_space<vmem>>
          %parallel_loop3A_444 = arith.index_cast %parallel_loop3A_439 : i32 to index
          %parallel_loop3A_445 = arith.constant 32 : index
          %parallel_loop3A_446 = tpu.vector_load %parallel_loop3A_443[%parallel_loop3A_444, %parallel_loop3A_445] {strides = array<i32>} : memref<200x128xf32, #tpu.memory_space<vmem>>, vector<16xf32>,
          %parallel_loop3A_447 = arith.constant 100 : i32
          %parallel_loop3A_448 = arith.addi %parallel_loop3A_447, %parallel_loop3A_397 : i32
          %parallel_loop3A_449 = arith.index_cast %parallel_loop3A_448 : i32 to index
          %parallel_loop3A_450 = arith.constant 32 : index
          %parallel_loop3A_451 = tpu.vector_load %arg13[%parallel_loop3A_449, %parallel_loop3A_450] {strides = array<i32>} : memref<200x128xf32, #tpu.memory_space<vmem>>, vector<16xf32>,
          %parallel_loop3A_452 = arith.addf %parallel_loop3A_446, %parallel_loop3A_451 : vector<16xf32>
          %parallel_loop3A_453 = arith.mulf %parallel_loop3A_403, %sub3A_83 : vector<16xf32>
          %parallel_loop3A_454 = arith.addf %parallel_loop3A_452, %parallel_loop3A_453 : vector<16xf32>
          %parallel_loop3A_455 = arith.constant 100 : i32
          %parallel_loop3A_456 = arith.addi %parallel_loop3A_455, %parallel_loop3A_397 : i32
          %parallel_loop3A_457 = arith.constant 0 : i32
          %parallel_loop3A_458 = arith.constant 0 : i32
          %parallel_loop3A_459 = tpu.memref_slice %arg12[%select_n3A_297, %parallel_loop3A_457, %parallel_loop3A_458] : memref<3x200x128xf32, #tpu.memory_space<vmem>> -> memref<1x200x128xf32, #tpu.memory_space<vmem>>
          %parallel_loop3A_460 = tpu.memref_squeeze %parallel_loop3A_459 : memref<1x200x128xf32, #tpu.memory_space<vmem>> -> memref<200x128xf32, #tpu.memory_space<vmem>>
          %parallel_loop3A_461 = arith.index_cast %parallel_loop3A_456 : i32 to index
          %parallel_loop3A_462 = arith.constant 48 : index
          %parallel_loop3A_463 = tpu.vector_load %parallel_loop3A_460[%parallel_loop3A_461, %parallel_loop3A_462] {strides = array<i32>} : memref<200x128xf32, #tpu.memory_space<vmem>>, vector<16xf32>,
          %parallel_loop3A_464 = arith.constant 100 : i32
          %parallel_loop3A_465 = arith.addi %parallel_loop3A_464, %parallel_loop3A_397 : i32
          %parallel_loop3A_466 = arith.index_cast %parallel_loop3A_465 : i32 to index
          %parallel_loop3A_467 = arith.constant 48 : index
          %parallel_loop3A_468 = tpu.vector_load %arg13[%parallel_loop3A_466, %parallel_loop3A_467] {strides = array<i32>} : memref<200x128xf32, #tpu.memory_space<vmem>>, vector<16xf32>,
          %parallel_loop3A_469 = arith.addf %parallel_loop3A_463, %parallel_loop3A_468 : vector<16xf32>
          %parallel_loop3A_470 = arith.mulf %parallel_loop3A_403, %sub3A_88 : vector<16xf32>
          %parallel_loop3A_471 = arith.addf %parallel_loop3A_469, %parallel_loop3A_470 : vector<16xf32>
          %parallel_loop3A_472 = arith.constant 100 : i32
          %parallel_loop3A_473 = arith.addi %parallel_loop3A_472, %parallel_loop3A_397 : i32
          %parallel_loop3A_474 = arith.constant 0 : i32
          %parallel_loop3A_475 = arith.constant 0 : i32
          %parallel_loop3A_476 = tpu.memref_slice %arg12[%select_n3A_297, %parallel_loop3A_474, %parallel_loop3A_475] : memref<3x200x128xf32, #tpu.memory_space<vmem>> -> memref<1x200x128xf32, #tpu.memory_space<vmem>>
          %parallel_loop3A_477 = tpu.memref_squeeze %parallel_loop3A_476 : memref<1x200x128xf32, #tpu.memory_space<vmem>> -> memref<200x128xf32, #tpu.memory_space<vmem>>
          %parallel_loop3A_478 = arith.index_cast %parallel_loop3A_473 : i32 to index
          %parallel_loop3A_479 = arith.constant 64 : index
          %parallel_loop3A_480 = tpu.vector_load %parallel_loop3A_477[%parallel_loop3A_478, %parallel_loop3A_479] {strides = array<i32>} : memref<200x128xf32, #tpu.memory_space<vmem>>, vector<16xf32>,
          %parallel_loop3A_481 = arith.constant 100 : i32
          %parallel_loop3A_482 = arith.addi %parallel_loop3A_481, %parallel_loop3A_397 : i32
          %parallel_loop3A_483 = arith.index_cast %parallel_loop3A_482 : i32 to index
          %parallel_loop3A_484 = arith.constant 64 : index
          %parallel_loop3A_485 = tpu.vector_load %arg13[%parallel_loop3A_483, %parallel_loop3A_484] {strides = array<i32>} : memref<200x128xf32, #tpu.memory_space<vmem>>, vector<16xf32>,
          %parallel_loop3A_486 = arith.addf %parallel_loop3A_480, %parallel_loop3A_485 : vector<16xf32>
          %parallel_loop3A_487 = arith.mulf %parallel_loop3A_403, %sub3A_93 : vector<16xf32>
          %parallel_loop3A_488 = arith.addf %parallel_loop3A_486, %parallel_loop3A_487 : vector<16xf32>
          %parallel_loop3A_489 = arith.constant 100 : i32
          %parallel_loop3A_490 = arith.addi %parallel_loop3A_489, %parallel_loop3A_397 : i32
          %parallel_loop3A_491 = arith.constant 0 : i32
          %parallel_loop3A_492 = arith.constant 0 : i32
          %parallel_loop3A_493 = tpu.memref_slice %arg12[%select_n3A_297, %parallel_loop3A_491, %parallel_loop3A_492] : memref<3x200x128xf32, #tpu.memory_space<vmem>> -> memref<1x200x128xf32, #tpu.memory_space<vmem>>
          %parallel_loop3A_494 = tpu.memref_squeeze %parallel_loop3A_493 : memref<1x200x128xf32, #tpu.memory_space<vmem>> -> memref<200x128xf32, #tpu.memory_space<vmem>>
          %parallel_loop3A_495 = arith.index_cast %parallel_loop3A_490 : i32 to index
          %parallel_loop3A_496 = arith.constant 80 : index
          %parallel_loop3A_497 = tpu.vector_load %parallel_loop3A_494[%parallel_loop3A_495, %parallel_loop3A_496] {strides = array<i32>} : memref<200x128xf32, #tpu.memory_space<vmem>>, vector<16xf32>,
          %parallel_loop3A_498 = arith.constant 100 : i32
          %parallel_loop3A_499 = arith.addi %parallel_loop3A_498, %parallel_loop3A_397 : i32
          %parallel_loop3A_500 = arith.index_cast %parallel_loop3A_499 : i32 to index
          %parallel_loop3A_501 = arith.constant 80 : index
          %parallel_loop3A_502 = tpu.vector_load %arg13[%parallel_loop3A_500, %parallel_loop3A_501] {strides = array<i32>} : memref<200x128xf32, #tpu.memory_space<vmem>>, vector<16xf32>,
          %parallel_loop3A_503 = arith.addf %parallel_loop3A_497, %parallel_loop3A_502 : vector<16xf32>
          %parallel_loop3A_504 = arith.mulf %parallel_loop3A_403, %sub3A_98 : vector<16xf32>
          %parallel_loop3A_505 = arith.addf %parallel_loop3A_503, %parallel_loop3A_504 : vector<16xf32>
          %parallel_loop3A_506 = arith.constant 100 : i32
          %parallel_loop3A_507 = arith.addi %parallel_loop3A_506, %parallel_loop3A_397 : i32
          %parallel_loop3A_508 = arith.constant 0 : i32
          %parallel_loop3A_509 = arith.constant 0 : i32
          %parallel_loop3A_510 = tpu.memref_slice %arg12[%select_n3A_297, %parallel_loop3A_508, %parallel_loop3A_509] : memref<3x200x128xf32, #tpu.memory_space<vmem>> -> memref<1x200x128xf32, #tpu.memory_space<vmem>>
          %parallel_loop3A_511 = tpu.memref_squeeze %parallel_loop3A_510 : memref<1x200x128xf32, #tpu.memory_space<vmem>> -> memref<200x128xf32, #tpu.memory_space<vmem>>
          %parallel_loop3A_512 = arith.index_cast %parallel_loop3A_507 : i32 to index
          %parallel_loop3A_513 = arith.constant 96 : index
          %parallel_loop3A_514 = tpu.vector_load %parallel_loop3A_511[%parallel_loop3A_512, %parallel_loop3A_513] {strides = array<i32>} : memref<200x128xf32, #tpu.memory_space<vmem>>, vector<16xf32>,
          %parallel_loop3A_515 = arith.constant 100 : i32
          %parallel_loop3A_516 = arith.addi %parallel_loop3A_515, %parallel_loop3A_397 : i32
          %parallel_loop3A_517 = arith.index_cast %parallel_loop3A_516 : i32 to index
          %parallel_loop3A_518 = arith.constant 96 : index
          %parallel_loop3A_519 = tpu.vector_load %arg13[%parallel_loop3A_517, %parallel_loop3A_518] {strides = array<i32>} : memref<200x128xf32, #tpu.memory_space<vmem>>, vector<16xf32>,
          %parallel_loop3A_520 = arith.addf %parallel_loop3A_514, %parallel_loop3A_519 : vector<16xf32>
          %parallel_loop3A_521 = arith.mulf %parallel_loop3A_403, %sub3A_103 : vector<16xf32>
          %parallel_loop3A_522 = arith.addf %parallel_loop3A_520, %parallel_loop3A_521 : vector<16xf32>
          %parallel_loop3A_523 = arith.constant 100 : i32
          %parallel_loop3A_524 = arith.addi %parallel_loop3A_523, %parallel_loop3A_397 : i32
          %parallel_loop3A_525 = arith.constant 0 : i32
          %parallel_loop3A_526 = arith.constant 0 : i32
          %parallel_loop3A_527 = tpu.memref_slice %arg12[%select_n3A_297, %parallel_loop3A_525, %parallel_loop3A_526] : memref<3x200x128xf32, #tpu.memory_space<vmem>> -> memref<1x200x128xf32, #tpu.memory_space<vmem>>
          %parallel_loop3A_528 = tpu.memref_squeeze %parallel_loop3A_527 : memref<1x200x128xf32, #tpu.memory_space<vmem>> -> memref<200x128xf32, #tpu.memory_space<vmem>>
          %parallel_loop3A_529 = arith.index_cast %parallel_loop3A_524 : i32 to index
          %parallel_loop3A_530 = arith.constant 112 : index
          %parallel_loop3A_531 = tpu.vector_load %parallel_loop3A_528[%parallel_loop3A_529, %parallel_loop3A_530] {strides = array<i32>} : memref<200x128xf32, #tpu.memory_space<vmem>>, vector<16xf32>,
          %parallel_loop3A_532 = arith.constant 100 : i32
          %parallel_loop3A_533 = arith.addi %parallel_loop3A_532, %parallel_loop3A_397 : i32
          %parallel_loop3A_534 = arith.index_cast %parallel_loop3A_533 : i32 to index
          %parallel_loop3A_535 = arith.constant 112 : index
          %parallel_loop3A_536 = tpu.vector_load %arg13[%parallel_loop3A_534, %parallel_loop3A_535] {strides = array<i32>} : memref<200x128xf32, #tpu.memory_space<vmem>>, vector<16xf32>,
          %parallel_loop3A_537 = arith.addf %parallel_loop3A_531, %parallel_loop3A_536 : vector<16xf32>
          %parallel_loop3A_538 = arith.mulf %parallel_loop3A_403, %sub3A_108 : vector<16xf32>
          %parallel_loop3A_539 = arith.addf %parallel_loop3A_537, %parallel_loop3A_538 : vector<16xf32>
          %parallel_loop3A_540 = arith.addf %parallel_loop3A_420, %parallel_loop3A_437 : vector<16xf32>
          %parallel_loop3A_541 = arith.addf %parallel_loop3A_454, %parallel_loop3A_471 : vector<16xf32>
          %parallel_loop3A_542 = arith.addf %parallel_loop3A_540, %parallel_loop3A_541 : vector<16xf32>
          %parallel_loop3A_543 = arith.addf %parallel_loop3A_488, %parallel_loop3A_505 : vector<16xf32>
          %parallel_loop3A_544 = arith.addf %parallel_loop3A_522, %parallel_loop3A_539 : vector<16xf32>
          %parallel_loop3A_545 = arith.addf %parallel_loop3A_543, %parallel_loop3A_544 : vector<16xf32>
          %parallel_loop3A_546 = arith.addf %parallel_loop3A_542, %parallel_loop3A_545 : vector<16xf32>
          %parallel_loop3A_547 = arith.mulf %parallel_loop3A_420, %parallel_loop3A_420 : vector<16xf32>
          %parallel_loop3A_548 = arith.mulf %parallel_loop3A_437, %parallel_loop3A_437 : vector<16xf32>
          %parallel_loop3A_549 = arith.mulf %parallel_loop3A_454, %parallel_loop3A_454 : vector<16xf32>
          %parallel_loop3A_550 = arith.mulf %parallel_loop3A_471, %parallel_loop3A_471 : vector<16xf32>
          %parallel_loop3A_551 = arith.mulf %parallel_loop3A_488, %parallel_loop3A_488 : vector<16xf32>
          %parallel_loop3A_552 = arith.mulf %parallel_loop3A_505, %parallel_loop3A_505 : vector<16xf32>
          %parallel_loop3A_553 = arith.mulf %parallel_loop3A_522, %parallel_loop3A_522 : vector<16xf32>
          %parallel_loop3A_554 = arith.mulf %parallel_loop3A_539, %parallel_loop3A_539 : vector<16xf32>
          %parallel_loop3A_555 = arith.addf %parallel_loop3A_547, %parallel_loop3A_548 : vector<16xf32>
          %parallel_loop3A_556 = arith.addf %parallel_loop3A_549, %parallel_loop3A_550 : vector<16xf32>
          %parallel_loop3A_557 = arith.addf %parallel_loop3A_555, %parallel_loop3A_556 : vector<16xf32>
          %parallel_loop3A_558 = arith.addf %parallel_loop3A_551, %parallel_loop3A_552 : vector<16xf32>
          %parallel_loop3A_559 = arith.addf %parallel_loop3A_553, %parallel_loop3A_554 : vector<16xf32>
          %parallel_loop3A_560 = arith.addf %parallel_loop3A_558, %parallel_loop3A_559 : vector<16xf32>
          %parallel_loop3A_561 = arith.addf %parallel_loop3A_557, %parallel_loop3A_560 : vector<16xf32>
          %parallel_loop3A_562 = arith.constant true
          %parallel_loop3A_563 = vector.broadcast %parallel_loop3A_562 : i1 to vector<16xi1>
          %parallel_loop3A_564 = tpu.scan <sum>, %parallel_loop3A_546 masked %parallel_loop3A_563 : vector<16xf32>, vector<16xi1> -> vector<16xf32>
          %parallel_loop3A_565 = vector.extract %parallel_loop3A_564[15] : f32 from vector<16xf32>
          %parallel_loop3A_566 = vector.broadcast %parallel_loop3A_565 : f32 to vector<16xf32>
          %parallel_loop3A_567 = arith.constant 7.812500e-03 : f32
          %parallel_loop3A_568 = vector.broadcast %parallel_loop3A_567 : f32 to vector<16xf32>
          %parallel_loop3A_569 = arith.mulf %parallel_loop3A_566, %parallel_loop3A_568 : vector<16xf32>
          %parallel_loop3A_570 = arith.constant true
          %parallel_loop3A_571 = vector.broadcast %parallel_loop3A_570 : i1 to vector<16xi1>
          %parallel_loop3A_572 = tpu.scan <sum>, %parallel_loop3A_561 masked %parallel_loop3A_571 : vector<16xf32>, vector<16xi1> -> vector<16xf32>
          %parallel_loop3A_573 = vector.extract %parallel_loop3A_572[15] : f32 from vector<16xf32>
          %parallel_loop3A_574 = vector.broadcast %parallel_loop3A_573 : f32 to vector<16xf32>
          %parallel_loop3A_575 = arith.constant 7.812500e-03 : f32
          %parallel_loop3A_576 = vector.broadcast %parallel_loop3A_575 : f32 to vector<16xf32>
          %parallel_loop3A_577 = arith.mulf %parallel_loop3A_574, %parallel_loop3A_576 : vector<16xf32>
          %parallel_loop3A_578 = arith.mulf %parallel_loop3A_569, %parallel_loop3A_569 : vector<16xf32>
          %parallel_loop3A_579 = arith.subf %parallel_loop3A_577, %parallel_loop3A_578 : vector<16xf32>
          %parallel_loop3A_580 = arith.constant 9.99999996E-13 : f32
          %parallel_loop3A_581 = vector.broadcast %parallel_loop3A_580 : f32 to vector<16xf32>
          %parallel_loop3A_582 = arith.addf %parallel_loop3A_579, %parallel_loop3A_581 : vector<16xf32>
          %parallel_loop3A_583 = arith.constant 5.000000e-01 : f32
          %parallel_loop3A_584 = vector.broadcast %parallel_loop3A_583 : f32 to vector<16xf32>
          %parallel_loop3A_585 = arith.mulf %parallel_loop3A_582, %parallel_loop3A_584 : vector<16xf32>
          %parallel_loop3A_586 = vector.bitcast %parallel_loop3A_582 : vector<16xf32> to vector<16xi32>
          %parallel_loop3A_587 = arith.constant 1 : i32
          %parallel_loop3A_588 = vector.broadcast %parallel_loop3A_587 : i32 to vector<16xi32>
          %parallel_loop3A_589 = arith.shrui %parallel_loop3A_586, %parallel_loop3A_588 : vector<16xi32>
          %parallel_loop3A_590 = arith.constant 1597463007 : i32
          %parallel_loop3A_591 = vector.broadcast %parallel_loop3A_590 : i32 to vector<16xi32>
          %parallel_loop3A_592 = arith.subi %parallel_loop3A_591, %parallel_loop3A_589 : vector<16xi32>
          %parallel_loop3A_593 = vector.bitcast %parallel_loop3A_592 : vector<16xi32> to vector<16xf32>
          %parallel_loop3A_594 = arith.mulf %parallel_loop3A_585, %parallel_loop3A_593 : vector<16xf32>
          %parallel_loop3A_595 = arith.mulf %parallel_loop3A_594, %parallel_loop3A_593 : vector<16xf32>
          %parallel_loop3A_596 = arith.constant 1.500000e+00 : f32
          %parallel_loop3A_597 = vector.broadcast %parallel_loop3A_596 : f32 to vector<16xf32>
          %parallel_loop3A_598 = arith.subf %parallel_loop3A_597, %parallel_loop3A_595 : vector<16xf32>
          %parallel_loop3A_599 = arith.mulf %parallel_loop3A_593, %parallel_loop3A_598 : vector<16xf32>
          %parallel_loop3A_600 = arith.subf %parallel_loop3A_420, %parallel_loop3A_569 : vector<16xf32>
          %parallel_loop3A_601 = arith.mulf %parallel_loop3A_600, %parallel_loop3A_599 : vector<16xf32>
          %parallel_loop3A_602 = arith.constant 100 : i32
          %parallel_loop3A_603 = arith.addi %parallel_loop3A_602, %parallel_loop3A_397 : i32
          %parallel_loop3A_604 = arith.constant 0 : i32
          %parallel_loop3A_605 = arith.constant 0 : i32
          %parallel_loop3A_606 = tpu.memref_slice %arg12[%select_n3A_297, %parallel_loop3A_604, %parallel_loop3A_605] : memref<3x200x128xf32, #tpu.memory_space<vmem>> -> memref<1x200x128xf32, #tpu.memory_space<vmem>>
          %parallel_loop3A_607 = tpu.memref_squeeze %parallel_loop3A_606 : memref<1x200x128xf32, #tpu.memory_space<vmem>> -> memref<200x128xf32, #tpu.memory_space<vmem>>
          %parallel_loop3A_608 = arith.index_cast %parallel_loop3A_603 : i32 to index
          %parallel_loop3A_609 = arith.constant 0 : index
          %parallel_loop3A_610 = tpu.vector_load %parallel_loop3A_607[%parallel_loop3A_608, %parallel_loop3A_609] {strides = array<i32>} : memref<200x128xf32, #tpu.memory_space<vmem>>, vector<16xf32>,
          tpu.vector_store %parallel_loop3A_607[%parallel_loop3A_608, %parallel_loop3A_609], %parallel_loop3A_601 {strides = array<i32>} : memref<200x128xf32, #tpu.memory_space<vmem>>, vector<16xf32>,
          %parallel_loop3A_611 = arith.subf %parallel_loop3A_437, %parallel_loop3A_569 : vector<16xf32>
          %parallel_loop3A_612 = arith.mulf %parallel_loop3A_611, %parallel_loop3A_599 : vector<16xf32>
          %parallel_loop3A_613 = arith.constant 100 : i32
          %parallel_loop3A_614 = arith.addi %parallel_loop3A_613, %parallel_loop3A_397 : i32
          %parallel_loop3A_615 = arith.constant 0 : i32
          %parallel_loop3A_616 = arith.constant 0 : i32
          %parallel_loop3A_617 = tpu.memref_slice %arg12[%select_n3A_297, %parallel_loop3A_615, %parallel_loop3A_616] : memref<3x200x128xf32, #tpu.memory_space<vmem>> -> memref<1x200x128xf32, #tpu.memory_space<vmem>>
          %parallel_loop3A_618 = tpu.memref_squeeze %parallel_loop3A_617 : memref<1x200x128xf32, #tpu.memory_space<vmem>> -> memref<200x128xf32, #tpu.memory_space<vmem>>
          %parallel_loop3A_619 = arith.index_cast %parallel_loop3A_614 : i32 to index
          %parallel_loop3A_620 = arith.constant 16 : index
          %parallel_loop3A_621 = tpu.vector_load %parallel_loop3A_618[%parallel_loop3A_619, %parallel_loop3A_620] {strides = array<i32>} : memref<200x128xf32, #tpu.memory_space<vmem>>, vector<16xf32>,
          tpu.vector_store %parallel_loop3A_618[%parallel_loop3A_619, %parallel_loop3A_620], %parallel_loop3A_612 {strides = array<i32>} : memref<200x128xf32, #tpu.memory_space<vmem>>, vector<16xf32>,
          %parallel_loop3A_622 = arith.subf %parallel_loop3A_454, %parallel_loop3A_569 : vector<16xf32>
          %parallel_loop3A_623 = arith.mulf %parallel_loop3A_622, %parallel_loop3A_599 : vector<16xf32>
          %parallel_loop3A_624 = arith.constant 100 : i32
          %parallel_loop3A_625 = arith.addi %parallel_loop3A_624, %parallel_loop3A_397 : i32
          %parallel_loop3A_626 = arith.constant 0 : i32
          %parallel_loop3A_627 = arith.constant 0 : i32
          %parallel_loop3A_628 = tpu.memref_slice %arg12[%select_n3A_297, %parallel_loop3A_626, %parallel_loop3A_627] : memref<3x200x128xf32, #tpu.memory_space<vmem>> -> memref<1x200x128xf32, #tpu.memory_space<vmem>>
          %parallel_loop3A_629 = tpu.memref_squeeze %parallel_loop3A_628 : memref<1x200x128xf32, #tpu.memory_space<vmem>> -> memref<200x128xf32, #tpu.memory_space<vmem>>
          %parallel_loop3A_630 = arith.index_cast %parallel_loop3A_625 : i32 to index
          %parallel_loop3A_631 = arith.constant 32 : index
          %parallel_loop3A_632 = tpu.vector_load %parallel_loop3A_629[%parallel_loop3A_630, %parallel_loop3A_631] {strides = array<i32>} : memref<200x128xf32, #tpu.memory_space<vmem>>, vector<16xf32>,
          tpu.vector_store %parallel_loop3A_629[%parallel_loop3A_630, %parallel_loop3A_631], %parallel_loop3A_623 {strides = array<i32>} : memref<200x128xf32, #tpu.memory_space<vmem>>, vector<16xf32>,
          %parallel_loop3A_633 = arith.subf %parallel_loop3A_471, %parallel_loop3A_569 : vector<16xf32>
          %parallel_loop3A_634 = arith.mulf %parallel_loop3A_633, %parallel_loop3A_599 : vector<16xf32>
          %parallel_loop3A_635 = arith.constant 100 : i32
          %parallel_loop3A_636 = arith.addi %parallel_loop3A_635, %parallel_loop3A_397 : i32
          %parallel_loop3A_637 = arith.constant 0 : i32
          %parallel_loop3A_638 = arith.constant 0 : i32
          %parallel_loop3A_639 = tpu.memref_slice %arg12[%select_n3A_297, %parallel_loop3A_637, %parallel_loop3A_638] : memref<3x200x128xf32, #tpu.memory_space<vmem>> -> memref<1x200x128xf32, #tpu.memory_space<vmem>>
          %parallel_loop3A_640 = tpu.memref_squeeze %parallel_loop3A_639 : memref<1x200x128xf32, #tpu.memory_space<vmem>> -> memref<200x128xf32, #tpu.memory_space<vmem>>
          %parallel_loop3A_641 = arith.index_cast %parallel_loop3A_636 : i32 to index
          %parallel_loop3A_642 = arith.constant 48 : index
          %parallel_loop3A_643 = tpu.vector_load %parallel_loop3A_640[%parallel_loop3A_641, %parallel_loop3A_642] {strides = array<i32>} : memref<200x128xf32, #tpu.memory_space<vmem>>, vector<16xf32>,
          tpu.vector_store %parallel_loop3A_640[%parallel_loop3A_641, %parallel_loop3A_642], %parallel_loop3A_634 {strides = array<i32>} : memref<200x128xf32, #tpu.memory_space<vmem>>, vector<16xf32>,
          %parallel_loop3A_644 = arith.subf %parallel_loop3A_488, %parallel_loop3A_569 : vector<16xf32>
          %parallel_loop3A_645 = arith.mulf %parallel_loop3A_644, %parallel_loop3A_599 : vector<16xf32>
          %parallel_loop3A_646 = arith.constant 100 : i32
          %parallel_loop3A_647 = arith.addi %parallel_loop3A_646, %parallel_loop3A_397 : i32
          %parallel_loop3A_648 = arith.constant 0 : i32
          %parallel_loop3A_649 = arith.constant 0 : i32
          %parallel_loop3A_650 = tpu.memref_slice %arg12[%select_n3A_297, %parallel_loop3A_648, %parallel_loop3A_649] : memref<3x200x128xf32, #tpu.memory_space<vmem>> -> memref<1x200x128xf32, #tpu.memory_space<vmem>>
          %parallel_loop3A_651 = tpu.memref_squeeze %parallel_loop3A_650 : memref<1x200x128xf32, #tpu.memory_space<vmem>> -> memref<200x128xf32, #tpu.memory_space<vmem>>
          %parallel_loop3A_652 = arith.index_cast %parallel_loop3A_647 : i32 to index
          %parallel_loop3A_653 = arith.constant 64 : index
          %parallel_loop3A_654 = tpu.vector_load %parallel_loop3A_651[%parallel_loop3A_652, %parallel_loop3A_653] {strides = array<i32>} : memref<200x128xf32, #tpu.memory_space<vmem>>, vector<16xf32>,
          tpu.vector_store %parallel_loop3A_651[%parallel_loop3A_652, %parallel_loop3A_653], %parallel_loop3A_645 {strides = array<i32>} : memref<200x128xf32, #tpu.memory_space<vmem>>, vector<16xf32>,
          %parallel_loop3A_655 = arith.subf %parallel_loop3A_505, %parallel_loop3A_569 : vector<16xf32>
          %parallel_loop3A_656 = arith.mulf %parallel_loop3A_655, %parallel_loop3A_599 : vector<16xf32>
          %parallel_loop3A_657 = arith.constant 100 : i32
          %parallel_loop3A_658 = arith.addi %parallel_loop3A_657, %parallel_loop3A_397 : i32
          %parallel_loop3A_659 = arith.constant 0 : i32
          %parallel_loop3A_660 = arith.constant 0 : i32
          %parallel_loop3A_661 = tpu.memref_slice %arg12[%select_n3A_297, %parallel_loop3A_659, %parallel_loop3A_660] : memref<3x200x128xf32, #tpu.memory_space<vmem>> -> memref<1x200x128xf32, #tpu.memory_space<vmem>>
          %parallel_loop3A_662 = tpu.memref_squeeze %parallel_loop3A_661 : memref<1x200x128xf32, #tpu.memory_space<vmem>> -> memref<200x128xf32, #tpu.memory_space<vmem>>
          %parallel_loop3A_663 = arith.index_cast %parallel_loop3A_658 : i32 to index
          %parallel_loop3A_664 = arith.constant 80 : index
          %parallel_loop3A_665 = tpu.vector_load %parallel_loop3A_662[%parallel_loop3A_663, %parallel_loop3A_664] {strides = array<i32>} : memref<200x128xf32, #tpu.memory_space<vmem>>, vector<16xf32>,
          tpu.vector_store %parallel_loop3A_662[%parallel_loop3A_663, %parallel_loop3A_664], %parallel_loop3A_656 {strides = array<i32>} : memref<200x128xf32, #tpu.memory_space<vmem>>, vector<16xf32>,
          %parallel_loop3A_666 = arith.subf %parallel_loop3A_522, %parallel_loop3A_569 : vector<16xf32>
          %parallel_loop3A_667 = arith.mulf %parallel_loop3A_666, %parallel_loop3A_599 : vector<16xf32>
          %parallel_loop3A_668 = arith.constant 100 : i32
          %parallel_loop3A_669 = arith.addi %parallel_loop3A_668, %parallel_loop3A_397 : i32
          %parallel_loop3A_670 = arith.constant 0 : i32
          %parallel_loop3A_671 = arith.constant 0 : i32
          %parallel_loop3A_672 = tpu.memref_slice %arg12[%select_n3A_297, %parallel_loop3A_670, %parallel_loop3A_671] : memref<3x200x128xf32, #tpu.memory_space<vmem>> -> memref<1x200x128xf32, #tpu.memory_space<vmem>>
          %parallel_loop3A_673 = tpu.memref_squeeze %parallel_loop3A_672 : memref<1x200x128xf32, #tpu.memory_space<vmem>> -> memref<200x128xf32, #tpu.memory_space<vmem>>
          %parallel_loop3A_674 = arith.index_cast %parallel_loop3A_669 : i32 to index
          %parallel_loop3A_675 = arith.constant 96 : index
          %parallel_loop3A_676 = tpu.vector_load %parallel_loop3A_673[%parallel_loop3A_674, %parallel_loop3A_675] {strides = array<i32>} : memref<200x128xf32, #tpu.memory_space<vmem>>, vector<16xf32>,
          tpu.vector_store %parallel_loop3A_673[%parallel_loop3A_674, %parallel_loop3A_675], %parallel_loop3A_667 {strides = array<i32>} : memref<200x128xf32, #tpu.memory_space<vmem>>, vector<16xf32>,
          %parallel_loop3A_677 = arith.subf %parallel_loop3A_539, %parallel_loop3A_569 : vector<16xf32>
          %parallel_loop3A_678 = arith.mulf %parallel_loop3A_677, %parallel_loop3A_599 : vector<16xf32>
          %parallel_loop3A_679 = arith.constant 100 : i32
          %parallel_loop3A_680 = arith.addi %parallel_loop3A_679, %parallel_loop3A_397 : i32
          %parallel_loop3A_681 = arith.constant 0 : i32
          %parallel_loop3A_682 = arith.constant 0 : i32
          %parallel_loop3A_683 = tpu.memref_slice %arg12[%select_n3A_297, %parallel_loop3A_681, %parallel_loop3A_682] : memref<3x200x128xf32, #tpu.memory_space<vmem>> -> memref<1x200x128xf32, #tpu.memory_space<vmem>>
          %parallel_loop3A_684 = tpu.memref_squeeze %parallel_loop3A_683 : memref<1x200x128xf32, #tpu.memory_space<vmem>> -> memref<200x128xf32, #tpu.memory_space<vmem>>
          %parallel_loop3A_685 = arith.index_cast %parallel_loop3A_680 : i32 to index
          %parallel_loop3A_686 = arith.constant 112 : index
          %parallel_loop3A_687 = tpu.vector_load %parallel_loop3A_684[%parallel_loop3A_685, %parallel_loop3A_686] {strides = array<i32>} : memref<200x128xf32, #tpu.memory_space<vmem>>, vector<16xf32>,
          tpu.vector_store %parallel_loop3A_684[%parallel_loop3A_685, %parallel_loop3A_686], %parallel_loop3A_678 {strides = array<i32>} : memref<200x128xf32, #tpu.memory_space<vmem>>, vector<16xf32>,
        } {sc.loop_unroll_factor = 1 : i64, sc.parallel_access}
      } else {
      }
      %not3A_346 = arith.constant true
      %not3A_347 = arith.xori %eq3A_171, %not3A_346 : i1
      %convert_element_type3A_348 = arith.extui %not3A_347 : i1 to i32
      %cond3A_349 = arith.constant 0 : i32
      %cond3A_350 = arith.cmpi ne, %convert_element_type3A_348, %cond3A_349 : i32
      scf.if %cond3A_350 {
        %parallel_loop3A = arith.constant 0 : i32
        %parallel_loop3A_395 = arith.constant 100 : i32
        %parallel_loop3A_396 = arith.constant 1 : i32
        scf.for %parallel_loop3A_397 = %parallel_loop3A to %parallel_loop3A_395 step %parallel_loop3A_396  : i32 {
          %parallel_loop3A_398 = vector.broadcast %parallel_loop3A_397 : i32 to vector<16xi32>
          %parallel_loop3A_399 = arith.constant 0 : i32
          %parallel_loop3A_400 = tpu.memref_slice %arg11[%add3A_342, %parallel_loop3A_399] : memref<64x100xi32, #tpu.memory_space<vmem>> -> memref<1x100xi32, #tpu.memory_space<vmem>>
          %parallel_loop3A_401 = tpu.memref_squeeze %parallel_loop3A_400 : memref<1x100xi32, #tpu.memory_space<vmem>> -> memref<100xi32, #tpu.memory_space<vmem>>
          %parallel_loop3A_402 = tpu.vector_load_idx %parallel_loop3A_401[%parallel_loop3A_398] : memref<100xi32, #tpu.memory_space<vmem>>[vector<16xi32>], vector<16xi32>,
          %parallel_loop3A_403 = arith.sitofp %parallel_loop3A_402 : vector<16xi32> to vector<16xf32>
          %parallel_loop3A_404 = arith.constant 100 : i32
          %parallel_loop3A_405 = arith.addi %parallel_loop3A_404, %parallel_loop3A_397 : i32
          %parallel_loop3A_406 = arith.constant 0 : i32
          %parallel_loop3A_407 = arith.constant 0 : i32
          %parallel_loop3A_408 = tpu.memref_slice %arg12[%select_n3A_297, %parallel_loop3A_406, %parallel_loop3A_407] : memref<3x200x128xf32, #tpu.memory_space<vmem>> -> memref<1x200x128xf32, #tpu.memory_space<vmem>>
          %parallel_loop3A_409 = tpu.memref_squeeze %parallel_loop3A_408 : memref<1x200x128xf32, #tpu.memory_space<vmem>> -> memref<200x128xf32, #tpu.memory_space<vmem>>
          %parallel_loop3A_410 = arith.index_cast %parallel_loop3A_405 : i32 to index
          %parallel_loop3A_411 = arith.constant 0 : index
          %parallel_loop3A_412 = tpu.vector_load %parallel_loop3A_409[%parallel_loop3A_410, %parallel_loop3A_411] {strides = array<i32>} : memref<200x128xf32, #tpu.memory_space<vmem>>, vector<16xf32>,
          %parallel_loop3A_413 = arith.constant 100 : i32
          %parallel_loop3A_414 = arith.addi %parallel_loop3A_413, %parallel_loop3A_397 : i32
          %parallel_loop3A_415 = arith.index_cast %parallel_loop3A_414 : i32 to index
          %parallel_loop3A_416 = arith.constant 0 : index
          %parallel_loop3A_417 = tpu.vector_load %arg13[%parallel_loop3A_415, %parallel_loop3A_416] {strides = array<i32>} : memref<200x128xf32, #tpu.memory_space<vmem>>, vector<16xf32>,
          %parallel_loop3A_418 = arith.addf %parallel_loop3A_412, %parallel_loop3A_417 : vector<16xf32>
          %parallel_loop3A_419 = arith.mulf %parallel_loop3A_403, %sub3A : vector<16xf32>
          %parallel_loop3A_420 = arith.addf %parallel_loop3A_418, %parallel_loop3A_419 : vector<16xf32>
          %parallel_loop3A_421 = arith.constant 100 : i32
          %parallel_loop3A_422 = arith.addi %parallel_loop3A_421, %parallel_loop3A_397 : i32
          %parallel_loop3A_423 = arith.constant 0 : i32
          %parallel_loop3A_424 = arith.constant 0 : i32
          %parallel_loop3A_425 = tpu.memref_slice %arg12[%select_n3A_297, %parallel_loop3A_423, %parallel_loop3A_424] : memref<3x200x128xf32, #tpu.memory_space<vmem>> -> memref<1x200x128xf32, #tpu.memory_space<vmem>>
          %parallel_loop3A_426 = tpu.memref_squeeze %parallel_loop3A_425 : memref<1x200x128xf32, #tpu.memory_space<vmem>> -> memref<200x128xf32, #tpu.memory_space<vmem>>
          %parallel_loop3A_427 = arith.index_cast %parallel_loop3A_422 : i32 to index
          %parallel_loop3A_428 = arith.constant 16 : index
          %parallel_loop3A_429 = tpu.vector_load %parallel_loop3A_426[%parallel_loop3A_427, %parallel_loop3A_428] {strides = array<i32>} : memref<200x128xf32, #tpu.memory_space<vmem>>, vector<16xf32>,
          %parallel_loop3A_430 = arith.constant 100 : i32
          %parallel_loop3A_431 = arith.addi %parallel_loop3A_430, %parallel_loop3A_397 : i32
          %parallel_loop3A_432 = arith.index_cast %parallel_loop3A_431 : i32 to index
          %parallel_loop3A_433 = arith.constant 16 : index
          %parallel_loop3A_434 = tpu.vector_load %arg13[%parallel_loop3A_432, %parallel_loop3A_433] {strides = array<i32>} : memref<200x128xf32, #tpu.memory_space<vmem>>, vector<16xf32>,
          %parallel_loop3A_435 = arith.addf %parallel_loop3A_429, %parallel_loop3A_434 : vector<16xf32>
          %parallel_loop3A_436 = arith.mulf %parallel_loop3A_403, %sub3A_78 : vector<16xf32>
          %parallel_loop3A_437 = arith.addf %parallel_loop3A_435, %parallel_loop3A_436 : vector<16xf32>
          %parallel_loop3A_438 = arith.constant 100 : i32
          %parallel_loop3A_439 = arith.addi %parallel_loop3A_438, %parallel_loop3A_397 : i32
          %parallel_loop3A_440 = arith.constant 0 : i32
          %parallel_loop3A_441 = arith.constant 0 : i32
          %parallel_loop3A_442 = tpu.memref_slice %arg12[%select_n3A_297, %parallel_loop3A_440, %parallel_loop3A_441] : memref<3x200x128xf32, #tpu.memory_space<vmem>> -> memref<1x200x128xf32, #tpu.memory_space<vmem>>
          %parallel_loop3A_443 = tpu.memref_squeeze %parallel_loop3A_442 : memref<1x200x128xf32, #tpu.memory_space<vmem>> -> memref<200x128xf32, #tpu.memory_space<vmem>>
          %parallel_loop3A_444 = arith.index_cast %parallel_loop3A_439 : i32 to index
          %parallel_loop3A_445 = arith.constant 32 : index
          %parallel_loop3A_446 = tpu.vector_load %parallel_loop3A_443[%parallel_loop3A_444, %parallel_loop3A_445] {strides = array<i32>} : memref<200x128xf32, #tpu.memory_space<vmem>>, vector<16xf32>,
          %parallel_loop3A_447 = arith.constant 100 : i32
          %parallel_loop3A_448 = arith.addi %parallel_loop3A_447, %parallel_loop3A_397 : i32
          %parallel_loop3A_449 = arith.index_cast %parallel_loop3A_448 : i32 to index
          %parallel_loop3A_450 = arith.constant 32 : index
          %parallel_loop3A_451 = tpu.vector_load %arg13[%parallel_loop3A_449, %parallel_loop3A_450] {strides = array<i32>} : memref<200x128xf32, #tpu.memory_space<vmem>>, vector<16xf32>,
          %parallel_loop3A_452 = arith.addf %parallel_loop3A_446, %parallel_loop3A_451 : vector<16xf32>
          %parallel_loop3A_453 = arith.mulf %parallel_loop3A_403, %sub3A_83 : vector<16xf32>
          %parallel_loop3A_454 = arith.addf %parallel_loop3A_452, %parallel_loop3A_453 : vector<16xf32>
          %parallel_loop3A_455 = arith.constant 100 : i32
          %parallel_loop3A_456 = arith.addi %parallel_loop3A_455, %parallel_loop3A_397 : i32
          %parallel_loop3A_457 = arith.constant 0 : i32
          %parallel_loop3A_458 = arith.constant 0 : i32
          %parallel_loop3A_459 = tpu.memref_slice %arg12[%select_n3A_297, %parallel_loop3A_457, %parallel_loop3A_458] : memref<3x200x128xf32, #tpu.memory_space<vmem>> -> memref<1x200x128xf32, #tpu.memory_space<vmem>>
          %parallel_loop3A_460 = tpu.memref_squeeze %parallel_loop3A_459 : memref<1x200x128xf32, #tpu.memory_space<vmem>> -> memref<200x128xf32, #tpu.memory_space<vmem>>
          %parallel_loop3A_461 = arith.index_cast %parallel_loop3A_456 : i32 to index
          %parallel_loop3A_462 = arith.constant 48 : index
          %parallel_loop3A_463 = tpu.vector_load %parallel_loop3A_460[%parallel_loop3A_461, %parallel_loop3A_462] {strides = array<i32>} : memref<200x128xf32, #tpu.memory_space<vmem>>, vector<16xf32>,
          %parallel_loop3A_464 = arith.constant 100 : i32
          %parallel_loop3A_465 = arith.addi %parallel_loop3A_464, %parallel_loop3A_397 : i32
          %parallel_loop3A_466 = arith.index_cast %parallel_loop3A_465 : i32 to index
          %parallel_loop3A_467 = arith.constant 48 : index
          %parallel_loop3A_468 = tpu.vector_load %arg13[%parallel_loop3A_466, %parallel_loop3A_467] {strides = array<i32>} : memref<200x128xf32, #tpu.memory_space<vmem>>, vector<16xf32>,
          %parallel_loop3A_469 = arith.addf %parallel_loop3A_463, %parallel_loop3A_468 : vector<16xf32>
          %parallel_loop3A_470 = arith.mulf %parallel_loop3A_403, %sub3A_88 : vector<16xf32>
          %parallel_loop3A_471 = arith.addf %parallel_loop3A_469, %parallel_loop3A_470 : vector<16xf32>
          %parallel_loop3A_472 = arith.constant 100 : i32
          %parallel_loop3A_473 = arith.addi %parallel_loop3A_472, %parallel_loop3A_397 : i32
          %parallel_loop3A_474 = arith.constant 0 : i32
          %parallel_loop3A_475 = arith.constant 0 : i32
          %parallel_loop3A_476 = tpu.memref_slice %arg12[%select_n3A_297, %parallel_loop3A_474, %parallel_loop3A_475] : memref<3x200x128xf32, #tpu.memory_space<vmem>> -> memref<1x200x128xf32, #tpu.memory_space<vmem>>
          %parallel_loop3A_477 = tpu.memref_squeeze %parallel_loop3A_476 : memref<1x200x128xf32, #tpu.memory_space<vmem>> -> memref<200x128xf32, #tpu.memory_space<vmem>>
          %parallel_loop3A_478 = arith.index_cast %parallel_loop3A_473 : i32 to index
          %parallel_loop3A_479 = arith.constant 64 : index
          %parallel_loop3A_480 = tpu.vector_load %parallel_loop3A_477[%parallel_loop3A_478, %parallel_loop3A_479] {strides = array<i32>} : memref<200x128xf32, #tpu.memory_space<vmem>>, vector<16xf32>,
          %parallel_loop3A_481 = arith.constant 100 : i32
          %parallel_loop3A_482 = arith.addi %parallel_loop3A_481, %parallel_loop3A_397 : i32
          %parallel_loop3A_483 = arith.index_cast %parallel_loop3A_482 : i32 to index
          %parallel_loop3A_484 = arith.constant 64 : index
          %parallel_loop3A_485 = tpu.vector_load %arg13[%parallel_loop3A_483, %parallel_loop3A_484] {strides = array<i32>} : memref<200x128xf32, #tpu.memory_space<vmem>>, vector<16xf32>,
          %parallel_loop3A_486 = arith.addf %parallel_loop3A_480, %parallel_loop3A_485 : vector<16xf32>
          %parallel_loop3A_487 = arith.mulf %parallel_loop3A_403, %sub3A_93 : vector<16xf32>
          %parallel_loop3A_488 = arith.addf %parallel_loop3A_486, %parallel_loop3A_487 : vector<16xf32>
          %parallel_loop3A_489 = arith.constant 100 : i32
          %parallel_loop3A_490 = arith.addi %parallel_loop3A_489, %parallel_loop3A_397 : i32
          %parallel_loop3A_491 = arith.constant 0 : i32
          %parallel_loop3A_492 = arith.constant 0 : i32
          %parallel_loop3A_493 = tpu.memref_slice %arg12[%select_n3A_297, %parallel_loop3A_491, %parallel_loop3A_492] : memref<3x200x128xf32, #tpu.memory_space<vmem>> -> memref<1x200x128xf32, #tpu.memory_space<vmem>>
          %parallel_loop3A_494 = tpu.memref_squeeze %parallel_loop3A_493 : memref<1x200x128xf32, #tpu.memory_space<vmem>> -> memref<200x128xf32, #tpu.memory_space<vmem>>
          %parallel_loop3A_495 = arith.index_cast %parallel_loop3A_490 : i32 to index
          %parallel_loop3A_496 = arith.constant 80 : index
          %parallel_loop3A_497 = tpu.vector_load %parallel_loop3A_494[%parallel_loop3A_495, %parallel_loop3A_496] {strides = array<i32>} : memref<200x128xf32, #tpu.memory_space<vmem>>, vector<16xf32>,
          %parallel_loop3A_498 = arith.constant 100 : i32
          %parallel_loop3A_499 = arith.addi %parallel_loop3A_498, %parallel_loop3A_397 : i32
          %parallel_loop3A_500 = arith.index_cast %parallel_loop3A_499 : i32 to index
          %parallel_loop3A_501 = arith.constant 80 : index
          %parallel_loop3A_502 = tpu.vector_load %arg13[%parallel_loop3A_500, %parallel_loop3A_501] {strides = array<i32>} : memref<200x128xf32, #tpu.memory_space<vmem>>, vector<16xf32>,
          %parallel_loop3A_503 = arith.addf %parallel_loop3A_497, %parallel_loop3A_502 : vector<16xf32>
          %parallel_loop3A_504 = arith.mulf %parallel_loop3A_403, %sub3A_98 : vector<16xf32>
          %parallel_loop3A_505 = arith.addf %parallel_loop3A_503, %parallel_loop3A_504 : vector<16xf32>
          %parallel_loop3A_506 = arith.constant 100 : i32
          %parallel_loop3A_507 = arith.addi %parallel_loop3A_506, %parallel_loop3A_397 : i32
          %parallel_loop3A_508 = arith.constant 0 : i32
          %parallel_loop3A_509 = arith.constant 0 : i32
          %parallel_loop3A_510 = tpu.memref_slice %arg12[%select_n3A_297, %parallel_loop3A_508, %parallel_loop3A_509] : memref<3x200x128xf32, #tpu.memory_space<vmem>> -> memref<1x200x128xf32, #tpu.memory_space<vmem>>
          %parallel_loop3A_511 = tpu.memref_squeeze %parallel_loop3A_510 : memref<1x200x128xf32, #tpu.memory_space<vmem>> -> memref<200x128xf32, #tpu.memory_space<vmem>>
          %parallel_loop3A_512 = arith.index_cast %parallel_loop3A_507 : i32 to index
          %parallel_loop3A_513 = arith.constant 96 : index
          %parallel_loop3A_514 = tpu.vector_load %parallel_loop3A_511[%parallel_loop3A_512, %parallel_loop3A_513] {strides = array<i32>} : memref<200x128xf32, #tpu.memory_space<vmem>>, vector<16xf32>,
          %parallel_loop3A_515 = arith.constant 100 : i32
          %parallel_loop3A_516 = arith.addi %parallel_loop3A_515, %parallel_loop3A_397 : i32
          %parallel_loop3A_517 = arith.index_cast %parallel_loop3A_516 : i32 to index
          %parallel_loop3A_518 = arith.constant 96 : index
          %parallel_loop3A_519 = tpu.vector_load %arg13[%parallel_loop3A_517, %parallel_loop3A_518] {strides = array<i32>} : memref<200x128xf32, #tpu.memory_space<vmem>>, vector<16xf32>,
          %parallel_loop3A_520 = arith.addf %parallel_loop3A_514, %parallel_loop3A_519 : vector<16xf32>
          %parallel_loop3A_521 = arith.mulf %parallel_loop3A_403, %sub3A_103 : vector<16xf32>
          %parallel_loop3A_522 = arith.addf %parallel_loop3A_520, %parallel_loop3A_521 : vector<16xf32>
          %parallel_loop3A_523 = arith.constant 100 : i32
          %parallel_loop3A_524 = arith.addi %parallel_loop3A_523, %parallel_loop3A_397 : i32
          %parallel_loop3A_525 = arith.constant 0 : i32
          %parallel_loop3A_526 = arith.constant 0 : i32
          %parallel_loop3A_527 = tpu.memref_slice %arg12[%select_n3A_297, %parallel_loop3A_525, %parallel_loop3A_526] : memref<3x200x128xf32, #tpu.memory_space<vmem>> -> memref<1x200x128xf32, #tpu.memory_space<vmem>>
          %parallel_loop3A_528 = tpu.memref_squeeze %parallel_loop3A_527 : memref<1x200x128xf32, #tpu.memory_space<vmem>> -> memref<200x128xf32, #tpu.memory_space<vmem>>
          %parallel_loop3A_529 = arith.index_cast %parallel_loop3A_524 : i32 to index
          %parallel_loop3A_530 = arith.constant 112 : index
          %parallel_loop3A_531 = tpu.vector_load %parallel_loop3A_528[%parallel_loop3A_529, %parallel_loop3A_530] {strides = array<i32>} : memref<200x128xf32, #tpu.memory_space<vmem>>, vector<16xf32>,
          %parallel_loop3A_532 = arith.constant 100 : i32
          %parallel_loop3A_533 = arith.addi %parallel_loop3A_532, %parallel_loop3A_397 : i32
          %parallel_loop3A_534 = arith.index_cast %parallel_loop3A_533 : i32 to index
          %parallel_loop3A_535 = arith.constant 112 : index
          %parallel_loop3A_536 = tpu.vector_load %arg13[%parallel_loop3A_534, %parallel_loop3A_535] {strides = array<i32>} : memref<200x128xf32, #tpu.memory_space<vmem>>, vector<16xf32>,
          %parallel_loop3A_537 = arith.addf %parallel_loop3A_531, %parallel_loop3A_536 : vector<16xf32>
          %parallel_loop3A_538 = arith.mulf %parallel_loop3A_403, %sub3A_108 : vector<16xf32>
          %parallel_loop3A_539 = arith.addf %parallel_loop3A_537, %parallel_loop3A_538 : vector<16xf32>
          %parallel_loop3A_540 = arith.addf %parallel_loop3A_420, %parallel_loop3A_437 : vector<16xf32>
          %parallel_loop3A_541 = arith.addf %parallel_loop3A_454, %parallel_loop3A_471 : vector<16xf32>
          %parallel_loop3A_542 = arith.addf %parallel_loop3A_540, %parallel_loop3A_541 : vector<16xf32>
          %parallel_loop3A_543 = arith.addf %parallel_loop3A_488, %parallel_loop3A_505 : vector<16xf32>
          %parallel_loop3A_544 = arith.addf %parallel_loop3A_522, %parallel_loop3A_539 : vector<16xf32>
          %parallel_loop3A_545 = arith.addf %parallel_loop3A_543, %parallel_loop3A_544 : vector<16xf32>
          %parallel_loop3A_546 = arith.addf %parallel_loop3A_542, %parallel_loop3A_545 : vector<16xf32>
          %parallel_loop3A_547 = arith.mulf %parallel_loop3A_420, %parallel_loop3A_420 : vector<16xf32>
          %parallel_loop3A_548 = arith.mulf %parallel_loop3A_437, %parallel_loop3A_437 : vector<16xf32>
          %parallel_loop3A_549 = arith.mulf %parallel_loop3A_454, %parallel_loop3A_454 : vector<16xf32>
          %parallel_loop3A_550 = arith.mulf %parallel_loop3A_471, %parallel_loop3A_471 : vector<16xf32>
          %parallel_loop3A_551 = arith.mulf %parallel_loop3A_488, %parallel_loop3A_488 : vector<16xf32>
          %parallel_loop3A_552 = arith.mulf %parallel_loop3A_505, %parallel_loop3A_505 : vector<16xf32>
          %parallel_loop3A_553 = arith.mulf %parallel_loop3A_522, %parallel_loop3A_522 : vector<16xf32>
          %parallel_loop3A_554 = arith.mulf %parallel_loop3A_539, %parallel_loop3A_539 : vector<16xf32>
          %parallel_loop3A_555 = arith.addf %parallel_loop3A_547, %parallel_loop3A_548 : vector<16xf32>
          %parallel_loop3A_556 = arith.addf %parallel_loop3A_549, %parallel_loop3A_550 : vector<16xf32>
          %parallel_loop3A_557 = arith.addf %parallel_loop3A_555, %parallel_loop3A_556 : vector<16xf32>
          %parallel_loop3A_558 = arith.addf %parallel_loop3A_551, %parallel_loop3A_552 : vector<16xf32>
          %parallel_loop3A_559 = arith.addf %parallel_loop3A_553, %parallel_loop3A_554 : vector<16xf32>
          %parallel_loop3A_560 = arith.addf %parallel_loop3A_558, %parallel_loop3A_559 : vector<16xf32>
          %parallel_loop3A_561 = arith.addf %parallel_loop3A_557, %parallel_loop3A_560 : vector<16xf32>
          %parallel_loop3A_562 = arith.constant true
          %parallel_loop3A_563 = vector.broadcast %parallel_loop3A_562 : i1 to vector<16xi1>
          %parallel_loop3A_564 = tpu.scan <sum>, %parallel_loop3A_546 masked %parallel_loop3A_563 : vector<16xf32>, vector<16xi1> -> vector<16xf32>
          %parallel_loop3A_565 = vector.extract %parallel_loop3A_564[15] : f32 from vector<16xf32>
          %parallel_loop3A_566 = vector.broadcast %parallel_loop3A_565 : f32 to vector<16xf32>
          %parallel_loop3A_567 = arith.constant 7.812500e-03 : f32
          %parallel_loop3A_568 = vector.broadcast %parallel_loop3A_567 : f32 to vector<16xf32>
          %parallel_loop3A_569 = arith.mulf %parallel_loop3A_566, %parallel_loop3A_568 : vector<16xf32>
          %parallel_loop3A_570 = arith.constant true
          %parallel_loop3A_571 = vector.broadcast %parallel_loop3A_570 : i1 to vector<16xi1>
          %parallel_loop3A_572 = tpu.scan <sum>, %parallel_loop3A_561 masked %parallel_loop3A_571 : vector<16xf32>, vector<16xi1> -> vector<16xf32>
          %parallel_loop3A_573 = vector.extract %parallel_loop3A_572[15] : f32 from vector<16xf32>
          %parallel_loop3A_574 = vector.broadcast %parallel_loop3A_573 : f32 to vector<16xf32>
          %parallel_loop3A_575 = arith.constant 7.812500e-03 : f32
          %parallel_loop3A_576 = vector.broadcast %parallel_loop3A_575 : f32 to vector<16xf32>
          %parallel_loop3A_577 = arith.mulf %parallel_loop3A_574, %parallel_loop3A_576 : vector<16xf32>
          %parallel_loop3A_578 = arith.mulf %parallel_loop3A_569, %parallel_loop3A_569 : vector<16xf32>
          %parallel_loop3A_579 = arith.subf %parallel_loop3A_577, %parallel_loop3A_578 : vector<16xf32>
          %parallel_loop3A_580 = arith.constant 9.99999996E-13 : f32
          %parallel_loop3A_581 = vector.broadcast %parallel_loop3A_580 : f32 to vector<16xf32>
          %parallel_loop3A_582 = arith.addf %parallel_loop3A_579, %parallel_loop3A_581 : vector<16xf32>
          %parallel_loop3A_583 = arith.constant 5.000000e-01 : f32
          %parallel_loop3A_584 = vector.broadcast %parallel_loop3A_583 : f32 to vector<16xf32>
          %parallel_loop3A_585 = arith.mulf %parallel_loop3A_582, %parallel_loop3A_584 : vector<16xf32>
          %parallel_loop3A_586 = vector.bitcast %parallel_loop3A_582 : vector<16xf32> to vector<16xi32>
          %parallel_loop3A_587 = arith.constant 1 : i32
          %parallel_loop3A_588 = vector.broadcast %parallel_loop3A_587 : i32 to vector<16xi32>
          %parallel_loop3A_589 = arith.shrui %parallel_loop3A_586, %parallel_loop3A_588 : vector<16xi32>
          %parallel_loop3A_590 = arith.constant 1597463007 : i32
          %parallel_loop3A_591 = vector.broadcast %parallel_loop3A_590 : i32 to vector<16xi32>
          %parallel_loop3A_592 = arith.subi %parallel_loop3A_591, %parallel_loop3A_589 : vector<16xi32>
          %parallel_loop3A_593 = vector.bitcast %parallel_loop3A_592 : vector<16xi32> to vector<16xf32>
          %parallel_loop3A_594 = arith.mulf %parallel_loop3A_585, %parallel_loop3A_593 : vector<16xf32>
          %parallel_loop3A_595 = arith.mulf %parallel_loop3A_594, %parallel_loop3A_593 : vector<16xf32>
          %parallel_loop3A_596 = arith.constant 1.500000e+00 : f32
          %parallel_loop3A_597 = vector.broadcast %parallel_loop3A_596 : f32 to vector<16xf32>
          %parallel_loop3A_598 = arith.subf %parallel_loop3A_597, %parallel_loop3A_595 : vector<16xf32>
          %parallel_loop3A_599 = arith.mulf %parallel_loop3A_593, %parallel_loop3A_598 : vector<16xf32>
          %parallel_loop3A_600 = arith.subf %parallel_loop3A_420, %parallel_loop3A_569 : vector<16xf32>
          %parallel_loop3A_601 = arith.mulf %parallel_loop3A_600, %parallel_loop3A_599 : vector<16xf32>
          %parallel_loop3A_602 = arith.mulf %parallel_loop3A_601, %get3A_7 : vector<16xf32>
          %parallel_loop3A_603 = arith.addf %parallel_loop3A_602, %get3A_23 : vector<16xf32>
          %parallel_loop3A_604 = arith.constant 100 : i32
          %parallel_loop3A_605 = arith.addi %parallel_loop3A_604, %parallel_loop3A_397 : i32
          %parallel_loop3A_606 = arith.constant 0 : i32
          %parallel_loop3A_607 = arith.constant 0 : i32
          %parallel_loop3A_608 = tpu.memref_slice %arg12[%select_n3A_297, %parallel_loop3A_606, %parallel_loop3A_607] : memref<3x200x128xf32, #tpu.memory_space<vmem>> -> memref<1x200x128xf32, #tpu.memory_space<vmem>>
          %parallel_loop3A_609 = tpu.memref_squeeze %parallel_loop3A_608 : memref<1x200x128xf32, #tpu.memory_space<vmem>> -> memref<200x128xf32, #tpu.memory_space<vmem>>
          %parallel_loop3A_610 = arith.index_cast %parallel_loop3A_605 : i32 to index
          %parallel_loop3A_611 = arith.constant 0 : index
          %parallel_loop3A_612 = tpu.vector_load %parallel_loop3A_609[%parallel_loop3A_610, %parallel_loop3A_611] {strides = array<i32>} : memref<200x128xf32, #tpu.memory_space<vmem>>, vector<16xf32>,
          tpu.vector_store %parallel_loop3A_609[%parallel_loop3A_610, %parallel_loop3A_611], %parallel_loop3A_603 {strides = array<i32>} : memref<200x128xf32, #tpu.memory_space<vmem>>, vector<16xf32>,
          %parallel_loop3A_613 = arith.subf %parallel_loop3A_437, %parallel_loop3A_569 : vector<16xf32>
          %parallel_loop3A_614 = arith.mulf %parallel_loop3A_613, %parallel_loop3A_599 : vector<16xf32>
          %parallel_loop3A_615 = arith.mulf %parallel_loop3A_614, %get3A_9 : vector<16xf32>
          %parallel_loop3A_616 = arith.addf %parallel_loop3A_615, %get3A_25 : vector<16xf32>
          %parallel_loop3A_617 = arith.constant 100 : i32
          %parallel_loop3A_618 = arith.addi %parallel_loop3A_617, %parallel_loop3A_397 : i32
          %parallel_loop3A_619 = arith.constant 0 : i32
          %parallel_loop3A_620 = arith.constant 0 : i32
          %parallel_loop3A_621 = tpu.memref_slice %arg12[%select_n3A_297, %parallel_loop3A_619, %parallel_loop3A_620] : memref<3x200x128xf32, #tpu.memory_space<vmem>> -> memref<1x200x128xf32, #tpu.memory_space<vmem>>
          %parallel_loop3A_622 = tpu.memref_squeeze %parallel_loop3A_621 : memref<1x200x128xf32, #tpu.memory_space<vmem>> -> memref<200x128xf32, #tpu.memory_space<vmem>>
          %parallel_loop3A_623 = arith.index_cast %parallel_loop3A_618 : i32 to index
          %parallel_loop3A_624 = arith.constant 16 : index
          %parallel_loop3A_625 = tpu.vector_load %parallel_loop3A_622[%parallel_loop3A_623, %parallel_loop3A_624] {strides = array<i32>} : memref<200x128xf32, #tpu.memory_space<vmem>>, vector<16xf32>,
          tpu.vector_store %parallel_loop3A_622[%parallel_loop3A_623, %parallel_loop3A_624], %parallel_loop3A_616 {strides = array<i32>} : memref<200x128xf32, #tpu.memory_space<vmem>>, vector<16xf32>,
          %parallel_loop3A_626 = arith.subf %parallel_loop3A_454, %parallel_loop3A_569 : vector<16xf32>
          %parallel_loop3A_627 = arith.mulf %parallel_loop3A_626, %parallel_loop3A_599 : vector<16xf32>
          %parallel_loop3A_628 = arith.mulf %parallel_loop3A_627, %get3A_11 : vector<16xf32>
          %parallel_loop3A_629 = arith.addf %parallel_loop3A_628, %get3A_27 : vector<16xf32>
          %parallel_loop3A_630 = arith.constant 100 : i32
          %parallel_loop3A_631 = arith.addi %parallel_loop3A_630, %parallel_loop3A_397 : i32
          %parallel_loop3A_632 = arith.constant 0 : i32
          %parallel_loop3A_633 = arith.constant 0 : i32
          %parallel_loop3A_634 = tpu.memref_slice %arg12[%select_n3A_297, %parallel_loop3A_632, %parallel_loop3A_633] : memref<3x200x128xf32, #tpu.memory_space<vmem>> -> memref<1x200x128xf32, #tpu.memory_space<vmem>>
          %parallel_loop3A_635 = tpu.memref_squeeze %parallel_loop3A_634 : memref<1x200x128xf32, #tpu.memory_space<vmem>> -> memref<200x128xf32, #tpu.memory_space<vmem>>
          %parallel_loop3A_636 = arith.index_cast %parallel_loop3A_631 : i32 to index
          %parallel_loop3A_637 = arith.constant 32 : index
          %parallel_loop3A_638 = tpu.vector_load %parallel_loop3A_635[%parallel_loop3A_636, %parallel_loop3A_637] {strides = array<i32>} : memref<200x128xf32, #tpu.memory_space<vmem>>, vector<16xf32>,
          tpu.vector_store %parallel_loop3A_635[%parallel_loop3A_636, %parallel_loop3A_637], %parallel_loop3A_629 {strides = array<i32>} : memref<200x128xf32, #tpu.memory_space<vmem>>, vector<16xf32>,
          %parallel_loop3A_639 = arith.subf %parallel_loop3A_471, %parallel_loop3A_569 : vector<16xf32>
          %parallel_loop3A_640 = arith.mulf %parallel_loop3A_639, %parallel_loop3A_599 : vector<16xf32>
          %parallel_loop3A_641 = arith.mulf %parallel_loop3A_640, %get3A_13 : vector<16xf32>
          %parallel_loop3A_642 = arith.addf %parallel_loop3A_641, %get3A_29 : vector<16xf32>
          %parallel_loop3A_643 = arith.constant 100 : i32
          %parallel_loop3A_644 = arith.addi %parallel_loop3A_643, %parallel_loop3A_397 : i32
          %parallel_loop3A_645 = arith.constant 0 : i32
          %parallel_loop3A_646 = arith.constant 0 : i32
          %parallel_loop3A_647 = tpu.memref_slice %arg12[%select_n3A_297, %parallel_loop3A_645, %parallel_loop3A_646] : memref<3x200x128xf32, #tpu.memory_space<vmem>> -> memref<1x200x128xf32, #tpu.memory_space<vmem>>
          %parallel_loop3A_648 = tpu.memref_squeeze %parallel_loop3A_647 : memref<1x200x128xf32, #tpu.memory_space<vmem>> -> memref<200x128xf32, #tpu.memory_space<vmem>>
          %parallel_loop3A_649 = arith.index_cast %parallel_loop3A_644 : i32 to index
          %parallel_loop3A_650 = arith.constant 48 : index
          %parallel_loop3A_651 = tpu.vector_load %parallel_loop3A_648[%parallel_loop3A_649, %parallel_loop3A_650] {strides = array<i32>} : memref<200x128xf32, #tpu.memory_space<vmem>>, vector<16xf32>,
          tpu.vector_store %parallel_loop3A_648[%parallel_loop3A_649, %parallel_loop3A_650], %parallel_loop3A_642 {strides = array<i32>} : memref<200x128xf32, #tpu.memory_space<vmem>>, vector<16xf32>,
          %parallel_loop3A_652 = arith.subf %parallel_loop3A_488, %parallel_loop3A_569 : vector<16xf32>
          %parallel_loop3A_653 = arith.mulf %parallel_loop3A_652, %parallel_loop3A_599 : vector<16xf32>
          %parallel_loop3A_654 = arith.mulf %parallel_loop3A_653, %get3A_15 : vector<16xf32>
          %parallel_loop3A_655 = arith.addf %parallel_loop3A_654, %get3A_31 : vector<16xf32>
          %parallel_loop3A_656 = arith.constant 100 : i32
          %parallel_loop3A_657 = arith.addi %parallel_loop3A_656, %parallel_loop3A_397 : i32
          %parallel_loop3A_658 = arith.constant 0 : i32
          %parallel_loop3A_659 = arith.constant 0 : i32
          %parallel_loop3A_660 = tpu.memref_slice %arg12[%select_n3A_297, %parallel_loop3A_658, %parallel_loop3A_659] : memref<3x200x128xf32, #tpu.memory_space<vmem>> -> memref<1x200x128xf32, #tpu.memory_space<vmem>>
          %parallel_loop3A_661 = tpu.memref_squeeze %parallel_loop3A_660 : memref<1x200x128xf32, #tpu.memory_space<vmem>> -> memref<200x128xf32, #tpu.memory_space<vmem>>
          %parallel_loop3A_662 = arith.index_cast %parallel_loop3A_657 : i32 to index
          %parallel_loop3A_663 = arith.constant 64 : index
          %parallel_loop3A_664 = tpu.vector_load %parallel_loop3A_661[%parallel_loop3A_662, %parallel_loop3A_663] {strides = array<i32>} : memref<200x128xf32, #tpu.memory_space<vmem>>, vector<16xf32>,
          tpu.vector_store %parallel_loop3A_661[%parallel_loop3A_662, %parallel_loop3A_663], %parallel_loop3A_655 {strides = array<i32>} : memref<200x128xf32, #tpu.memory_space<vmem>>, vector<16xf32>,
          %parallel_loop3A_665 = arith.subf %parallel_loop3A_505, %parallel_loop3A_569 : vector<16xf32>
          %parallel_loop3A_666 = arith.mulf %parallel_loop3A_665, %parallel_loop3A_599 : vector<16xf32>
          %parallel_loop3A_667 = arith.mulf %parallel_loop3A_666, %get3A_17 : vector<16xf32>
          %parallel_loop3A_668 = arith.addf %parallel_loop3A_667, %get3A_33 : vector<16xf32>
          %parallel_loop3A_669 = arith.constant 100 : i32
          %parallel_loop3A_670 = arith.addi %parallel_loop3A_669, %parallel_loop3A_397 : i32
          %parallel_loop3A_671 = arith.constant 0 : i32
          %parallel_loop3A_672 = arith.constant 0 : i32
          %parallel_loop3A_673 = tpu.memref_slice %arg12[%select_n3A_297, %parallel_loop3A_671, %parallel_loop3A_672] : memref<3x200x128xf32, #tpu.memory_space<vmem>> -> memref<1x200x128xf32, #tpu.memory_space<vmem>>
          %parallel_loop3A_674 = tpu.memref_squeeze %parallel_loop3A_673 : memref<1x200x128xf32, #tpu.memory_space<vmem>> -> memref<200x128xf32, #tpu.memory_space<vmem>>
          %parallel_loop3A_675 = arith.index_cast %parallel_loop3A_670 : i32 to index
          %parallel_loop3A_676 = arith.constant 80 : index
          %parallel_loop3A_677 = tpu.vector_load %parallel_loop3A_674[%parallel_loop3A_675, %parallel_loop3A_676] {strides = array<i32>} : memref<200x128xf32, #tpu.memory_space<vmem>>, vector<16xf32>,
          tpu.vector_store %parallel_loop3A_674[%parallel_loop3A_675, %parallel_loop3A_676], %parallel_loop3A_668 {strides = array<i32>} : memref<200x128xf32, #tpu.memory_space<vmem>>, vector<16xf32>,
          %parallel_loop3A_678 = arith.subf %parallel_loop3A_522, %parallel_loop3A_569 : vector<16xf32>
          %parallel_loop3A_679 = arith.mulf %parallel_loop3A_678, %parallel_loop3A_599 : vector<16xf32>
          %parallel_loop3A_680 = arith.mulf %parallel_loop3A_679, %get3A_19 : vector<16xf32>
          %parallel_loop3A_681 = arith.addf %parallel_loop3A_680, %get3A_35 : vector<16xf32>
          %parallel_loop3A_682 = arith.constant 100 : i32
          %parallel_loop3A_683 = arith.addi %parallel_loop3A_682, %parallel_loop3A_397 : i32
          %parallel_loop3A_684 = arith.constant 0 : i32
          %parallel_loop3A_685 = arith.constant 0 : i32
          %parallel_loop3A_686 = tpu.memref_slice %arg12[%select_n3A_297, %parallel_loop3A_684, %parallel_loop3A_685] : memref<3x200x128xf32, #tpu.memory_space<vmem>> -> memref<1x200x128xf32, #tpu.memory_space<vmem>>
          %parallel_loop3A_687 = tpu.memref_squeeze %parallel_loop3A_686 : memref<1x200x128xf32, #tpu.memory_space<vmem>> -> memref<200x128xf32, #tpu.memory_space<vmem>>
          %parallel_loop3A_688 = arith.index_cast %parallel_loop3A_683 : i32 to index
          %parallel_loop3A_689 = arith.constant 96 : index
          %parallel_loop3A_690 = tpu.vector_load %parallel_loop3A_687[%parallel_loop3A_688, %parallel_loop3A_689] {strides = array<i32>} : memref<200x128xf32, #tpu.memory_space<vmem>>, vector<16xf32>,
          tpu.vector_store %parallel_loop3A_687[%parallel_loop3A_688, %parallel_loop3A_689], %parallel_loop3A_681 {strides = array<i32>} : memref<200x128xf32, #tpu.memory_space<vmem>>, vector<16xf32>,
          %parallel_loop3A_691 = arith.subf %parallel_loop3A_539, %parallel_loop3A_569 : vector<16xf32>
          %parallel_loop3A_692 = arith.mulf %parallel_loop3A_691, %parallel_loop3A_599 : vector<16xf32>
          %parallel_loop3A_693 = arith.mulf %parallel_loop3A_692, %get3A_21 : vector<16xf32>
          %parallel_loop3A_694 = arith.addf %parallel_loop3A_693, %get3A_37 : vector<16xf32>
          %parallel_loop3A_695 = arith.constant 100 : i32
          %parallel_loop3A_696 = arith.addi %parallel_loop3A_695, %parallel_loop3A_397 : i32
          %parallel_loop3A_697 = arith.constant 0 : i32
          %parallel_loop3A_698 = arith.constant 0 : i32
          %parallel_loop3A_699 = tpu.memref_slice %arg12[%select_n3A_297, %parallel_loop3A_697, %parallel_loop3A_698] : memref<3x200x128xf32, #tpu.memory_space<vmem>> -> memref<1x200x128xf32, #tpu.memory_space<vmem>>
          %parallel_loop3A_700 = tpu.memref_squeeze %parallel_loop3A_699 : memref<1x200x128xf32, #tpu.memory_space<vmem>> -> memref<200x128xf32, #tpu.memory_space<vmem>>
          %parallel_loop3A_701 = arith.index_cast %parallel_loop3A_696 : i32 to index
          %parallel_loop3A_702 = arith.constant 112 : index
          %parallel_loop3A_703 = tpu.vector_load %parallel_loop3A_700[%parallel_loop3A_701, %parallel_loop3A_702] {strides = array<i32>} : memref<200x128xf32, #tpu.memory_space<vmem>>, vector<16xf32>,
          tpu.vector_store %parallel_loop3A_700[%parallel_loop3A_701, %parallel_loop3A_702], %parallel_loop3A_694 {strides = array<i32>} : memref<200x128xf32, #tpu.memory_space<vmem>>, vector<16xf32>,
        } {sc.loop_unroll_factor = 1 : i64, sc.parallel_access}
      } else {
      }
      %add3A_351 = arith.addi %mul3A_2, %scan3A_287 : i32
      %dma_start3A_352 = arith.constant 0 : i32
      %dma_start3A_353 = arith.constant 0 : i32
      %dma_start3A_354 = tpu.memref_slice %arg12[%select_n3A_297, %dma_start3A_352, %dma_start3A_353] : memref<3x200x128xf32, #tpu.memory_space<vmem>> -> memref<1x200x128xf32, #tpu.memory_space<vmem>>
      %dma_start3A_355 = arith.constant 0 : i32
      %dma_start3A_356 = arith.constant 0 : i32
      %dma_start3A_357 = tpu.memref_slice %arg9[%add3A_351, %dma_start3A_355, %dma_start3A_356] : memref<1024x200x128xf32, #tpu.memory_space<hbm>> -> memref<1x200x128xf32, #tpu.memory_space<hbm>>
      %dma_start3A_358 = tpu.memref_slice %arg18[%select_n3A_297] : memref<3x!tpu.dma_semaphore, #tpu.memory_space<semaphore_mem>> -> memref<1x!tpu.dma_semaphore, #tpu.memory_space<semaphore_mem>>
      %dma_start3A_359 = tpu.memref_squeeze %dma_start3A_358 : memref<1x!tpu.dma_semaphore, #tpu.memory_space<semaphore_mem>> -> memref<!tpu.dma_semaphore, #tpu.memory_space<semaphore_mem>>
      %dma_start3A_360 = arith.constant 0 : i32
      %dma_start3A_361 = arith.constant 0 : i32
      %dma_start3A_362 = tpu.memref_slice %arg9[%add3A_351, %dma_start3A_360, %dma_start3A_361] : memref<1024x200x128xf32, #tpu.memory_space<hbm>> -> memref<1x200x128xf32, #tpu.memory_space<hbm>>
      %dma_start3A_363 = arith.constant 0 : i32
      %dma_start3A_364 = arith.constant 0 : i32
      %dma_start3A_365 = tpu.memref_slice %arg12[%select_n3A_297, %dma_start3A_363, %dma_start3A_364] : memref<3x200x128xf32, #tpu.memory_space<vmem>> -> memref<1x200x128xf32, #tpu.memory_space<vmem>>
      tpu.enqueue_dma source(%dma_start3A_365 : memref<1x200x128xf32, #tpu.memory_space<vmem>>) target(%dma_start3A_362 : memref<1x200x128xf32, #tpu.memory_space<hbm>>) target_semaphore(%dma_start3A_359 : memref<!tpu.dma_semaphore, #tpu.memory_space<semaphore_mem>>)
      %add3A_366 = arith.constant 3 : i32
      %add3A_367 = arith.addi %scan3A_287, %add3A_366 : i32
      %sub3A_368 = arith.constant 1 : i32
      %sub3A_369 = arith.subi %add3A_367, %sub3A_368 : i32
      %add3A_370 = arith.constant 3 : i32
      %add3A_371 = arith.addi %select_n3A_297, %add3A_370 : i32
      %sub3A_372 = arith.constant 1 : i32
      %sub3A_373 = arith.subi %add3A_371, %sub3A_372 : i32
      %jit3A_374 = arith.constant 3 : i32
      %eq3A_375 = arith.constant 0 : i32
      %eq3A_376 = arith.cmpi eq, %jit3A_374, %eq3A_375 : i32
      %jit3A_377 = arith.constant 1 : i32
      %select_n3A_378 = arith.select %eq3A_376, %jit3A_377, %jit3A_374 : i32
      %rem3A_379 = arith.remsi %sub3A_373, %select_n3A_378 : i32
      %ne3A_380 = arith.constant 0 : i32
      %ne3A_381 = arith.cmpi ne, %rem3A_379, %ne3A_380 : i32
      %lt3A_382 = arith.constant 0 : i32
      %lt3A_383 = arith.cmpi slt, %rem3A_379, %lt3A_382 : i32
      %lt3A_384 = arith.constant 0 : i32
      %lt3A_385 = arith.cmpi slt, %select_n3A_378, %lt3A_384 : i32
      %ne3A_386 = arith.xori %lt3A_383, %lt3A_385 : i1
      %and3A_387 = arith.andi %ne3A_386, %ne3A_381 : i1
      %add3A_388 = arith.addi %rem3A_379, %select_n3A_378 : i32
      %select_n3A_389 = arith.select %and3A_387, %add3A_388, %rem3A_379 : i32
      %lt3A_390 = arith.constant 32 : i32
      %lt3A_391 = arith.cmpi slt, %sub3A_369, %lt3A_390 : i32
      %convert_element_type3A_392 = arith.extui %lt3A_391 : i1 to i32
      %cond3A_393 = arith.constant 0 : i32
      %cond3A_394 = arith.cmpi ne, %convert_element_type3A_392, %cond3A_393 : i32
      scf.if %cond3A_394 {
        %ge3A = arith.constant 3 : i32
        %ge3A_395 = arith.cmpi sge, %sub3A_369, %ge3A : i32
        %convert_element_type3A_396 = arith.extui %ge3A_395 : i1 to i32
        %cond3A_397 = arith.constant 0 : i32
        %cond3A_398 = arith.cmpi ne, %convert_element_type3A_396, %cond3A_397 : i32
        scf.if %cond3A_398 {
          %dma_wait3A_431 = arith.constant 0 : i32
          %dma_wait3A_432 = arith.constant 0 : i32
          %dma_wait3A_433 = tpu.memref_slice %arg12[%select_n3A_389, %dma_wait3A_431, %dma_wait3A_432] : memref<3x200x128xf32, #tpu.memory_space<vmem>> -> memref<1x200x128xf32, #tpu.memory_space<vmem>>
          %dma_wait3A_434 = arith.constant 0 : i32
          %dma_wait3A_435 = arith.constant 0 : i32
          %dma_wait3A_436 = tpu.memref_slice %arg9[%mul3A_2, %dma_wait3A_434, %dma_wait3A_435] : memref<1024x200x128xf32, #tpu.memory_space<hbm>> -> memref<1x200x128xf32, #tpu.memory_space<hbm>>
          %dma_wait3A_437 = tpu.memref_slice %arg18[%select_n3A_389] : memref<3x!tpu.dma_semaphore, #tpu.memory_space<semaphore_mem>> -> memref<1x!tpu.dma_semaphore, #tpu.memory_space<semaphore_mem>>
          %dma_wait3A_438 = tpu.memref_squeeze %dma_wait3A_437 : memref<1x!tpu.dma_semaphore, #tpu.memory_space<semaphore_mem>> -> memref<!tpu.dma_semaphore, #tpu.memory_space<semaphore_mem>>
          %dma_wait3A_439 = arith.constant 0 : i32
          %dma_wait3A_440 = arith.constant 0 : i32
          %dma_wait3A_441 = tpu.memref_slice %arg9[%mul3A_2, %dma_wait3A_439, %dma_wait3A_440] : memref<1024x200x128xf32, #tpu.memory_space<hbm>> -> memref<1x200x128xf32, #tpu.memory_space<hbm>>
          %dma_wait3A_442 = arith.constant 0 : i32
          %dma_wait3A_443 = arith.constant 0 : i32
          %dma_wait3A_444 = tpu.memref_slice %arg12[%select_n3A_389, %dma_wait3A_442, %dma_wait3A_443] : memref<3x200x128xf32, #tpu.memory_space<vmem>> -> memref<1x200x128xf32, #tpu.memory_space<vmem>>
          tpu.wait_dma2 semaphore(%dma_wait3A_438 : memref<!tpu.dma_semaphore, #tpu.memory_space<semaphore_mem>>) src(%dma_wait3A_444 : memref<1x200x128xf32, #tpu.memory_space<vmem>>) dst(%dma_wait3A_441 : memref<1x200x128xf32, #tpu.memory_space<hbm>>)
        } else {
        }
        %mul3A_399 = arith.constant 2 : i32
        %mul3A_400 = arith.muli %mul3A_399, %sub3A_369 : i32
        %add3A_401 = arith.constant 0 : i32
        %add3A_402 = arith.addi %mul3A_400, %add3A_401 : i32
        %dma_start3A_403 = arith.constant 0 : i32
        %dma_start3A_404 = arith.constant 0 : i32
        %dma_start3A_405 = tpu.memref_slice %arg12[%select_n3A_389, %dma_start3A_403, %dma_start3A_404] : memref<3x200x128xf32, #tpu.memory_space<vmem>> -> memref<1x100x128xf32, #tpu.memory_space<vmem>>
        %dma_start3A_406 = tpu.memref_squeeze %dma_start3A_405 : memref<1x100x128xf32, #tpu.memory_space<vmem>> -> memref<100x128xf32, #tpu.memory_space<vmem>>
        %dma_start3A_407 = arith.constant 0 : i32
        %dma_start3A_408 = tpu.memref_slice %arg10[%add3A_402, %dma_start3A_407] : memref<64x100xi32, #tpu.memory_space<vmem>> -> memref<1x100xi32, #tpu.memory_space<vmem>>
        %dma_start3A_409 = tpu.memref_squeeze %dma_start3A_408 : memref<1x100xi32, #tpu.memory_space<vmem>> -> memref<100xi32, #tpu.memory_space<vmem>>
        %dma_start3A_410 = arith.constant 0 : i32
        %dma_start3A_411 = arith.constant 0 : i32
        %dma_start3A_412 = tpu.memref_slice %arg4[%dma_start3A_410, %dma_start3A_411] : memref<100000x128xf32, #tpu.memory_space<hbm>> -> memref<100000x128xf32, #tpu.memory_space<hbm>>
        %dma_start3A_413 = tpu.memref_slice %arg17[%select_n3A_389] : memref<3x!tpu.dma_semaphore, #tpu.memory_space<semaphore_mem>> -> memref<1x!tpu.dma_semaphore, #tpu.memory_space<semaphore_mem>>
        %dma_start3A_414 = tpu.memref_squeeze %dma_start3A_413 : memref<1x!tpu.dma_semaphore, #tpu.memory_space<semaphore_mem>> -> memref<!tpu.dma_semaphore, #tpu.memory_space<semaphore_mem>>
        tpu.enqueue_indirect_dma source(%dma_start3A_412 : memref<100000x128xf32, #tpu.memory_space<hbm>>) target(%dma_start3A_406 : memref<100x128xf32, #tpu.memory_space<vmem>>) offsets(%dma_start3A_409 : memref<100xi32, #tpu.memory_space<vmem>>) semaphore(%dma_start3A_414 : memref<!tpu.dma_semaphore, #tpu.memory_space<semaphore_mem>>)
        %mul3A_415 = arith.constant 2 : i32
        %mul3A_416 = arith.muli %mul3A_415, %sub3A_369 : i32
        %add3A_417 = arith.constant 1 : i32
        %add3A_418 = arith.addi %mul3A_416, %add3A_417 : i32
        %dma_start3A_419 = arith.constant 100 : i32
        %dma_start3A_420 = arith.constant 0 : i32
        %dma_start3A_421 = tpu.memref_slice %arg12[%select_n3A_389, %dma_start3A_419, %dma_start3A_420] : memref<3x200x128xf32, #tpu.memory_space<vmem>> -> memref<1x100x128xf32, #tpu.memory_space<vmem>>
        %dma_start3A_422 = tpu.memref_squeeze %dma_start3A_421 : memref<1x100x128xf32, #tpu.memory_space<vmem>> -> memref<100x128xf32, #tpu.memory_space<vmem>>
        %dma_start3A_423 = arith.constant 0 : i32
        %dma_start3A_424 = tpu.memref_slice %arg10[%add3A_418, %dma_start3A_423] : memref<64x100xi32, #tpu.memory_space<vmem>> -> memref<1x100xi32, #tpu.memory_space<vmem>>
        %dma_start3A_425 = tpu.memref_squeeze %dma_start3A_424 : memref<1x100xi32, #tpu.memory_space<vmem>> -> memref<100xi32, #tpu.memory_space<vmem>>
        %dma_start3A_426 = arith.constant 0 : i32
        %dma_start3A_427 = arith.constant 0 : i32
        %dma_start3A_428 = tpu.memref_slice %arg4[%dma_start3A_426, %dma_start3A_427] : memref<100000x128xf32, #tpu.memory_space<hbm>> -> memref<100000x128xf32, #tpu.memory_space<hbm>>
        %dma_start3A_429 = tpu.memref_slice %arg17[%select_n3A_389] : memref<3x!tpu.dma_semaphore, #tpu.memory_space<semaphore_mem>> -> memref<1x!tpu.dma_semaphore, #tpu.memory_space<semaphore_mem>>
        %dma_start3A_430 = tpu.memref_squeeze %dma_start3A_429 : memref<1x!tpu.dma_semaphore, #tpu.memory_space<semaphore_mem>> -> memref<!tpu.dma_semaphore, #tpu.memory_space<semaphore_mem>>
        tpu.enqueue_indirect_dma source(%dma_start3A_428 : memref<100000x128xf32, #tpu.memory_space<hbm>>) target(%dma_start3A_422 : memref<100x128xf32, #tpu.memory_space<vmem>>) offsets(%dma_start3A_425 : memref<100xi32, #tpu.memory_space<vmem>>) semaphore(%dma_start3A_430 : memref<!tpu.dma_semaphore, #tpu.memory_space<semaphore_mem>>)
      } else {
      }
    }
    %scan3A_236 = arith.constant 32 : i32
    %dma_wait3A = arith.constant 0 : i32
    %dma_wait3A_237 = arith.constant 0 : i32
    %dma_wait3A_238 = arith.constant 0 : i32
    %dma_wait3A_239 = arith.constant 0 : i32
    %dma_wait3A_240 = tpu.memref_slice %arg12[%dma_wait3A_237, %dma_wait3A_238, %dma_wait3A_239] : memref<3x200x128xf32, #tpu.memory_space<vmem>> -> memref<1x200x128xf32, #tpu.memory_space<vmem>>
    %dma_wait3A_241 = arith.constant 0 : i32
    %dma_wait3A_242 = arith.constant 0 : i32
    %dma_wait3A_243 = tpu.memref_slice %arg9[%mul3A_2, %dma_wait3A_241, %dma_wait3A_242] : memref<1024x200x128xf32, #tpu.memory_space<hbm>> -> memref<1x200x128xf32, #tpu.memory_space<hbm>>
    %dma_wait3A_244 = tpu.memref_slice %arg18[%dma_wait3A] : memref<3x!tpu.dma_semaphore, #tpu.memory_space<semaphore_mem>> -> memref<1x!tpu.dma_semaphore, #tpu.memory_space<semaphore_mem>>
    %dma_wait3A_245 = tpu.memref_squeeze %dma_wait3A_244 : memref<1x!tpu.dma_semaphore, #tpu.memory_space<semaphore_mem>> -> memref<!tpu.dma_semaphore, #tpu.memory_space<semaphore_mem>>
    %dma_wait3A_246 = arith.constant 0 : i32
    %dma_wait3A_247 = arith.constant 0 : i32
    %dma_wait3A_248 = tpu.memref_slice %arg9[%mul3A_2, %dma_wait3A_246, %dma_wait3A_247] : memref<1024x200x128xf32, #tpu.memory_space<hbm>> -> memref<1x200x128xf32, #tpu.memory_space<hbm>>
    %dma_wait3A_249 = arith.constant 0 : i32
    %dma_wait3A_250 = arith.constant 0 : i32
    %dma_wait3A_251 = arith.constant 0 : i32
    %dma_wait3A_252 = tpu.memref_slice %arg12[%dma_wait3A_249, %dma_wait3A_250, %dma_wait3A_251] : memref<3x200x128xf32, #tpu.memory_space<vmem>> -> memref<1x200x128xf32, #tpu.memory_space<vmem>>
    tpu.wait_dma2 semaphore(%dma_wait3A_245 : memref<!tpu.dma_semaphore, #tpu.memory_space<semaphore_mem>>) src(%dma_wait3A_252 : memref<1x200x128xf32, #tpu.memory_space<vmem>>) dst(%dma_wait3A_248 : memref<1x200x128xf32, #tpu.memory_space<hbm>>)
    %dma_wait3A_253 = arith.constant 1 : i32
    %dma_wait3A_254 = arith.constant 1 : i32
    %dma_wait3A_255 = arith.constant 0 : i32
    %dma_wait3A_256 = arith.constant 0 : i32
    %dma_wait3A_257 = tpu.memref_slice %arg12[%dma_wait3A_254, %dma_wait3A_255, %dma_wait3A_256] : memref<3x200x128xf32, #tpu.memory_space<vmem>> -> memref<1x200x128xf32, #tpu.memory_space<vmem>>
    %dma_wait3A_258 = arith.constant 0 : i32
    %dma_wait3A_259 = arith.constant 0 : i32
    %dma_wait3A_260 = tpu.memref_slice %arg9[%mul3A_2, %dma_wait3A_258, %dma_wait3A_259] : memref<1024x200x128xf32, #tpu.memory_space<hbm>> -> memref<1x200x128xf32, #tpu.memory_space<hbm>>
    %dma_wait3A_261 = tpu.memref_slice %arg18[%dma_wait3A_253] : memref<3x!tpu.dma_semaphore, #tpu.memory_space<semaphore_mem>> -> memref<1x!tpu.dma_semaphore, #tpu.memory_space<semaphore_mem>>
    %dma_wait3A_262 = tpu.memref_squeeze %dma_wait3A_261 : memref<1x!tpu.dma_semaphore, #tpu.memory_space<semaphore_mem>> -> memref<!tpu.dma_semaphore, #tpu.memory_space<semaphore_mem>>
    %dma_wait3A_263 = arith.constant 0 : i32
    %dma_wait3A_264 = arith.constant 0 : i32
    %dma_wait3A_265 = tpu.memref_slice %arg9[%mul3A_2, %dma_wait3A_263, %dma_wait3A_264] : memref<1024x200x128xf32, #tpu.memory_space<hbm>> -> memref<1x200x128xf32, #tpu.memory_space<hbm>>
    %dma_wait3A_266 = arith.constant 1 : i32
    %dma_wait3A_267 = arith.constant 0 : i32
    %dma_wait3A_268 = arith.constant 0 : i32
    %dma_wait3A_269 = tpu.memref_slice %arg12[%dma_wait3A_266, %dma_wait3A_267, %dma_wait3A_268] : memref<3x200x128xf32, #tpu.memory_space<vmem>> -> memref<1x200x128xf32, #tpu.memory_space<vmem>>
    tpu.wait_dma2 semaphore(%dma_wait3A_262 : memref<!tpu.dma_semaphore, #tpu.memory_space<semaphore_mem>>) src(%dma_wait3A_269 : memref<1x200x128xf32, #tpu.memory_space<vmem>>) dst(%dma_wait3A_265 : memref<1x200x128xf32, #tpu.memory_space<hbm>>)
    %dma_wait3A_270 = arith.constant 2 : i32
    %dma_wait3A_271 = arith.constant 2 : i32
    %dma_wait3A_272 = arith.constant 0 : i32
    %dma_wait3A_273 = arith.constant 0 : i32
    %dma_wait3A_274 = tpu.memref_slice %arg12[%dma_wait3A_271, %dma_wait3A_272, %dma_wait3A_273] : memref<3x200x128xf32, #tpu.memory_space<vmem>> -> memref<1x200x128xf32, #tpu.memory_space<vmem>>
    %dma_wait3A_275 = arith.constant 0 : i32
    %dma_wait3A_276 = arith.constant 0 : i32
    %dma_wait3A_277 = tpu.memref_slice %arg9[%mul3A_2, %dma_wait3A_275, %dma_wait3A_276] : memref<1024x200x128xf32, #tpu.memory_space<hbm>> -> memref<1x200x128xf32, #tpu.memory_space<hbm>>
    %dma_wait3A_278 = tpu.memref_slice %arg18[%dma_wait3A_270] : memref<3x!tpu.dma_semaphore, #tpu.memory_space<semaphore_mem>> -> memref<1x!tpu.dma_semaphore, #tpu.memory_space<semaphore_mem>>
    %dma_wait3A_279 = tpu.memref_squeeze %dma_wait3A_278 : memref<1x!tpu.dma_semaphore, #tpu.memory_space<semaphore_mem>> -> memref<!tpu.dma_semaphore, #tpu.memory_space<semaphore_mem>>
    %dma_wait3A_280 = arith.constant 0 : i32
    %dma_wait3A_281 = arith.constant 0 : i32
    %dma_wait3A_282 = tpu.memref_slice %arg9[%mul3A_2, %dma_wait3A_280, %dma_wait3A_281] : memref<1024x200x128xf32, #tpu.memory_space<hbm>> -> memref<1x200x128xf32, #tpu.memory_space<hbm>>
    %dma_wait3A_283 = arith.constant 2 : i32
    %dma_wait3A_284 = arith.constant 0 : i32
    %dma_wait3A_285 = arith.constant 0 : i32
    %dma_wait3A_286 = tpu.memref_slice %arg12[%dma_wait3A_283, %dma_wait3A_284, %dma_wait3A_285] : memref<3x200x128xf32, #tpu.memory_space<vmem>> -> memref<1x200x128xf32, #tpu.memory_space<vmem>>
    tpu.wait_dma2 semaphore(%dma_wait3A_279 : memref<!tpu.dma_semaphore, #tpu.memory_space<semaphore_mem>>) src(%dma_wait3A_286 : memref<1x200x128xf32, #tpu.memory_space<vmem>>) dst(%dma_wait3A_282 : memref<1x200x128xf32, #tpu.memory_space<hbm>>)
    return
  }
}

</mosaic_0001>

<sc_bundles>
// kernel: kernel.3.cloned.1.call-start
scs
__scs_entry_jumppad:
0x0: {  	(pc) =	sbr.rel $0x88, $3  }
0x1: {  	(tag) =	ssettag $0x0;
	lr =	simm.s32 $0x1  }
0x2: {  	[smem:$0x3F9A] =	sst lr;
	_ =	strace $0xD0000000  }
0x3: {  	_ = 	snop  }
0x4: {  	_ = 	snop  }
0x5: {  	_ = 	snop  }
0x6: {  	_ = 	snop  }
0x7: {  	_ = 	snop  }
__scs_overlays_trampoline_lowered:
0x8: {  	[smem:$0x3FA9] =	sst s0  }
0x9: {  	[smem:$0x3FAA] =	sst s1  }
0xa: {  	[smem:$0x3FAB] =	sst s2  }
0xb: {  	[smem:$0x3FAC] =	sst s3  }
0xc: {  	[smem:$0x3FAD] =	sst s4  }
0xd: {  	[smem:$0x3FAE] =	sst s5  }
0xe: {  	[smem:$0x3FAF] =	sst s6  }
0xf: {  	[smem:$0x3FB0] =	sst s7  }
0x10: {  	[smem:$0x3FB1] =	sst s8  }
0x11: {  	[smem:$0x3FB2] =	sst s9;
	s0 =	simm.s32 @!p0 $0x0  }
0x12: {  	s1 =	sld [smem:$0x3F98];
	s0 =	simm.s32 @p0 $0x1  }
0x13: {  	[smem:$0x3FB3] =	sst s0;
	s0 =	simm.s32 @!p1 $0x0  }
0x14: {  	s2 =	sld [smem:$0x3F97];
	s0 =	simm.s32 @p1 $0x1  }
0x15: {  	[smem:$0x3FB4] =	sst s0;
	s0 =	simm.s32 @!p2 $0x0  }
0x16: {  	s3 =	sld [smem:$0x3FDB];
	s0 =	simm.s32 @p2 $0x1  }
0x17: {  	s4 =	simm.s32 $0x1BF5;
	[smem:$0x3FB6] =	sst s0  }
0x18: {  	s0 =	sld [smem:$0x3F99];
	_ =	swait.ge [sflag:s4], $0x0  }
0x19: {  	s7 =	sld [smem:$0x3F9A]  }
0x1a: {  	s8 =	sadd.s32 $0xFFFFE003, lr  }
0x1b: {  	s9 =	sadd.s32 $0xFFFFFEF7, lr;
	s5 =	simm.s32 $0xFFFFFFFF;
	p2 =	slt.u32 s8, $0xFFFFF086  }
0x1c: {  	p1 =	slt.u32 s9, $0xF7A;
	s5 =	simm.s32 @!p2 $0x0  }
0x1d: {  	s5 =	simm.s32 @p1 $0x1;
	p0 =	seq.s32 s7, s2  }
0x1e: {  	s7 =	smul.u32 @!p0 $0xF7A, s2;
	p2 =	seq.s32 @!p0 s5, $0x0  }
0x1f: {  	s9 =	smul.u32 $0xF7A, s1;
	s8 =	simm.s32 @!p0 $0x1BF5;
	p2 =	por !p2, p0  }
0x20: {  	[sflag:s8] =	ssyncset.s32 @!p0 $0xFFFFF086;
	s6 =	sadd.s32 @!p0 s3, s7;
	s7 =	simm.s32 @!p0 $0x108  }
0x21: {  	s3 =	sadd.s32 s3, s9;
	s6 =	sadd.s32 @!p0 $0x88, s6;
	s7 =	simm.s32 @p2 $0x1082  }
0x22: {  	[simem:s7], [sflag:s8] =	dma.local @!p0 [hbm:s6], $0xF7A  }
0x23: {  	s9 =	sor.u32 $0xD0000000, s2;
	s6 =	simm.s32 $0x108;
	_ =	swait.ge @!p0 [sflag:s8], $0x0  }
0x24: {  	s3 =	sadd.s32 $0x88, s3;
	s6 =	simm.s32 @!p1 $0x1082;
	[sflag:s4] =	ssyncset.s32 $0xFFFFF086  }
0x25: {  	[simem:s6], [sflag:s4] =	dma.local [hbm:s3], $0xF7A  }
0x26: {  	[smem:$0x3F9A] =	sst s1;
	(tag) =	ssettag s2;
	_ =	strace s9  }
0x27: {  	s1 =	sld [smem:$0x3FAA]  }
0x28: {  	s2 =	sld [smem:$0x3FAB]  }
0x29: {  	s4 =	sld [smem:$0x3FAD]  }
0x2a: {  	p0 =	seq.s32 s5, $0x0;
	s5 =	sld [smem:$0x3FAE]  }
0x2b: {  	s6 =	sld [smem:$0x3FAF]  }
0x2c: {  	s7 =	sld [smem:$0x3FB0]  }
0x2d: {  	s3 =	simm.s32 $0x108;
	s8 =	sld [smem:$0x3FB1]  }
0x2e: {  	s3 =	simm.s32 @!p0 $0x1082;
	s9 =	sld [smem:$0x3FB2]  }
0x2f: {  	lr =	sadd.s32 s0, s3;
	s0 =	sld [smem:$0x3FA9]  }
0x30: {  	s3 =	sld [smem:$0x3FAC]  }
0x31: {  	[smem:$0x3FB5] =	sst s10  }
0x32: {  	s10 =	sld [smem:$0x3FB3];
	_ =	sdelay $0x3  }
0x33: {  	p0 =	seq.s32 s10, $0x1;
	s10 =	sld [smem:$0x3FB5];
	_ =	sdelay $0x3  }
0x34: {  	[smem:$0x3FB5] =	sst s10  }
0x35: {  	s10 =	sld [smem:$0x3FB4];
	_ =	sdelay $0x3  }
0x36: {  	p1 =	seq.s32 s10, $0x1;
	s10 =	sld [smem:$0x3FB5];
	_ =	sdelay $0x3  }
0x37: {  	[smem:$0x3FB5] =	sst s10  }
0x38: {  	s10 =	sld [smem:$0x3FB6]  }
0x39: {  	_ = 	snop;
	(pc) =	sbr.ind lr, $3  }
0x3a: {  	_ = 	snop  }
0x3b: {  	_ = 	snop  }
0x3c: {  	p2 =	seq.s32 s10, $0x1;
	s10 =	sld [smem:$0x3FB5]  }
0x3d: {  	_ =	shalt  }
0x3e: {  	_ =	shalt  }
0x3f: {  	_ =	shalt  }
0x40: {  	_ =	shalt  }
0x41: {  	_ =	shalt  }
0x42: {  	_ =	shalt  }
0x43: {  	_ =	shalt  }
0x44: {  	_ =	shalt  }
0x45: {  	_ =	shalt  }
0x46: {  	_ =	shalt  }
0x47: {  	_ =	shalt  }
0x48: {  	_ =	shalt  }
0x49: {  	_ =	shalt  }
0x4a: {  	_ =	shalt  }
0x4b: {  	_ =	shalt  }
0x4c: {  	_ =	shalt  }
0x4d: {  	_ =	shalt  }
0x4e: {  	_ =	shalt  }
0x4f: {  	_ =	shalt  }
0x50: {  	_ =	shalt  }
0x51: {  	_ =	shalt  }
0x52: {  	_ =	shalt  }
0x53: {  	_ =	shalt  }
0x54: {  	_ =	shalt  }
0x55: {  	_ =	shalt  }
0x56: {  	_ =	shalt  }
0x57: {  	_ =	shalt  }
0x58: {  	_ =	shalt  }
0x59: {  	_ =	shalt  }
0x5a: {  	_ =	shalt  }
0x5b: {  	_ =	shalt  }
0x5c: {  	_ =	shalt  }
0x5d: {  	_ =	shalt  }
0x5e: {  	_ =	shalt  }
0x5f: {  	_ =	shalt  }
0x60: {  	_ =	shalt  }
0x61: {  	_ =	shalt  }
0x62: {  	_ =	shalt  }
0x63: {  	_ =	shalt  }
0x64: {  	_ =	shalt  }
0x65: {  	_ =	shalt  }
0x66: {  	_ =	shalt  }
0x67: {  	_ =	shalt  }
0x68: {  	_ =	shalt  }
0x69: {  	_ =	shalt  }
0x6a: {  	_ =	shalt  }
0x6b: {  	_ =	shalt  }
0x6c: {  	_ =	shalt  }
0x6d: {  	_ =	shalt  }
0x6e: {  	_ =	shalt  }
0x6f: {  	_ =	shalt  }
0x70: {  	_ =	shalt  }
0x71: {  	_ =	shalt  }
0x72: {  	_ =	shalt  }
0x73: {  	_ =	shalt  }
0x74: {  	_ =	shalt  }
0x75: {  	_ =	shalt  }
0x76: {  	_ =	shalt  }
0x77: {  	_ =	shalt  }
0x78: {  	_ =	shalt  }
0x79: {  	_ =	shalt  }
0x7a: {  	_ =	shalt  }
0x7b: {  	_ =	shalt  }
0x7c: {  	_ =	shalt  }
0x7d: {  	_ =	shalt  }
0x7e: {  	_ =	shalt  }
0x7f: {  	_ =	shalt  }
0x80: {  	_ =	shalt  }
0x81: {  	_ =	shalt  }
0x82: {  	_ =	shalt  }
0x83: {  	_ =	shalt  }
0x84: {  	_ =	shalt  }
0x85: {  	_ =	shalt  }
0x86: {  	_ =	shalt  }
0x87: {  	_ =	shalt  }
.Lfunc_end0:
.L_simem_size_0:
called_computation_lowered:
.L_overlay_start_0:
0x88: {  	s2 =	sld [smem:$0x3FD9]  }
0x89: {  	s3 =	sld [smem:$0x3FFE];
	_ =	sdelay $0x1  }
0x8a: {  	s1 =	srdreg.scid  }
0x8b: {  	s0 =	sand.u32 $0x1, s1  }
0x8c: {  	s17 =	sshll.u32 s0, $0xA;
	s2 =	sadd.s32 s3, s2  }
0x8d: {  	s2 =	sadd.s32 s2, s17  }
0x8e: {  	[smem:$0x3FC1] =	sst s2  }
0x8f: {  	_ = 	snop  }
0x90: {  	s2 =	sld [smem:$0x3FC7]  }
0x91: {  	s18 =	sld [smem:$0x3FC6]  }
0x92: {  	s4 =	sld [smem:$0x3FC5]  }
0x93: {  	s5 =	sld [smem:$0x3FC4]  }
0x94: {  	s6 =	sld [smem:$0x3FC3]  }
0x95: {  	s7 =	sld [smem:$0x3FD0];
	(tm) =	ssettm $0x1  }
0x96: {  	s8 =	sld [smem:$0x3FFB];
	_ =	sdelay $0x3  }
0x97: {  	_ =	strace s8  }
0x98: {  	s8 =	sld [smem:$0x3FFC];
	_ =	sdelay $0x3  }
0x99: {  	_ =	strace s8  }
0x9a: {  	s8 =	sld [smem:$0x3FFD];
	_ =	sdelay $0x3  }
0x9b: {  	_ =	strace s8  }
0x9c: {  	_ =	strace $0x8FFFFFFF  }
0x9d: {  	s19 =	sld [smem:$0x3FDB];
	_ =	sdelay $0x1  }
0x9e: {  	s9 =	simm.s32 $_scs_section_size  }
0x9f: {  	s10 =	simm.s32 $_size__tile_overlayer_lowered;
	s11 =	simm.s32 $_tile_overlayer_lowered  }
0xa0: {  	s22 =	simm.s32 $0x1BFF;
	s21 =	sshll.u32 s11, $0x1;
	s8 =	sadd.s32 s9, s19  }
0xa1: {  	s12 =	simm.s32 $0x0;
	s20 =	sshll.u32 s10, $0x1;
	s10 =	sadd.s32 s21, s8  }
0xa2: {  	[timem:s12], [sflag:s22] =	dma.local [hbm:s10], s20  }
0xa3: {  	_ =	swait.ge [sflag:s22], s20  }
0xa4: {  	s9 =	ssub.s32 $0x0, s20;
	[sflag:s22] =	ssyncset.done $0x0  }
0xa5: {  	[sflag:s22] =	ssyncadd.s32 s9;
	_ =	sdelay $0x1  }
0xa6: {  	s23 =	simm.s32 $0x1B8B  }
0xa7: {  	_ =	swait.ge [sflag:s23], $0x1  }
0xa8: {  	[sflag:s23] =	ssyncset.done $0x0  }
0xa9: {  	s25 =	simm.s32 $0x1B8E;
	s24 =	sld [smem:$0x3FFE];
	[sflag:s23] =	ssyncadd.s32 $0xFFFFFFFF  }
0xaa: {  	s26 =	simm.s32 $execute0_lowered;
	[smem:$0x3FD2] =	sst s25  }
0xab: {  	s10 =	sshll.u32 s26, $0x1;
	_ =	strace $0x80000046;
	[dreg:$0x1] =	wrdreg $0xFFFFFFFF  }
0xac: {  	s28 =	simm.s32 $_size_execute0_lowered;
	s8 =	sadd.s32 s8, s10;
	[dreg:$0x0] =	wrdreg $0x0  }
0xad: {  	s10 =	sshll.u32 s28, $0x1;
	[dreg:$0x2] =	wrdreg s8  }
0xae: {  	[dreg:$0x3] =	wrdreg s10  }
0xaf: {  	[dreg:$0x4] =	wrdreg $0xC0  }
0xb0: {  	_ =	task [dreg:s12], $0x5FFFF  }
0xb1: {  	[dreg:$0x1] =	wrdreg $0xFFFFFFFF  }
0xb2: {  	[dreg:$0x0] =	wrdreg $0x60  }
0xb3: {  	[dreg:$0x2] =	wrdreg s24  }
0xb4: {  	[dreg:$0x3] =	wrdreg s2  }
0xb5: {  	[dreg:$0x4] =	wrdreg s18  }
0xb6: {  	[dreg:$0x5] =	wrdreg s4  }
0xb7: {  	[dreg:$0x6] =	wrdreg s5  }
0xb8: {  	[dreg:$0x7] =	wrdreg s6  }
0xb9: {  	[dreg:$0x8] =	wrdreg s7  }
0xba: {  	[dreg:$0x9] =	wrdreg $0x9  }
0xbb: {  	_ =	task.clear_ibuf [dreg:s12], $0xAFFFF;
	_ =	strace $0x90000046  }
0xbc: {  	s29 =	simm.s32 $0x9;
	_ =	strace $0x80000048  }
0xbd: {  	_ =	swait.ge [sflag:s29], $0x1  }
0xbe: {  	[sflag:s29] =	ssyncadd.s32 $0xFFFFFFFF  }
0xbf: {  	_ =	strace $0x90000048  }
0xc0: {  	_ =	sfence  }
0xc1: {  	s30 =	sld [smem:$0x0];
	_ =	sdelay $0x2  }
0xc2: {  	s31 =	sshll.u32 s1, $0xD;
	s1 =	sshrl.u32 s1, $0x2  }
0xc3: {  	s3 =	sand.u32 $0x4000, s31;
	s1 =	sadd.s32 s1, s30  }
0xc4: {  	s0 =	sor.u32 s3, s0;
	s1 =	sshll.u32 s1, $0x11  }
0xc5: {  	s0 =	sor.u32 s1, s0  }
0xc6: {  	s0 =	sadd.s32 $0x8F2B, s0  }
0xc7: {  	[sflag:s0] =	ssyncadd.remote.s32 $0x1  }
0xc8: {  	_ =	sfence.sel $0xFFFF  }
0xc9: {  	[dreg:$0x0] =	wrdreg $0xFFFFFFFF;
	(pc) =	sbr.abs _section_cstart, $3  }
0xca: {  	[dreg:$0x1] =	wrdreg $0xFFFFFFFF  }
0xcb: {  	_ =	task.clear_ibuf [dreg:s12], $0x2FFFF;
	_ =	strace $0x9FFFFFFF  }
0xcc: {  	(tm) =	ssettm $0x7FFFFFFF  }
0xcd: {  	_ =	shalt  }
tec
execute0_lowered:
.L_overlay_start_1:
0x0: {  	(tag) =	ssettag $0x1  }
0x1: {  	s1 =	rddreg [dreg:$0x0]  }
0x2: {  	s0 =	rddreg [dreg:$0x1];
	s2 =	srdreg.scid  }
0x3: {  	s3 =	stileid.u32;
	s7 =	rddreg [dreg:$0x6]  }
0x4: {  	s8 =	simm.s32 $0x0;
	s14 =	simm.s32 $0x7;
	s19 =	simm.s32 $0x64  }
0x5: {  	s24 =	simm.s32 $0xD600;
	s25 =	simm.s32 $0x4;
	s26 =	simm.s32 $0x5  }
0x6: {  	s28 =	simm.s32 $0x6;
	s29 =	simm.s32 $0x0;
	s30 =	simm.s32 $0x0  }
.Ltmp0:
0x7: {  	s2 =	sand.u32 $0x1, s2;
	s3 =	sshll.u32 s3, $0x1;
	(pc) =	sbr.rel .LBB2_1-.Ltmp0, $4  }
0x8: {  	[smem:$0x7FF] =	sst s8;
	s3 =	sor.u32 s2, s3;
	s2 =	ssub.s32 $0x2, s2  }
0x9: {  	_ =	strace $0x80000047;
	s4 =	sshll.u32 s3, $0xA;
	s31 =	sshrl.u32 s2, $0x1  }
0xa: {  	s9 =	sshll.u32 s3, $0x5;
	s1 =	sadd.s32 s4, s1;
	s2 =	ssub.s32 s2, s31  }
0xb: {  	s10 =	sadd.s32 $0x400, s1;
	s11 =	sadd.s32 $0x8400, s1;
	s12 =	smax.u32 s2, $0x1  }
.LBB2_16:
0xc: {  	_ =	swait.ge [sflag:s25], $0x6400  }
0xd: {  	[sflag:s25] =	ssyncset.done $0x0  }
0xe: {  	s29 =	sadd.s32 $0x1, s29;
	[sflag:s25] =	ssyncadd.s32 $0xFFFF9C00  }
0xf: {  	p0 =	sne.s32 s29, s12;
	_ =	swait.ge [sflag:s26], $0x6400  }
.Ltmp1:
0x10: {  	[sflag:s26] =	ssyncset.done $0x0;
	(pc) =	sbr.rel @!p0 .LBB2_17-.Ltmp1, $4  }
0x11: {  	[sflag:s26] =	ssyncadd.s32 $0xFFFF9C00  }
0x12: {  	_ =	swait.ge [sflag:s28], $0x6400  }
0x13: {  	[sflag:s28] =	ssyncset.done $0x0  }
0x14: {  	[sflag:s28] =	ssyncadd.s32 $0xFFFF9C00  }
.LBB2_1:
0x15: {  	s1 =	rddreg [dreg:$0x2];
	s2 =	simm.s32 $0x16C00  }
0x16: {  	[tilespmem:s2], [sflag:$0x7] =	stream.linear.gather [hbm4b:s1+s8], $0x6400, $0x38;
	[tilespmem:$0x1D200] =	vst v63  }
0x17: {  	_ =	swait.ge [sflag:s14], $0x6400  }
0x18: {  	[sflag:s14] =	ssyncset.done $0x0  }
0x19: {  	[sflag:s14] =	ssyncadd.s32 $0xFFFF9C00  }
0x1a: {  	s18 =	simm.s32 $0x1D000;
	s17 =	rddreg [dreg:$0x3]  }
0x1b: {  	[tilespmem:s18], [sflag:$0x7] =	stream.linear.gather [hbm4b:s17+s8], $0x100, $0x38;
	[tilespmem:$0x1D200] =	vst v63  }
0x1c: {  	_ =	swait.ge [sflag:s14], $0x100  }
0x1d: {  	[sflag:s14] =	ssyncset.done $0x0  }
0x1e: {  	[sflag:s14] =	ssyncadd.s32 $0xFFFFFF00  }
0x1f: {  	s21 =	simm.s32 $0x1D100;
	s20 =	rddreg [dreg:$0x4]  }
0x20: {  	[tilespmem:s21], [sflag:$0x7] =	stream.linear.gather [hbm4b:s20+s8], $0x80, $0x38;
	[tilespmem:$0x1D200] =	vst v63  }
0x21: {  	_ =	swait.ge [sflag:s14], $0x80  }
0x22: {  	[sflag:s14] =	ssyncset.done $0x0  }
0x23: {  	[sflag:s14] =	ssyncadd.s32 $0xFFFFFF80  }
0x24: {  	s23 =	simm.s32 $0x1D180;
	s22 =	rddreg [dreg:$0x5]  }
0x25: {  	[tilespmem:s23], [sflag:$0x7] =	stream.linear.gather [hbm4b:s22+s8], $0x80, $0x38;
	[tilespmem:$0x1D200] =	vst v63  }
0x26: {  	_ =	swait.ge [sflag:s14], $0x80  }
0x27: {  	[sflag:s14] =	ssyncset.done $0x0  }
0x28: {  	[sflag:s14] =	ssyncadd.s32 $0xFFFFFF80  }
0x29: {  	[tilespmem:s8], [sflag:$0x7] =	stream.linear.gather [hbm4b:s10+s8], $0x2000, $0x38;
	[tilespmem:$0x1D200] =	vst v63  }
0x2a: {  	_ =	swait.ge [sflag:s14], $0x2000  }
0x2b: {  	[sflag:s14] =	ssyncset.done $0x0  }
0x2c: {  	s31 =	simm.s32 $0x2000;
	[sflag:s14] =	ssyncadd.s32 $0xFFFFE000  }
0x2d: {  	[tilespmem:s31], [sflag:$0x7] =	stream.linear.gather [hbm4b:s11+s8], $0x2000, $0x38;
	[tilespmem:$0x1D200] =	vst v63  }
0x2e: {  	_ =	swait.ge [sflag:s14], $0x2000  }
0x2f: {  	[sflag:s14] =	ssyncset.done $0x0  }
0x30: {  	[sflag:s14] =	ssyncadd.s32 $0xFFFFE000  }
0x31: {  	v8 =	vld [tilespmem:$0x1D100]  }
0x32: {  	v5 =	vld [tilespmem:$0x1D110]  }
0x33: {  	v7 =	vld [tilespmem:$0x1D120]  }
0x34: {  	v61 =	vld [tilespmem:$0x1D130]  }
0x35: {  	v59 =	vld [tilespmem:$0x1D140]  }
0x36: {  	v62 =	vld [tilespmem:$0x1D150]  }
0x37: {  	v4 =	vld [tilespmem:$0x1D160]  }
0x38: {  	v60 =	vld [tilespmem:$0x1D170]  }
0x39: {  	v1 =	vld [tilespmem:$0x1D180]  }
0x3a: {  	v2 =	vld [tilespmem:$0x1D190]  }
0x3b: {  	v3 =	vld [tilespmem:$0x1D1A0]  }
0x3c: {  	v0 =	vld [tilespmem:$0x1D1B0]  }
0x3d: {  	v16 =	vld [tilespmem:$0x1D000]  }
0x3e: {  	v17 =	vld [tilespmem:$0x1D010]  }
0x3f: {  	v18 =	vld [tilespmem:$0x1D020]  }
0x40: {  	v19 =	vld [tilespmem:$0x1D030]  }
0x41: {  	v20 =	vld [tilespmem:$0x1D040]  }
0x42: {  	v21 =	vld [tilespmem:$0x1D050]  }
0x43: {  	[tilespmem:$0x1FFB0] =	vst v0;
	v0 =	vld [tilespmem:$0x1D1C0]  }
0x44: {  	v22 =	vld [tilespmem:$0x1D060]  }
0x45: {  	v23 =	vld [tilespmem:$0x1D070]  }
0x46: {  	v28 =	vld [tilespmem:$0x1D080]  }
0x47: {  	v29 =	vld [tilespmem:$0x1D090]  }
0x48: {  	[tilespmem:$0x1FFC0] =	vst v0;
	v0 =	vld [tilespmem:$0x1D1D0]  }
0x49: {  	v30 =	vld [tilespmem:$0x1D0A0]  }
0x4a: {  	v31 =	vld [tilespmem:$0x1D0B0]  }
0x4b: {  	v26 =	vld [tilespmem:$0x1D0C0]  }
0x4c: {  	v27 =	vld [tilespmem:$0x1D0D0]  }
0x4d: {  	[tilespmem:$0x1FFD0] =	vst v0;
	v0 =	vld [tilespmem:$0x1D1E0]  }
0x4e: {  	v24 =	vld [tilespmem:$0x1D0E0]  }
0x4f: {  	s1 =	simm.s32 $0x0;
	v25 =	vld [tilespmem:$0x1D0F0]  }
0x50: {  	v35 =	vld [tilespmem:s1+$0x16C00]  }
0x51: {  	v37 =	vld [tilespmem:s1+$0x16C10]  }
0x52: {  	[tilespmem:$0x1FFE0] =	vst v0;
	v0 =	vld [tilespmem:$0x1D1F0]  }
0x53: {  	v36 =	vld [tilespmem:s1+$0x16C20]  }
0x54: {  	v34 =	vld [tilespmem:s1+$0x16C30]  }
0x55: {  	v32 =	vld [tilespmem:s1+$0x16C40]  }
0x56: {  	v33 =	vld [tilespmem:s1+$0x16C50];
	v38 =	vadd.f32 v35, v16  }
0x57: {  	s2 =	simm.s32 $0x200;
	v37 =	vadd.f32 v37, v17;
	v35 =	vld [tilespmem:s1+$0x16C60];
	[tilespmem:$0x1FFF0] =	vst v0  }
.LBB2_2:
0x58: {  	s3 =	sshra.s32 s2, $0x2;
	p0 =	sne.s32 s2, $0x18E00;
	[tilespmem:s1+$0x16C00] =	vst v38;
	v36 =	vadd.f32 v36, v18;
	v38 =	vld [tilespmem:s1+$0x16C70]  }
0x59: {  	v39 =	vld [tilespmem:s3+$0x16C00];
	[tilespmem:s1+$0x16C10] =	vst v37;
	v34 =	vadd.f32 v34, v19  }
0x5a: {  	v37 =	vld [tilespmem:s3+$0x16C10];
	[tilespmem:s1+$0x16C20] =	vst v36;
	v32 =	vadd.f32 v32, v20  }
.Ltmp2:
0x5b: {  	v36 =	vld [tilespmem:s3+$0x16C20];
	[tilespmem:s1+$0x16C30] =	vst v34;
	v33 =	vadd.f32 v33, v21;
	(pc) =	sbr.rel @p0 .LBB2_2-.Ltmp2, $4  }
0x5c: {  	v34 =	vld [tilespmem:s3+$0x16C30];
	[tilespmem:s1+$0x16C40] =	vst v32;
	v35 =	vadd.f32 v35, v22  }
0x5d: {  	v32 =	vld [tilespmem:s3+$0x16C40];
	[tilespmem:s1+$0x16C50] =	vst v33;
	v40 =	vadd.f32 v38, v23  }
0x5e: {  	v38 =	vadd.f32 v39, v16;
	v33 =	vld [tilespmem:s3+$0x16C50];
	[tilespmem:s1+$0x16C60] =	vst v35  }
0x5f: {  	s2 =	sadd.s32 $0x200, s2;
	v37 =	vadd.f32 v37, v17;
	v35 =	vld [tilespmem:s3+$0x16C60];
	[tilespmem:s1+$0x16C70] =	vst v40;
	s1 =	smov.u32 s3  }
0x60: {  	v39 =	vadd.f32 $-1.000000000e+00, v8;
	_ =	sdelay $0x1  }
0x61: {  	v40 =	vand.u32 $0x7FFFFFFF, v1;
	v41 =	vadd.f32 $-1.000000000e+00, v5;
	v39 =	vand.u32 $0x7FFFFFFF, v39  }
0x62: {  	v39 =	vadd.f32 v40, v39  }
0x63: {  	v49 =	vand.u32 $0x7FFFFFFF, v41  }
0x64: {  	v39 =	vadd.f32 v39, v49  }
0x65: {  	v50 =	vand.u32 $0x7FFFFFFF, v2;
	v51 =	vadd.f32 $-1.000000000e+00, v7  }
0x66: {  	v39 =	vadd.f32 v39, v50  }
0x67: {  	v52 =	vand.u32 $0x7FFFFFFF, v51  }
0x68: {  	v0 =	vld [tilespmem:$0x1FFB0];
	v39 =	vadd.f32 v39, v52  }
0x69: {  	v53 =	vand.u32 $0x7FFFFFFF, v3;
	v54 =	vadd.f32 $-1.000000000e+00, v61  }
0x6a: {  	v39 =	vadd.f32 v39, v53  }
0x6b: {  	v55 =	vand.u32 $0x7FFFFFFF, v54  }
0x6c: {  	v63 =	vld [tilespmem:$0x1FFC0];
	v39 =	vadd.f32 v39, v55  }
0x6d: {  	v57 =	vadd.f32 $-1.000000000e+00, v59;
	v56 =	vand.u32 $0x7FFFFFFF, v0  }
0x6e: {  	v39 =	vadd.f32 v39, v56  }
0x6f: {  	v58 =	vand.u32 $0x7FFFFFFF, v57  }
0x70: {  	v43 =	vld [tilespmem:$0x1FFD0];
	v39 =	vadd.f32 v39, v58  }
0x71: {  	[tilespmem:$0x1FEC0] =	vst v1;
	v1 =	vadd.f32 $-1.000000000e+00, v62;
	v0 =	vand.u32 $0x7FFFFFFF, v63  }
0x72: {  	v39 =	vadd.f32 v39, v0  }
0x73: {  	[tilespmem:$0x1FED0] =	vst v2;
	v2 =	vand.u32 $0x7FFFFFFF, v1  }
0x74: {  	v47 =	vld [tilespmem:$0x1FFE0];
	v39 =	vadd.f32 v39, v2  }
0x75: {  	v45 =	vadd.f32 $-1.000000000e+00, v4;
	v44 =	vand.u32 $0x7FFFFFFF, v43  }
0x76: {  	v39 =	vadd.f32 v39, v44  }
0x77: {  	v46 =	vand.u32 $0x7FFFFFFF, v45  }
0x78: {  	v51 =	vld [tilespmem:$0x1FFF0];
	v39 =	vadd.f32 v39, v46  }
0x79: {  	v48 =	vand.u32 $0x7FFFFFFF, v47;
	v49 =	vadd.f32 $-1.000000000e+00, v60  }
0x7a: {  	v39 =	vadd.f32 v39, v48  }
0x7b: {  	v50 =	vand.u32 $0x7FFFFFFF, v49  }
0x7c: {  	v39 =	vadd.f32 v39, v50  }
0x7d: {  	v52 =	vand.u32 $0x7FFFFFFF, v51  }
0x7e: {  	v39 =	vadd.f32 v39, v52;
	_ =	sdelay $0x1  }
0x7f: {  	(xrf2) =	vadd.scan.msk.f32 $0xffff, v39;
	_ =	sdelay $0x2  }
0x80: {  	[tilespmem:$0x1FEE0] =	vst v3  }
0x81: {  	[tilespmem:$0x1FEF0] =	vst v4  }
0x82: {  	[tilespmem:s1+$0x16C00] =	vst v38  }
0x83: {  	[tilespmem:$0x1FF30] =	vst v7  }
0x84: {  	[tilespmem:$0x1FF40] =	vst v59  }
0x85: {  	[tilespmem:$0x1FF50] =	vst v62  }
0x86: {  	[tilespmem:$0x1FF90] =	vst v61  }
0x87: {  	v36 =	vadd.f32 v36, v18;
	[tilespmem:$0x1FFA0] =	vst v5;
	v54 =	vld [tilespmem:s1+$0x16C70];
	v53, _, _ =	vpop (xrf2)  }
0x88: {  	[tilespmem:s1+$0x16C10] =	vst v37;
	v34 =	vadd.f32 v34, v19;
	(v2sf) =	vpush v53, $0xF  }
0x89: {  	[tilespmem:s1+$0x16C20] =	vst v36;
	v32 =	vadd.f32 v32, v20  }
0x8a: {  	[tilespmem:s1+$0x16C30] =	vst v34;
	v33 =	vadd.f32 v33, v21  }
0x8b: {  	[tilespmem:s1+$0x16C40] =	vst v32;
	v55 =	vadd.f32 v35, v22  }
0x8c: {  	[tilespmem:s1+$0x16C50] =	vst v33;
	v56 =	vadd.f32 v54, v23  }
0x8d: {  	[tilespmem:s1+$0x16C60] =	vst v55  }
0x8e: {  	s31 =	simm.s32 $0x4000;
	v15 =	vsub.f32 v24, v22;
	[tilespmem:s1+$0x16C70] =	vst v56  }
0x8f: {  	[tilespmem:s31], [sflag:$0x1] =	stream.indirect.gather [hbm4b:s0+s19], $0x80, s30, s19, $0xb8;
	[tilespmem:$0x1D200] =	vst v63  }
0x90: {  	s5 =	simm.s32 $0x7200;
	s20 =	simm.s32 $0x80;
	v13 =	vsub.f32 v25, v23;
	[tilespmem:$0x1FF60] =	vst v15  }
0x91: {  	[tilespmem:s5], [sflag:$0x1] =	stream.indirect.gather [hbm4b:s0+s19], $0x80, s20, s19, $0xb8;
	[tilespmem:$0x1D200] =	vst v63  }
0x92: {  	s21 =	simm.s32 $0x100;
	s2 =	simm.s32 $0xA400;
	v57 =	vsub.f32 v28, v16;
	[tilespmem:$0x1FF70] =	vst v13  }
0x93: {  	v63 =	vsub.f32 v30, v18;
	[tilespmem:s2], [sflag:$0x2] =	stream.indirect.gather [hbm4b:s0+s19], $0x80, s21, s19, $0xb8;
	[tilespmem:$0x1D200] =	vst v63  }
.Ltmp3:
0x94: {  	[tilespmem:$0x1FF00] =	vst v57;
	(pc) =	sbr.rel .LBB2_4-.Ltmp3, $4  }
0x95: {  	s22 =	simm.s32 $0x180;
	v18 =	vsub.f32 v31, v19;
	[tilespmem:$0x1FF20] =	vst v63  }
0x96: {  	v58 =	vsub.f32 v29, v17;
	[tilespmem:s24], [sflag:$0x2] =	stream.indirect.gather [hbm4b:s0+s19], $0x80, s22, s19, $0xb8;
	[tilespmem:$0x1D200] =	vst v63  }
0x97: {  	[tilespmem:$0x1FF80] =	vst v18;
	s23 =	spop (v2sf)  }
0x98: {  	v12 =	vsub.f32 v26, v20;
	v14 =	vsub.f32 v27, v21;
	[tilespmem:$0x1FF10] =	vst v58;
	s2 =	simm.s32 $0x0;
	p0 =	sne.f32 s23, $0.0e+00  }
.LBB2_15:
0x99: {  	s4 =	smul.u32 $0x19000, s3;
	s6 =	sadd.s32 s9, s2  }
0x9a: {  	s6 =	smul.u32 $0xC80, s6  }
0x9b: {  	s13 =	sadd.s32 $0x4, s3;
	s4 =	sshrl.u32 s4, $0x2  }
0x9c: {  	p1 =	sgt.u32 s2, $0x1D;
	s4 =	sadd.s32 $0x4000, s4;
	s6 =	sadd.s32 s7, s6  }
0x9d: {  	[hbm4b:s6+s8] =	stream.linear.scatter [tilespmem:s4], [sflag:s13], $0x6400, $0x38;
	[tilespmem:$0x1D200] =	vst v63  }
0x9e: {  	p2 =	seq.s32 s3, $0x0;
	p3 =	seq.s32 @!p1 s2, $0x0;
	s4 =	sadd.s32 $0xFFFFFFFF, s3  }
0x9f: {  	s4 =	simm.s32 @p2 $0x2;
	p2 =	por p3, p1  }
0xa0: {  	s3 =	sadd.s32 @!p2 $0x4, s4;
	s6 =	smul.u32 @!p1 $0x19000, s4  }
0xa1: {  	s1 =	sshra.s32 @!p1 s1, $0x2;
	s15 =	simm.s32 @!p1 $0x64;
	_ =	swait.ge @!p2 [sflag:s3], $0x6400  }
0xa2: {  	s13 =	sadd.s32 @!p1 $0x200, s1;
	[sflag:s3] =	ssyncset.done @!p2 $0x0;
	s6 =	sshra.s32 @!p1 s6, $0x2  }
0xa3: {  	s4 =	sadd.s32 @!p1 $0x1, s4;
	[sflag:s3] =	ssyncadd.s32 @!p2 $0xFFFF9C00;
	s3 =	sadd.s32 @!p1 $0x4000, s6  }
0xa4: {  	[tilespmem:s3], [sflag:s4] =	stream.indirect.gather @!p1 [hbm4b:s0+s15], $0x80, s13, s15, $0xb8;
	[tilespmem:$0x1D200] =	vst v63  }
0xa5: {  	s2 =	sadd.s32 $0x1, s2;
	s1 =	sadd.s32 @!p1 $0x280, s1;
	s3 =	sadd.s32 @!p1 $0x7200, s6  }
0xa6: {  	[tilespmem:s3], [sflag:s4] =	stream.indirect.gather @!p1 [hbm4b:s0+s15], $0x80, s1, s15, $0xb8;
	[tilespmem:$0x1D200] =	vst v63  }
0xa7: {  	p1 =	sne.s32 s2, $0x20  }
.Ltmp4:
0xa8: {  	_ = 	snop;
	(pc) =	sbr.rel @!p1 .LBB2_16-.Ltmp4, $2  }
0xa9: {  	_ =	sdelay $0x2  }
0xaa: {  	s31 =	sadd.s32 $0x6400, s31;
	s5 =	sadd.s32 $0x6400, s5  }
.LBB2_4:
0xab: {  	s1 =	sand.u32 $0xFF, s2  }
0xac: {  	s1 =	smul.u32 $0xAB, s1;
	_ =	sdelay $0x1  }
0xad: {  	s1 =	sshrl.u32 s1, $0x9  }
0xae: {  	s1 =	smul.u32 $0x3, s1;
	_ =	sdelay $0x1  }
0xaf: {  	s4 =	smulhi.u32 $0xAAAAAAAB, s2;
	s1 =	ssub.s32 s2, s1  }
0xb0: {  	s3 =	sand.u32 $0xFF, s1  }
0xb1: {  	s23 =	sshrl.u32 s4, $0x1;
	s15 =	sadd.s32 $0x1, s3  }
0xb2: {  	s1 =	smul.u32 $0xFFFB5000, s23;
	_ =	swait.ge [sflag:s15], $0x3200  }
.Ltmp5:
0xb3: {  	[sflag:s15] =	ssyncset.done $0x0;
	(pc) =	sbr.rel @!p0 .LBB2_5-.Ltmp5, $4  }
0xb4: {  	[sflag:s15] =	ssyncadd.s32 $0xFFFFCE00  }
0xb5: {  	s13 =	sshra.s32 s1, $0x2;
	s1 =	sshll.u32 s2, $0xA;
	_ =	swait.ge [sflag:s15], $0x3200  }
0xb6: {  	s4 =	sadd.s32 s13, s5;
	s6 =	sshra.s32 s1, $0x2;
	[sflag:s15] =	ssyncset.done $0x0  }
0xb7: {  	v20 =	vmov v60;
	s13 =	sadd.s32 s13, s31;
	[sflag:s15] =	ssyncadd.s32 $0xFFFFCE00;
	s15 =	sadd.s32 $0x2000, s6  }
0xb8: {  	v4 =	vld [tilespmem:$0x1FF00]  }
0xb9: {  	v7 =	vld [tilespmem:$0x1FF10]  }
0xba: {  	s17 =	simm.s32 $0x0;
	v22 =	vld [tilespmem:$0x1FF20]  }
0xbb: {  	v1 =	vld [tilespmem:s17+$0x16C50]  }
0xbc: {  	v2 =	vld [tilespmem:s17+$0x16C70]  }
0xbd: {  	s16 =	sadd.s32 $0x0, s13;
	v3 =	vld [tilespmem:s17+$0x16C00]  }
0xbe: {  	v24 =	vld [tilespmem:s16+$0x10]  }
0xbf: {  	v25 =	vld [tilespmem:s17+$0x16C20]  }
0xc0: {  	v26 =	vld [tilespmem:s17+$0x16C10]  }
0xc1: {  	v27 =	vld [tilespmem:s16+$0x50]  }
0xc2: {  	v0 =	vmov s30;
	v28 =	vld [tilespmem:s17+$0x16C30]  }
0xc3: {  	v29 =	vld [tilespmem:s17+$0x16C60]  }
0xc4: {  	v30 =	vld [tilespmem:s16+$0x60]  }
0xc5: {  	v31 =	vld [tilespmem:s16+$0x30]  }
0xc6: {  	v32 =	vld [tilespmem:s17+$0x16C40]  }
0xc7: {  	v0 =	vld.idx.msk [tilespmem:v0+s15+$0x0], $0xffff  }
0xc8: {  	v33 =	vld [tilespmem:s16+$0x40]  }
0xc9: {  	v34 =	vld [tilespmem:s16+$0x70]  }
0xca: {  	v37 =	vld [tilespmem:s16+$0x20]  }
0xcb: {  	v39 =	vld [tilespmem:s16+$0x0]  }
0xcc: {  	v24 =	vadd.f32 v26, v24;
	v1 =	vadd.f32 v1, v27;
	v0 =	vcvt.s32.f32 v0  }
0xcd: {  	v31 =	vadd.f32 v28, v31;
	v41 =	vadd.f32 v29, v30  }
0xce: {  	v30 =	vadd.f32 v32, v33;
	v2 =	vadd.f32 v2, v34;
	v35 =	vmul.f32 v0, v4  }
0xcf: {  	v42 =	vadd.f32 v25, v37;
	v36 =	vmul.f32 v0, v7;
	v27 =	vmul.f32 v0, v14  }
0xd0: {  	v44 =	vadd.f32 v3, v39;
	v38 =	vmul.f32 v0, v22;
	v28 =	vmul.f32 v0, v15  }
0xd1: {  	v26 =	vadd.f32 v24, v36;
	v24 =	vadd.f32 v1, v27;
	v27 =	vmul.f32 v0, v13  }
0xd2: {  	s22 =	simm.s32 $0x1;
	s18 =	simm.s32 $0x80;
	v40 =	vmul.f32 v0, v18;
	v29 =	vadd.f32 v41, v28;
	v0 =	vmul.f32 v0, v12  }
0xd3: {  	v43 =	vmov s22;
	v53 =	vld [tilespmem:s18+$0x16C50];
	v1 =	vadd.f32 v42, v38;
	v28 =	vadd.f32 v2, v27  }
0xd4: {  	v55 =	vld [tilespmem:s18+$0x16C70];
	v45 =	vmul.f32 v26, v26;
	v27 =	vadd.f32 v31, v40;
	v25 =	vadd.f32 v30, v0  }
0xd5: {  	v58 =	vld [tilespmem:s18+$0x16C30];
	v2 =	vadd.f32 v44, v35;
	v30 =	vmul.f32 v24, v24;
	v31 =	vmul.f32 v29, v29  }
0xd6: {  	s17 =	sadd.s32 $0x80, s13;
	v59 =	vld [tilespmem:s18+$0x16C60];
	v54 =	vmul.f32 v1, v1;
	v46 =	vmul.f32 v28, v28  }
0xd7: {  	v56 =	vld [tilespmem:s17+$0x10];
	v47 =	vadd.f32 v27, v1;
	v49 =	vmul.f32 v25, v25;
	v36 =	vadd.f32 v26, v2  }
0xd8: {  	v57 =	vld [tilespmem:s17+$0x50];
	v48 =	vadd.f32 v24, v25;
	v50 =	vadd.f32 v28, v29;
	v51 =	vmul.f32 v2, v2  }
0xd9: {  	v32 =	vld.idx.msk [tilespmem:v43+s15+$0x0], $0xffff;
	v52 =	vmul.f32 v27, v27;
	v30 =	vadd.f32 v30, v49;
	v33 =	vadd.f32 v47, v36  }
0xda: {  	v60 =	vld [tilespmem:s17+$0x60];
	v34 =	vadd.f32 v50, v48;
	v0 =	vadd.f32 v46, v31  }
0xdb: {  	v63 =	vld [tilespmem:s17+$0x30];
	v3 =	vadd.f32 v45, v51;
	v35 =	vadd.f32 v52, v54  }
0xdc: {  	v39 =	vld [tilespmem:s18+$0x16C20];
	v33 =	vadd.f32 v34, v33  }
0xdd: {  	v0 =	vadd.f32 v0, v30;
	v3 =	vadd.f32 v35, v3;
	v30 =	vld [tilespmem:s18+$0x16C10]  }
0xde: {  	v62 =	vcvt.s32.f32 v32;
	v52 =	vld [tilespmem:s17+$0x70]  }
0xdf: {  	v43 =	vld [tilespmem:s17+$0x40];
	(xrf2) =	vadd.scan.msk.f32 $0xffff, v33;
	v0 =	vadd.f32 v0, v3  }
0xe0: {  	v41 =	vld [tilespmem:s18+$0x16C40];
	v42 =	vmul.f32 v62, v4  }
0xe1: {  	v44 =	vmul.f32 v62, v22;
	v31 =	vld [tilespmem:s18+$0x16C00];
	v51 =	vmul.f32 v62, v7;
	(xrf2) =	vadd.scan.msk.f32 $0xffff, v0  }
0xe2: {  	v49 =	vmul.f32 v62, v15;
	v33 =	vadd.f32 v53, v57;
	v53 =	vld [tilespmem:s17+$0x0];
	v30 =	vadd.f32 v30, v56  }
0xe3: {  	v47 =	vld [tilespmem:s17+$0x20];
	v54 =	vmul.f32 v62, v13;
	v55 =	vadd.f32 v55, v52;
	v0 =	vadd.f32 v59, v60  }
0xe4: {  	v3 =	vadd.f32 v58, v63;
	v34 =	vadd.f32 v30, v51;
	v30 =	vmul.f32 v62, v14  }
0xe5: {  	v45 =	vmul.f32 v62, v18;
	v36 =	vadd.f32 v55, v54;
	v38 =	vadd.f32 v0, v49  }
0xe6: {  	v46 =	vmul.f32 v62, v12;
	v32 =	vadd.f32 v33, v30;
	v30 =	vadd.f32 v41, v43  }
0xe7: {  	v37 =	vadd.f32 v3, v45;
	v58 =	vadd.f32 v31, v53;
	v59 =	vmul.f32 v36, v36  }
0xe8: {  	s23 =	simm.s32 $0x2;
	v52 =	vmul.f32 v38, v38;
	v33 =	vadd.f32 v30, v46;
	v30 =	vadd.f32 v39, v47  }
0xe9: {  	v63 =	vmov s23;
	v54 =	vadd.f32 v36, v38;
	v0 =	vadd.f32 v58, v42;
	v48, _, _ =	vpop (xrf2)  }
0xea: {  	v3 =	vadd.f32 v59, v52;
	v48 =	vmul.f32 $7.812500000e-03, v48;
	v35 =	vadd.f32 v30, v44  }
0xeb: {  	v30 =	vmul.f32 v32, v32;
	v62 =	vadd.f32 v32, v33;
	v55 =	vmul.f32 v33, v33;
	v56, _, _ =	vpop (xrf2)  }
0xec: {  	v53 =	vadd.f32 v34, v0;
	v57 =	vmul.f32 $7.812500000e-03, v56;
	v31 =	vmul.f32 v48, v48  }
0xed: {  	v41 =	vmul.f32 v34, v34;
	v60 =	vadd.f32 v37, v35;
	v42 =	vadd.f32 v54, v62  }
0xee: {  	v19 =	vld [tilespmem:$0x1FEF0];
	v56 =	vmul.f32 v0, v0;
	v30 =	vadd.f32 v30, v55;
	v31 =	vsub.f32 v57, v31  }
0xef: {  	s18 =	sadd.s32 $0x100, s13;
	v59 =	vld.idx.msk [tilespmem:v63+s15+$0x0], $0xffff;
	v58 =	vmul.f32 v35, v35;
	v57 =	vmul.f32 v37, v37;
	v40 =	vadd.f32 v60, v53  }
0xf0: {  	s20 =	simm.s32 $0x100;
	v63 =	vld [tilespmem:s18+$0x10];
	v41 =	vadd.f32 v41, v56;
	v31 =	vadd.f32 $9.999999960e-13, v31  }
0xf1: {  	v62 =	vld [tilespmem:s20+$0x16C10];
	v40 =	vadd.f32 v42, v40;
	v39 =	vadd.f32 v57, v58  }
0xf2: {  	v45 =	vld [tilespmem:s20+$0x16C20];
	v3 =	vadd.f32 v3, v30;
	v30 =	vbroadcast v31, $0xF  }
0xf3: {  	v51 =	vld [tilespmem:s18+$0x60];
	(xrf2) =	vadd.scan.msk.f32 $0xffff, v40;
	v39 =	vadd.f32 v39, v41  }
0xf4: {  	v43 =	vld [tilespmem:s20+$0x16C50];
	v60 =	vmul.f32 $-5.000000000e-01, v30  }
0xf5: {  	v47 =	vld [tilespmem:s18+$0x50];
	v30 =	vshrl.u32 v30, $0x1;
	v3 =	vadd.f32 v3, v39;
	v39 =	vbroadcast v48, $0xF  }
0xf6: {  	v54 =	vld [tilespmem:s18+$0x30];
	v41 =	vadd.f32 v62, v63;
	v30 =	vsub.s32 $0x5F3759DF, v30  }
0xf7: {  	v42 =	vld [tilespmem:s20+$0x16C30];
	v44 =	vmul.f32 v30, v60;
	(xrf2) =	vadd.scan.msk.f32 $0xffff, v3;
	v2 =	vsub.f32 v2, v39;
	v48 =	vsub.f32 v26, v39  }
0xf8: {  	v57 =	vld [tilespmem:s20+$0x16C40];
	v3 =	vcvt.s32.f32 v59;
	v1 =	vsub.f32 v1, v39;
	v29 =	vsub.f32 v29, v39  }
0xf9: {  	v40 =	vld [tilespmem:s20+$0x16C70];
	v28 =	vsub.f32 v28, v39;
	v46 =	vsub.f32 v27, v39;
	v26 =	vmul.f32 v30, v44  }
0xfa: {  	v31 =	vld [tilespmem:s20+$0x16C00];
	v59 =	vsub.f32 v24, v39;
	v49 =	vmul.f32 v3, v4;
	v50 =	vmul.f32 v3, v22  }
0xfb: {  	v24 =	vld [tilespmem:s18+$0x40];
	v27 =	vadd.f32 v43, v47;
	v53 =	vmul.f32 v3, v18;
	v55 =	vmul.f32 v3, v12  }
0xfc: {  	v44 =	vld [tilespmem:s20+$0x16C60];
	v56 =	vmul.f32 v3, v7;
	v60 =	vmul.f32 v3, v13;
	v52 =	vadd.f32 $1.500000000e+00, v26  }
0xfd: {  	v43 =	vld [tilespmem:s18+$0x20];
	v39 =	vsub.f32 v25, v39;
	v47 =	vmul.f32 v3, v15;
	v3 =	vmul.f32 v3, v14;
	v26, _, _ =	vpop (xrf2)  }
0xfe: {  	v52 =	vmul.f32 v30, v52;
	v58 =	vmul.f32 $7.812500000e-03, v26;
	v26 =	vadd.f32 v41, v56;
	v41 =	vld [tilespmem:s18+$0x70]  }
0xff: {  	v42 =	vadd.f32 v42, v54;
	v25 =	vadd.f32 v27, v3;
	v56 =	vld [tilespmem:s18+$0x0]  }
0x100: {  	v9 =	vld [tilespmem:$0x1FFE0];
	v24 =	vadd.f32 v57, v24;
	v57 =	vmul.f32 v52, v39;
	v3 =	vmul.f32 v52, v29  }
0x101: {  	v63 =	vadd.f32 v44, v51;
	v54 =	vbroadcast v58, $0xF;
	v44 =	vmul.f32 v26, v26;
	v27, _, _ =	vpop (xrf2)  }
0x102: {  	v24 =	vadd.f32 v24, v55;
	v3 =	vmul.f32 v3, v19;
	v62 =	vmul.f32 $7.812500000e-03, v27  }
0x103: {  	s21 =	simm.s32 $0x3;
	v27 =	vadd.f32 v63, v47;
	v47 =	vmul.f32 v58, v58;
	v58 =	vadd.f32 v45, v43  }
0x104: {  	v45 =	vmov s21;
	v63 =	vadd.f32 v40, v41;
	v31 =	vadd.f32 v31, v56  }
0x105: {  	v41 =	vmul.f32 v52, v28;
	v28 =	vadd.f32 v42, v53;
	v3 =	vadd.f32 v3, v9  }
0x106: {  	v6 =	vld [tilespmem:$0x1FED0];
	s22 =	simm.s32 $0x180;
	v42 =	vmul.f32 v25, v25;
	v39 =	vsub.f32 v62, v47;
	v30 =	vadd.f32 v63, v60  }
0x107: {  	v51 =	vld [tilespmem:s22+$0x16C60];
	v29 =	vadd.f32 v58, v50;
	v31 =	vadd.f32 v31, v49;
	v49 =	vmul.f32 v24, v24  }
0x108: {  	v9 =	vld [tilespmem:$0x1FFF0];
	v43 =	vmul.f32 v27, v27;
	v62 =	vadd.f32 v25, v24;
	v40 =	vmul.f32 v30, v30  }
0x109: {  	v47 =	vadd.f32 v28, v29;
	v55 =	vmul.f32 v31, v31;
	v42 =	vadd.f32 v42, v49;
	v49 =	vld [tilespmem:s22+$0x16C70]  }
0x10a: {  	s20 =	sadd.s32 $0x180, s13;
	v50 =	vadd.f32 v26, v31;
	v40 =	vadd.f32 v40, v43;
	v43 =	vld.idx.msk [tilespmem:v45+s15+$0x0], $0xffff  }
0x10b: {  	v41 =	vmul.f32 v41, v20;
	v63 =	vadd.f32 v30, v27;
	v58 =	vadd.f32 v44, v55;
	v44 =	vld [tilespmem:s20+$0x10]  }
0x10c: {  	v60 =	vmul.f32 v28, v28;
	v39 =	vadd.f32 $9.999999960e-13, v39;
	v47 =	vadd.f32 v47, v50;
	v55 =	vld [tilespmem:s20+$0x50]  }
0x10d: {  	v53 =	vmul.f32 v29, v29;
	v62 =	vadd.f32 v63, v62;
	v50 =	vadd.f32 v41, v9;
	v9 =	vld [tilespmem:$0x1FFB0]  }
0x10e: {  	v48 =	vmul.f32 v52, v48;
	v39 =	vbroadcast v39, $0xF;
	v40 =	vadd.f32 v40, v42;
	v42 =	vld [tilespmem:s22+$0x16C50]  }
0x10f: {  	v2 =	vmul.f32 v52, v2;
	v63 =	vadd.f32 v62, v47;
	v47 =	vadd.f32 v60, v53;
	v53 =	vld [tilespmem:s22+$0x16C10]  }
0x110: {  	v60 =	vmul.f32 $-5.000000000e-01, v39;
	v39 =	vshrl.u32 v39, $0x1;
	v62 =	vmul.f32 v48, v5;
	v48 =	vld [tilespmem:s22+$0x16C30]  }
0x111: {  	v46 =	vmul.f32 v52, v46;
	v5 =	vld [tilespmem:$0x1FEC0];
	v41 =	vadd.f32 v47, v58;
	v47 =	vsub.s32 $0x5F3759DF, v39  }
0x112: {  	v45 =	vsub.f32 v36, v54;
	(xrf2) =	vadd.scan.msk.f32 $0xffff, v63;
	v56 =	vadd.f32 v62, v6;
	v62 =	vld [tilespmem:s20+$0x60];
	v63 =	vmul.f32 v47, v60  }
0x113: {  	v46 =	vmul.f32 v46, v61;
	v58 =	vsub.f32 v38, v54;
	v40 =	vadd.f32 v40, v41;
	v41 =	vld [tilespmem:s20+$0x30]  }
0x114: {  	v38 =	vsub.f32 v32, v54;
	v43 =	vcvt.s32.f32 v43;
	v60 =	vmul.f32 v47, v63;
	v63 =	vld [tilespmem:$0x1FEE0]  }
0x115: {  	v1 =	vmul.f32 v52, v1;
	(xrf2) =	vadd.scan.msk.f32 $0xffff, v40;
	v40 =	vsub.f32 v37, v54;
	v37 =	vadd.f32 v53, v44;
	v44 =	vld [tilespmem:s22+$0x16C40]  }
0x116: {  	v61 =	vadd.f32 v46, v9;
	v36 =	vmul.f32 v43, v7;
	v53 =	vmul.f32 v52, v59;
	v59 =	vld [tilespmem:s20+$0x40]  }
0x117: {  	v23 =	vmovc v4;
	v32 =	vadd.f32 v42, v55;
	v46 =	vmul.f32 v43, v4;
	v4 =	vadd.f32 $1.500000000e+00, v60;
	v60 =	vld [tilespmem:$0x1FF40]  }
0x118: {  	v42 =	vmul.f32 v43, v14;
	v52 =	vadd.f32 v48, v41;
	v41 =	vadd.f32 v51, v62;
	v62 =	vld [tilespmem:$0x1FF50];
	[tilespmem:s16+$0x60] =	vst v3  }
0x119: {  	v0 =	vsub.f32 v0, v54;
	v39 =	vadd.f32 v37, v36;
	v37 =	vld [tilespmem:s20+$0x70];
	[tilespmem:s16+$0x70] =	vst v50  }
0x11a: {  	v2 =	vmul.f32 v2, v8;
	v34 =	vsub.f32 v34, v54;
	v32 =	vadd.f32 v32, v42;
	v50 =	vld [tilespmem:$0x1FFC0];
	[tilespmem:s16+$0x10] =	vst v56  }
0x11b: {  	v48 =	vmul.f32 v43, v22;
	v42 =	vmul.f32 v47, v4;
	v44 =	vadd.f32 v44, v59;
	v59 =	vld [tilespmem:$0x1FF30]  }
0x11c: {  	v35 =	vsub.f32 v35, v54;
	v4 =	vmul.f32 v43, v15;
	v3 =	vmul.f32 v43, v12;
	v56 =	vld [tilespmem:$0x1FFD0]  }
0x11d: {  	v10 =	vmovc v7;
	v55 =	vsub.f32 v33, v54;
	v54 =	vld [tilespmem:s22+$0x16C20];
	v51 =	vmul.f32 v43, v18;
	v57 =	vmul.f32 v57, v60  }
0x11e: {  	v9 =	vmovc v22;
	v47 =	vld [tilespmem:s20+$0x20];
	v43 =	vmul.f32 v43, v13;
	v37 =	vadd.f32 v49, v37;
	v33 =	vadd.f32 v44, v3  }
0x11f: {  	v36, _, _ =	vpop (xrf2);
	v44 =	vmul.f32 v42, v55;
	v53 =	vmul.f32 v53, v62;
	v49 =	vadd.f32 v57, v50  }
0x120: {  	v11 =	vmovc v5;
	v41 =	vadd.f32 v41, v4;
	v21 =	vmovc v50;
	v57 =	vmul.f32 $7.812500000e-03, v36;
	v1 =	vmul.f32 v1, v59  }
0x121: {  	v50 =	vmul.f32 v39, v39;
	v37 =	vadd.f32 v37, v43;
	v53 =	vadd.f32 v53, v56;
	[tilespmem:s16+$0x40] =	vst v49;
	v49 =	vld [tilespmem:s22+$0x16C00]  }
0x122: {  	v22 =	vmovc v63;
	[tilespmem:s16+$0x30] =	vst v61;
	v36 =	vbroadcast v57, $0xF;
	v55 =	vmul.f32 v57, v57;
	v57 =	vld [tilespmem:s20+$0x0];
	v1 =	vadd.f32 v1, v63  }
0x123: {  	v43 =	vmul.f32 v42, v0;
	v16 =	vmov v56;
	v56 =	vadd.f32 v54, v47;
	v61, _, _ =	vpop (xrf2);
	[tilespmem:s16+$0x50] =	vst v53  }
0x124: {  	v17 =	vmovc v59;
	v47 =	vadd.f32 v2, v5;
	v54 =	vmul.f32 $7.812500000e-03, v61;
	s22 =	simm.s32 $0x800;
	v53 =	vmul.f32 v42, v58;
	[tilespmem:s16+$0x20] =	vst v1  }
.LBB2_11:
0x125: {  	_ =	sdelay $0x1  }
0x126: {  	v0 =	vadd.f32 v49, v57  }
0x127: {  	v52 =	vadd.f32 v52, v51  }
0x128: {  	v3 =	vadd.f32 v56, v48;
	v0 =	vadd.f32 v0, v46;
	_ =	sdelay $0x1  }
0x129: {  	s21 =	sadd.s32 $0x1, s21;
	v48 =	vadd.f32 v52, v3;
	v4 =	vadd.f32 v39, v0  }
0x12a: {  	v63 =	vmov s21;
	v5 =	vadd.f32 v37, v41  }
0x12b: {  	v49 =	vadd.f32 v32, v33;
	v48 =	vadd.f32 v48, v4;
	v4 =	vld [tilespmem:$0x1FFE0];
	_ =	sdelay $0x1  }
0x12c: {  	v49 =	vadd.f32 v5, v49  }
0x12d: {  	[tilespmem:s16+$0x0] =	vst v47;
	v56 =	vmul.f32 v53, v19  }
0x12e: {  	v59 =	vadd.f32 v49, v48;
	v48 =	vld.idx.msk [tilespmem:v63+s15+$0x0], $0xffff  }
0x12f: {  	v61 =	vmul.f32 v33, v33;
	v46 =	vmul.f32 v32, v32;
	v63 =	vadd.f32 v56, v4;
	v56 =	vld [tilespmem:$0x1FFF0]  }
0x130: {  	v2 =	vmul.f32 v42, v45  }
0x131: {  	s23 =	smov.u32 s22;
	v58 =	vmul.f32 v52, v52;
	v46 =	vadd.f32 v46, v61;
	v61 =	vmul.f32 v3, v3  }
0x132: {  	s23 =	sshra.s32 s23, $0x2;
	v2 =	vmul.f32 v2, v20;
	v57 =	vmul.f32 v0, v0  }
0x133: {  	v1 =	vsub.f32 v54, v55;
	s16 =	smov.u32 s17;
	v54 =	vld [tilespmem:s23+$0x16C50];
	v61 =	vadd.f32 v58, v61  }
0x134: {  	v55 =	vld [tilespmem:s23+$0x16C70];
	(xrf2) =	vadd.scan.msk.f32 $0xffff, v59;
	v59 =	vadd.f32 v50, v57;
	[tilespmem:s16+$0x60] =	vst v63;
	v2 =	vadd.f32 v2, v56  }
0x135: {  	v45 =	vmul.f32 v37, v37;
	v47 =	vmul.f32 v41, v41;
	v1 =	vadd.f32 $9.999999960e-13, v1;
	v49 =	vld [tilespmem:s23+$0x16C00]  }
0x136: {  	[tilespmem:s16+$0x70] =	vst v2;
	v2 =	vadd.f32 v61, v59;
	v61 =	vld [tilespmem:$0x1FFA0]  }
0x137: {  	v45 =	vadd.f32 v45, v47;
	v47 =	vsub.f32 v31, v36;
	v31 =	vmovc v0;
	v0 =	vbroadcast v1, $0xF  }
0x138: {  	v51 =	vmul.f32 v42, v34;
	v53 =	vmul.f32 v42, v35;
	v1 =	vsub.f32 v26, v36  }
0x139: {  	v45 =	vadd.f32 v45, v46;
	v46 =	vld [tilespmem:$0x1FF90];
	v63 =	vmul.f32 $-5.000000000e-01, v0;
	v0 =	vshrl.u32 v0, $0x1  }
0x13a: {  	v58 =	vsub.f32 v27, v36;
	v27 =	vmovc v41;
	v41 =	vcvt.s32.f32 v48;
	v48 =	vld [tilespmem:$0x1FED0];
	v0 =	vsub.s32 $0x5F3759DF, v0  }
0x13b: {  	s17 =	smov.u32 s18;
	s18 =	smov.u32 s20;
	s20 =	sadd.s32 s23, s13;
	v26 =	vmov v39;
	v39 =	vmul.f32 v0, v63;
	v63 =	vmul.f32 v51, v61;
	v51 =	vld [tilespmem:$0x1FFB0]  }
0x13c: {  	v35 =	vsub.f32 v29, v36;
	v29 =	vmovc v3;
	v3 =	vmul.f32 v42, v40;
	v34 =	vmov v1;
	v1 =	vld [tilespmem:s20+$0x10]  }
0x13d: {  	v56 =	vld [tilespmem:s23+$0x16C20];
	v2 =	vadd.f32 v45, v2  }
0x13e: {  	v3 =	vmul.f32 v3, v46;
	v50 =	vld [tilespmem:s23+$0x16C10]  }
0x13f: {  	v38 =	vmul.f32 v42, v38;
	v57 =	vld [tilespmem:s20+$0x50];
	(xrf2) =	vadd.scan.msk.f32 $0xffff, v2;
	v40 =	vadd.f32 v63, v48  }
0x140: {  	v7 =	vmul.f32 v43, v8;
	v42 =	vld [tilespmem:s23+$0x16C30];
	v2 =	vadd.f32 v3, v51;
	v3 =	vmul.f32 v44, v60  }
0x141: {  	v38 =	vmul.f32 v38, v62;
	v39 =	vmul.f32 v0, v39;
	v44 =	vld [tilespmem:s23+$0x16C60];
	[tilespmem:s16+$0x10] =	vst v40  }
0x142: {  	v43 =	vmul.f32 v53, v17;
	v46 =	vmul.f32 v41, v23;
	v60 =	vld [tilespmem:s20+$0x60];
	[tilespmem:s16+$0x30] =	vst v2;
	v2 =	vadd.f32 v3, v21  }
0x143: {  	v62 =	vmul.f32 v41, v10;
	v59 =	vadd.f32 $1.500000000e+00, v39;
	v39 =	vadd.f32 v38, v16;
	v3 =	vld [tilespmem:s20+$0x30]  }
0x144: {  	v5 =	vmul.f32 v41, v13;
	v6 =	vmul.f32 v41, v15;
	v45 =	vsub.f32 v30, v36;
	v30, _, _ =	vpop (xrf2);
	v63 =	vld [tilespmem:s23+$0x16C40];
	[tilespmem:s16+$0x40] =	vst v2  }
0x145: {  	v38 =	vsub.f32 v25, v36;
	v4 =	vmul.f32 $7.812500000e-03, v30;
	v1 =	vadd.f32 v50, v1;
	v2 =	vld [tilespmem:s20+$0x20];
	[tilespmem:s16+$0x50] =	vst v39  }
0x146: {  	v30 =	vmovc v37;
	v61 =	vmul.f32 v41, v12;
	v57 =	vadd.f32 v54, v57;
	v50 =	vmul.f32 v41, v14;
	v37 =	vld [tilespmem:s20+$0x40]  }
0x147: {  	v48 =	vmul.f32 v41, v9;
	v51 =	vmul.f32 v41, v18;
	v39 =	vadd.f32 v1, v62;
	v62 =	vld [tilespmem:s20+$0x70]  }
0x148: {  	v40 =	vsub.f32 v28, v36;
	v28 =	vmovc v52;
	v41 =	vsub.f32 v24, v36;
	v36 =	vbroadcast v4, $0xF  }
0x149: {  	p1 =	seq.s32 s22, $0xC600;
	v54, _, _ =	vpop (xrf2);
	v52 =	vadd.f32 v42, v3;
	v42 =	vmul.f32 v0, v59;
	v0 =	vadd.f32 v44, v60  }
.Ltmp6:
0x14a: {  	v25 =	vmovc v32;
	v32 =	vadd.f32 v57, v50;
	v54 =	vmul.f32 $7.812500000e-03, v54;
	v50 =	vmul.f32 v39, v39;
	(pc) =	sbr.rel @!p1 .LBB2_11-.Ltmp6, $4  }
0x14b: {  	v3 =	vadd.f32 v43, v22;
	v44 =	vmul.f32 v42, v41;
	v41 =	vadd.f32 v0, v6  }
0x14c: {  	v57 =	vld [tilespmem:s20+$0x0];
	v43 =	vmul.f32 v42, v47;
	v59 =	vadd.f32 v63, v37;
	v37 =	vadd.f32 v55, v62  }
0x14d: {  	v24 =	vmovc v33;
	v60 =	vld [tilespmem:$0x1FF40];
	v47 =	vadd.f32 v7, v11;
	v56 =	vadd.f32 v56, v2;
	v53 =	vmul.f32 v42, v58  }
0x14e: {  	s22 =	sadd.s32 $0x200, s22;
	[tilespmem:s16+$0x20] =	vst v3;
	v62 =	vld [tilespmem:$0x1FF50];
	v55 =	vmul.f32 v4, v4;
	v33 =	vadd.f32 v59, v61;
	v37 =	vadd.f32 v37, v5  }
0x14f: {  	_ = 	snop  }
0x150: {  	v1 =	vadd.f32 v56, v48;
	v2 =	vadd.f32 v52, v51  }
0x151: {  	v4 =	vmul.f32 v32, v32;
	v7 =	vmul.f32 v41, v41;
	v0 =	vadd.f32 v49, v57  }
0x152: {  	v3 =	vmul.f32 v37, v37;
	v6 =	vmul.f32 v33, v33;
	v63 =	vadd.f32 v37, v41  }
0x153: {  	v5 =	vadd.f32 v2, v1;
	v57 =	vmul.f32 v1, v1;
	v0 =	vadd.f32 v0, v46  }
0x154: {  	v4 =	vadd.f32 v4, v6;
	v6 =	vmul.f32 v2, v2;
	v46 =	vadd.f32 v32, v33  }
0x155: {  	v3 =	vadd.f32 v3, v7;
	v61 =	vadd.f32 v39, v0;
	v56 =	vmul.f32 v0, v0  }
0x156: {  	v6 =	vadd.f32 v6, v57;
	v46 =	vadd.f32 v63, v46  }
0x157: {  	v5 =	vadd.f32 v5, v61;
	v7 =	vadd.f32 v50, v56  }
0x158: {  	v3 =	vadd.f32 v3, v4  }
0x159: {  	v5 =	vadd.f32 v46, v5;
	v61 =	vadd.f32 v6, v7;
	_ =	sdelay $0x1  }
0x15a: {  	(xrf2) =	vadd.scan.msk.f32 $0xffff, v5;
	v3 =	vadd.f32 v3, v61;
	_ =	sdelay $0x1  }
0x15b: {  	v63 =	vsub.f32 v54, v55;
	(xrf2) =	vadd.scan.msk.f32 $0xffff, v3;
	_ =	sdelay $0x1  }
0x15c: {  	v46 =	vadd.f32 $9.999999960e-13, v63  }
0x15d: {  	v48 =	vmul.f32 v42, v45;
	v26 =	vsub.f32 v26, v36  }
0x15e: {  	v29 =	vsub.f32 v29, v36;
	v27 =	vsub.f32 v27, v36;
	v3 =	vbroadcast v46, $0xF  }
0x15f: {  	v38 =	vmul.f32 v42, v38;
	v30 =	vsub.f32 v30, v36;
	v35 =	vmul.f32 v42, v35  }
0x160: {  	v6 =	vsub.f32 v31, v36;
	v31 =	vmul.f32 $-5.000000000e-01, v3;
	v3 =	vshrl.u32 v3, $0x1  }
0x161: {  	v58 =	vmovc v14;
	v49 =	vmul.f32 v53, v19;
	v35 =	vmul.f32 v35, v17;
	v3 =	vsub.s32 $0x5F3759DF, v3  }
0x162: {  	v14 =	vld [tilespmem:$0x1FFF0];
	v28 =	vsub.f32 v28, v36;
	v44 =	vmul.f32 v44, v60;
	v31 =	vmul.f32 v3, v31;
	v51, _, _ =	vpop (xrf2)  }
0x163: {  	v59 =	vmovc v12;
	v12 =	vld [tilespmem:$0x1FFA0];
	v25 =	vsub.f32 v25, v36;
	v50 =	vmul.f32 v42, v40;
	v40 =	vmul.f32 $7.812500000e-03, v51  }
0x164: {  	v9 =	vld [tilespmem:$0x1FF90];
	v24 =	vsub.f32 v24, v36;
	v38 =	vmul.f32 v38, v62;
	v31 =	vmul.f32 v3, v31;
	v53, _, _ =	vpop (xrf2)  }
0x165: {  	v35 =	vadd.f32 v35, v22;
	v45 =	vmul.f32 $7.812500000e-03, v53;
	v54 =	vmul.f32 v40, v40  }
0x166: {  	v15 =	vld [tilespmem:$0x1FFE0];
	v4 =	vmul.f32 v48, v20;
	v44 =	vadd.f32 v44, v21;
	v31 =	vadd.f32 $1.500000000e+00, v31  }
0x167: {  	v10 =	vmovc v20;
	v20 =	vld [tilespmem:$0x1FED0];
	v38 =	vadd.f32 v38, v16;
	v7 =	vmul.f32 v42, v34;
	v55 =	vsub.f32 v45, v54  }
0x168: {  	v4 =	vadd.f32 v4, v14;
	v56 =	vmul.f32 v43, v8;
	v3 =	vmul.f32 v3, v31  }
0x169: {  	v34 =	vmul.f32 v50, v9;
	v7 =	vmul.f32 v7, v12;
	v31 =	vadd.f32 $9.999999960e-13, v55  }
0x16a: {  	v52 =	vld [tilespmem:$0x1FFB0];
	v57 =	vadd.f32 v56, v11;
	v40 =	vbroadcast v40, $0xF;
	v27 =	vmul.f32 v3, v27  }
0x16b: {  	v5 =	vadd.f32 v49, v15;
	v24 =	vmul.f32 v3, v24;
	v31 =	vbroadcast v31, $0xF  }
0x16c: {  	[tilespmem:s16+$0x0] =	vst v47;
	v7 =	vadd.f32 v7, v20;
	v30 =	vmul.f32 v3, v30;
	v29 =	vmul.f32 v3, v29  }
0x16d: {  	[tilespmem:s17+$0x20] =	vst v35;
	v61 =	vmul.f32 v27, v19;
	v27 =	vmul.f32 $-5.000000000e-01, v31;
	v31 =	vshrl.u32 v31, $0x1  }
0x16e: {  	[tilespmem:s17+$0x10] =	vst v7;
	v7 =	vmul.f32 v3, v26;
	v63 =	vmul.f32 v30, v10;
	v30 =	vsub.s32 $0x5F3759DF, v31  }
0x16f: {  	[tilespmem:s17+$0x40] =	vst v44;
	v34 =	vadd.f32 v34, v52;
	v28 =	vmul.f32 v3, v28;
	v26 =	vmul.f32 v30, v27  }
0x170: {  	[tilespmem:s17+$0x50] =	vst v38;
	v25 =	vmul.f32 v3, v25;
	v3 =	vmul.f32 v3, v6;
	v0 =	vsub.f32 v0, v40  }
0x171: {  	[tilespmem:s17+$0x70] =	vst v4;
	v2 =	vsub.f32 v2, v40;
	v6 =	vsub.f32 v32, v40;
	v26 =	vmul.f32 v30, v26  }
0x172: {  	[tilespmem:s17+$0x60] =	vst v5;
	v7 =	vmul.f32 v7, v12;
	v28 =	vmul.f32 v28, v9;
	v5 =	vadd.f32 v61, v15  }
0x173: {  	[tilespmem:s17+$0x0] =	vst v57;
	v24 =	vmul.f32 v24, v60;
	v4 =	vadd.f32 v63, v14;
	v26 =	vadd.f32 $1.500000000e+00, v26  }
0x174: {  	[tilespmem:s17+$0x30] =	vst v34;
	v25 =	vmul.f32 v25, v62;
	v7 =	vadd.f32 v7, v20;
	v28 =	vadd.f32 v28, v52  }
0x175: {  	v24 =	vadd.f32 v24, v21;
	[tilespmem:s18+$0x60] =	vst v5;
	v31 =	vsub.f32 v41, v40;
	v26 =	vmul.f32 v30, v26  }
0x176: {  	v3 =	vmul.f32 v3, v8;
	[tilespmem:s18+$0x70] =	vst v4;
	v27 =	vsub.f32 v39, v40;
	v39 =	vsub.f32 v37, v40  }
0x177: {  	[tilespmem:s18+$0x10] =	vst v7;
	v7 =	vmul.f32 v29, v17;
	v41 =	vadd.f32 v25, v16;
	v25 =	vmul.f32 v26, v31  }
0x178: {  	v3 =	vadd.f32 v3, v11;
	[tilespmem:s18+$0x30] =	vst v28;
	v28 =	vsub.f32 v33, v40;
	v5 =	vmul.f32 v26, v39  }
0x179: {  	[tilespmem:s18+$0x40] =	vst v24;
	v7 =	vadd.f32 v7, v22;
	v2 =	vmul.f32 v26, v2;
	v24 =	vmul.f32 v25, v19  }
0x17a: {  	v1 =	vsub.f32 v1, v40;
	[tilespmem:s18+$0x0] =	vst v3;
	v43 =	vmul.f32 v26, v28;
	v42 =	vmul.f32 v5, v10  }
0x17b: {  	[tilespmem:s18+$0x20] =	vst v7;
	v45 =	vmul.f32 v26, v6;
	v2 =	vmul.f32 v2, v9;
	v7 =	vadd.f32 v24, v15  }
0x17c: {  	[tilespmem:s18+$0x50] =	vst v41;
	v1 =	vmul.f32 v26, v1;
	v5 =	vmul.f32 v43, v60;
	v44 =	vadd.f32 v42, v14  }
0x17d: {  	v0 =	vmul.f32 v26, v0;
	v46 =	vmul.f32 v45, v62;
	v2 =	vadd.f32 v2, v52;
	[tilespmem:s20+$0x60] =	vst v7  }
0x17e: {  	v25 =	vmul.f32 v26, v27;
	v1 =	vmul.f32 v1, v17;
	v47 =	vadd.f32 v5, v21;
	[tilespmem:s20+$0x70] =	vst v44  }
0x17f: {  	v0 =	vmul.f32 v0, v8;
	v48 =	vadd.f32 v46, v16;
	[tilespmem:s20+$0x30] =	vst v2  }
0x180: {  	v24 =	vmul.f32 v25, v12;
	v1 =	vadd.f32 v1, v22;
	[tilespmem:s20+$0x40] =	vst v47  }
0x181: {  	v0 =	vadd.f32 v0, v11;
	[tilespmem:s20+$0x50] =	vst v48  }
0x182: {  	v6 =	vadd.f32 v24, v20;
	[tilespmem:s20+$0x20] =	vst v1  }
0x183: {  	[tilespmem:s20+$0x0] =	vst v0  }
0x184: {  	[tilespmem:s20+$0x10] =	vst v6  }
0x185: {  	s16 =	simm.s32 $0x19E70;
	v0 =	vld [tilespmem:s4+$0x70]  }
0x186: {  	v1 =	vld [tilespmem:s16+$0x0]  }
0x187: {  	v2 =	vld [tilespmem:s16+$0xFFFFFFC0]  }
0x188: {  	s15 =	simm.s32 $0x0;
	v49 =	vld [tilespmem:s16+$0xFFFFFFD0]  }
0x189: {  	v50 =	vmov s15;
	v51 =	vld [tilespmem:s16+$0xFFFFFF90]  }
0x18a: {  	v6 =	vld [tilespmem:s16+$0xFFFFFFB0]  }
0x18b: {  	v7 =	vld [tilespmem:s16+$0xFFFFFFE0]  }
0x18c: {  	v24 =	vld [tilespmem:s16+$0xFFFFFFA0]  }
0x18d: {  	s13 =	sadd.s32 $0x2080, s6;
	v25 =	vld [tilespmem:s4+$0x10]  }
0x18e: {  	v4 =	vld.idx.msk [tilespmem:v50+s13+$0x0], $0xffff  }
0x18f: {  	v26 =	vld [tilespmem:s4+$0x50]  }
0x190: {  	v27 =	vld [tilespmem:s4+$0x20]  }
0x191: {  	v28 =	vld [tilespmem:s4+$0x0]  }
0x192: {  	v29 =	vld [tilespmem:s4+$0x30]  }
0x193: {  	v30 =	vld [tilespmem:s4+$0x40]  }
0x194: {  	v57 =	vld [tilespmem:$0x1FF20]  }
0x195: {  	v13 =	vld [tilespmem:$0x1FF00]  }
0x196: {  	v15 =	vld [tilespmem:$0x1FF10]  }
0x197: {  	v31 =	vld [tilespmem:s4+$0x60];
	v0 =	vadd.f32 v1, v0  }
0x198: {  	s18 =	simm.s32 $0x1;
	v52 =	vcvt.s32.f32 v4;
	v53 =	vadd.f32 v24, v25;
	v7 =	vadd.f32 v7, v26;
	v26 =	vld [tilespmem:s16+$0xFFFFFFF0]  }
0x199: {  	v23 =	vmovc v8;
	v47 =	vmov s18;
	v8 =	vld [tilespmem:$0x1FF60];
	v6 =	vadd.f32 v6, v27;
	v5 =	vadd.f32 v51, v28  }
0x19a: {  	v20 =	vld [tilespmem:$0x1FF70];
	v2 =	vadd.f32 v2, v29;
	v24 =	vmul.f32 v52, v57;
	v25 =	vmul.f32 v52, v13  }
0x19b: {  	v3 =	vadd.f32 v49, v30;
	v27 =	vmul.f32 v52, v18;
	v54 =	vmul.f32 v52, v15  }
0x19c: {  	v28 =	vadd.f32 v6, v24;
	v6 =	vmul.f32 v52, v59;
	v24 =	vadd.f32 v5, v25  }
0x19d: {  	v56 =	vmul.f32 v52, v58;
	v27 =	vadd.f32 v2, v27;
	v29 =	vadd.f32 v26, v31  }
0x19e: {  	s6 =	sadd.s32 $0x80, s4;
	v1 =	vmul.f32 v52, v8;
	v26 =	vadd.f32 v53, v54;
	v25 =	vadd.f32 v3, v6  }
0x19f: {  	s17 =	simm.s32 $0x19EF0;
	v40 =	vld [tilespmem:s6+$0x70];
	v55 =	vmul.f32 v28, v28;
	v6 =	vmul.f32 v52, v20;
	v30 =	vadd.f32 v27, v28  }
0x1a0: {  	v35 =	vld [tilespmem:s17+$0xFFFFFFC0];
	v31 =	vmul.f32 v27, v27;
	v3 =	vadd.f32 v7, v56;
	v29 =	vadd.f32 v29, v1  }
0x1a1: {  	v46 =	vld [tilespmem:s17+$0xFFFFFFD0];
	v42 =	vadd.f32 v26, v24;
	v43 =	vmul.f32 v26, v26;
	v63 =	vmul.f32 v25, v25  }
0x1a2: {  	v48 =	vld [tilespmem:s17+$0xFFFFFF90];
	v2 =	vadd.f32 v31, v55;
	v0 =	vadd.f32 v0, v6;
	v7 =	vmul.f32 v3, v3  }
0x1a3: {  	v50 =	vld [tilespmem:s6+$0x10];
	v41 =	vadd.f32 v3, v25;
	v6 =	vmul.f32 v24, v24;
	v45 =	vmul.f32 v29, v29  }
0x1a4: {  	v38 =	vld [tilespmem:s6+$0x30];
	v44 =	vadd.f32 v0, v29;
	v1 =	vadd.f32 v7, v63;
	v7 =	vmul.f32 v0, v0  }
0x1a5: {  	v49 =	vld [tilespmem:s17+$0xFFFFFFB0];
	v30 =	vadd.f32 v30, v42;
	v6 =	vadd.f32 v43, v6  }
0x1a6: {  	v51 =	vld.idx.msk [tilespmem:v47+s13+$0x0], $0xffff;
	v5 =	vadd.f32 v44, v41;
	v7 =	vadd.f32 v7, v45  }
0x1a7: {  	v54 =	vld [tilespmem:s6+$0x40];
	v2 =	vadd.f32 v2, v6  }
0x1a8: {  	v52 =	vld [tilespmem:s6+$0x20];
	v5 =	vadd.f32 v5, v30;
	v1 =	vadd.f32 v7, v1  }
0x1a9: {  	v31 =	vld [tilespmem:s17+$0x0]  }
0x1aa: {  	v6 =	vld [tilespmem:s17+$0xFFFFFFA0];
	(xrf2) =	vadd.scan.msk.f32 $0xffff, v5;
	v1 =	vadd.f32 v1, v2  }
0x1ab: {  	v30 =	vld [tilespmem:s17+$0xFFFFFFE0]  }
0x1ac: {  	v7 =	vld [tilespmem:s6+$0x50];
	(xrf2) =	vadd.scan.msk.f32 $0xffff, v1  }
0x1ad: {  	v53 =	vld [tilespmem:s6+$0x0];
	v2 =	vcvt.s32.f32 v51  }
0x1ae: {  	v35 =	vadd.f32 v35, v38;
	v37 =	vadd.f32 v46, v54  }
0x1af: {  	v4 =	vadd.f32 v31, v40;
	v5 =	vadd.f32 v6, v50;
	v31 =	vmul.f32 v2, v13  }
0x1b0: {  	v63 =	vld [tilespmem:s6+$0x60];
	v1 =	vadd.f32 v49, v52;
	v56 =	vmul.f32 v2, v57;
	v44 =	vmul.f32 v2, v18  }
0x1b1: {  	v45 =	vmul.f32 v2, v59;
	v46 =	vmul.f32 v2, v15;
	v6 =	vadd.f32 v30, v7;
	v30 =	vld [tilespmem:s17+$0xFFFFFFF0]  }
0x1b2: {  	v50 =	vmul.f32 v2, v8;
	v7 =	vadd.f32 v48, v53;
	v39 =	vadd.f32 v1, v56  }
0x1b3: {  	v53 =	vmul.f32 v2, v20;
	v36 =	vadd.f32 v35, v44;
	v34 =	vadd.f32 v37, v45  }
0x1b4: {  	v48 =	vmul.f32 v2, v58;
	v35 =	vadd.f32 v5, v46;
	v33 =	vadd.f32 v7, v31;
	v55, _, _ =	vpop (xrf2)  }
0x1b5: {  	v38 =	vadd.f32 v4, v53;
	v49 =	vmul.f32 v39, v39;
	v32 =	vmul.f32 $7.812500000e-03, v55  }
0x1b6: {  	v51 =	vadd.f32 v36, v39;
	v52 =	vmul.f32 v36, v36;
	v30 =	vadd.f32 v30, v63;
	v31, _, _ =	vpop (xrf2)  }
0x1b7: {  	v56 =	vadd.f32 v35, v33;
	v7 =	vmul.f32 v32, v32;
	v47 =	vmul.f32 $7.812500000e-03, v31  }
0x1b8: {  	v37 =	vadd.f32 v30, v50;
	v31 =	vadd.f32 v6, v48  }
0x1b9: {  	s20 =	simm.s32 $0x19F70;
	v54 =	vmul.f32 v34, v34;
	v5 =	vadd.f32 v52, v49;
	v55 =	vsub.f32 v47, v7  }
0x1ba: {  	s21 =	simm.s32 $0x2;
	s15 =	sadd.s32 $0x80, s6;
	v41 =	vld [tilespmem:s20+$0xFFFFFFD0];
	v63 =	vmul.f32 v35, v35;
	v50 =	vadd.f32 v38, v37;
	v7 =	vmul.f32 v31, v31  }
0x1bb: {  	v1 =	vld [tilespmem:s15+$0x70];
	v52 =	vmov s21;
	v6 =	vadd.f32 v31, v34;
	v4 =	vadd.f32 $9.999999960e-13, v55  }
0x1bc: {  	v46 =	vld [tilespmem:s20+$0xFFFFFFC0];
	v30 =	vmul.f32 v33, v33;
	v49 =	vmul.f32 v37, v37;
	v2 =	vadd.f32 v7, v54  }
0x1bd: {  	v53 =	vld [tilespmem:s20+$0xFFFFFFB0];
	v7 =	vadd.f32 v51, v56;
	v6 =	vadd.f32 v50, v6;
	v4 =	vbroadcast v4, $0xF  }
0x1be: {  	v30 =	vadd.f32 v63, v30;
	v48 =	vld [tilespmem:s20+$0x0];
	v32 =	vbroadcast v32, $0xF;
	v51 =	vmul.f32 v38, v38  }
0x1bf: {  	v63 =	vld [tilespmem:s15+$0x50];
	v6 =	vadd.f32 v6, v7;
	v54 =	vmul.f32 $-5.000000000e-01, v4;
	v4 =	vshrl.u32 v4, $0x1  }
0x1c0: {  	v5 =	vadd.f32 v5, v30;
	v30 =	vld [tilespmem:s20+$0xFFFFFFA0];
	v40 =	vadd.f32 v51, v49;
	v4 =	vsub.s32 $0x5F3759DF, v4  }
0x1c1: {  	v56 =	vld.idx.msk [tilespmem:v52+s13+$0x0], $0xffff;
	(xrf2) =	vadd.scan.msk.f32 $0xffff, v6;
	v55 =	vmul.f32 v4, v54  }
0x1c2: {  	v47 =	vld [tilespmem:s20+$0xFFFFFF90];
	v28 =	vsub.f32 v28, v32;
	v2 =	vadd.f32 v40, v2  }
0x1c3: {  	v45 =	vsub.f32 v29, v32;
	v29 =	vld [tilespmem:s15+$0x40];
	v1 =	vadd.f32 v48, v1;
	v40 =	vmul.f32 v4, v55  }
0x1c4: {  	v48 =	vsub.f32 v25, v32;
	v25 =	vld [tilespmem:s15+$0x30];
	v2 =	vadd.f32 v2, v5  }
0x1c5: {  	v3 =	vsub.f32 v3, v32;
	v6 =	vld [tilespmem:s15+$0x10];
	v40 =	vadd.f32 $1.500000000e+00, v40  }
0x1c6: {  	v43 =	vsub.f32 v27, v32;
	v27 =	vld [tilespmem:s15+$0x0];
	v0 =	vsub.f32 v0, v32;
	v5 =	vcvt.s32.f32 v56;
	(xrf2) =	vadd.scan.msk.f32 $0xffff, v2  }
0x1c7: {  	v24 =	vsub.f32 v24, v32;
	v26 =	vsub.f32 v26, v32;
	v52 =	vld [tilespmem:s15+$0x20];
	v4 =	vmul.f32 v4, v40  }
0x1c8: {  	v7 =	vld [tilespmem:s20+$0xFFFFFFE0];
	v29 =	vadd.f32 v41, v29;
	v55 =	vmul.f32 v5, v59;
	v56 =	vmul.f32 v5, v8  }
0x1c9: {  	v25 =	vadd.f32 v46, v25;
	v40 =	vmul.f32 v4, v24;
	v42 =	vmul.f32 v4, v26  }
0x1ca: {  	v54 =	vld [tilespmem:s15+$0x60];
	v6 =	vadd.f32 v30, v6;
	v26 =	vmul.f32 v5, v13;
	v44 =	vmul.f32 v4, v28  }
0x1cb: {  	v30 =	vld [tilespmem:s20+$0xFFFFFFF0];
	v24 =	vadd.f32 v47, v27;
	v27, _, _ =	vpop (xrf2);
	v28 =	vmul.f32 v5, v57;
	v47 =	vmul.f32 v5, v15  }
0x1cc: {  	v2 =	vadd.f32 v53, v52;
	v48 =	vmul.f32 v4, v48;
	v53 =	vmul.f32 $7.812500000e-03, v27  }
0x1cd: {  	v7 =	vadd.f32 v7, v63;
	v0 =	vmul.f32 v4, v0;
	v27 =	vmul.f32 v5, v18  }
0x1ce: {  	v24 =	vadd.f32 v24, v26;
	v26 =	vadd.f32 v2, v28;
	v46 =	vmul.f32 v53, v53  }
0x1cf: {  	v25 =	vadd.f32 v25, v27;
	v27 =	vadd.f32 v29, v55;
	v29 =	vmul.f32 v5, v58  }
0x1d0: {  	v32 =	vadd.f32 v30, v54;
	v5 =	vmul.f32 v5, v20;
	v55 =	vmul.f32 v4, v45;
	v28, _, _ =	vpop (xrf2)  }
0x1d1: {  	v2 =	vmul.f32 v26, v26;
	v49 =	vmul.f32 $7.812500000e-03, v28;
	v30 =	vadd.f32 v7, v29  }
0x1d2: {  	v51 =	vadd.f32 v25, v26;
	v63 =	vmul.f32 v25, v25;
	v28 =	vadd.f32 v6, v47  }
0x1d3: {  	v6 =	vmul.f32 v27, v27;
	v29 =	vadd.f32 v32, v56;
	v32 =	vmul.f32 v30, v30  }
0x1d4: {  	s16 =	sadd.s32 $0x80, s15;
	v56 =	vmul.f32 v24, v24;
	[tilespmem:$0x1FEA0] =	vst v55;
	v2 =	vadd.f32 v63, v2;
	v47 =	vadd.f32 v28, v24  }
0x1d5: {  	s22 =	simm.s32 $0x19FF0;
	v45 =	vld [tilespmem:s16+$0x70];
	v41 =	vadd.f32 v30, v27;
	v63 =	vmul.f32 v28, v28;
	v6 =	vadd.f32 v32, v6  }
0x1d6: {  	v50 =	vbroadcast v53, $0xF;
	v32 =	vadd.f32 v1, v5;
	v1 =	vadd.f32 v51, v47;
	v47 =	vld [tilespmem:s22+$0x0]  }
0x1d7: {  	v7 =	vmul.f32 v4, v43;
	v55 =	vld [tilespmem:$0x1FFB0];
	v46 =	vsub.f32 v49, v46;
	v43 =	vadd.f32 v63, v56  }
0x1d8: {  	v52 =	vld [tilespmem:s22+$0xFFFFFFD0];
	v53 =	vmul.f32 v29, v29;
	v56 =	vadd.f32 v32, v29;
	v63 =	vmul.f32 v32, v32  }
0x1d9: {  	v44 =	vmul.f32 v44, v17;
	v54 =	vld [tilespmem:s22+$0xFFFFFFB0];
	v46 =	vadd.f32 $9.999999960e-13, v46;
	v2 =	vadd.f32 v2, v43  }
0x1da: {  	s23 =	simm.s32 $0x3;
	v48 =	vmul.f32 v48, v60;
	v43 =	vld [tilespmem:s22+$0xFFFFFFC0];
	v41 =	vadd.f32 v56, v41;
	v5 =	vadd.f32 v63, v53  }
0x1db: {  	v51 =	vmov s23;
	v46 =	vbroadcast v46, $0xF;
	v53 =	vld [tilespmem:s22+$0xFFFFFF90];
	v56 =	vadd.f32 v47, v45  }
0x1dc: {  	v0 =	vmul.f32 v0, v10;
	v45 =	vld [tilespmem:s22+$0xFFFFFFA0];
	v1 =	vadd.f32 v41, v1;
	v6 =	vadd.f32 v5, v6  }
0x1dd: {  	v49 =	vsub.f32 v38, v50;
	v63 =	vmul.f32 $-5.000000000e-01, v46;
	v46 =	vshrl.u32 v46, $0x1;
	v41 =	vld [tilespmem:s22+$0xFFFFFFE0]  }
0x1de: {  	v2 =	vadd.f32 v6, v2;
	(xrf2) =	vadd.scan.msk.f32 $0xffff, v1;
	v1 =	vsub.s32 $0x5F3759DF, v46;
	v6 =	vsub.f32 v36, v50;
	v36 =	vld [tilespmem:s16+$0x10]  }
0x1df: {  	v39 =	vsub.f32 v39, v50;
	[tilespmem:$0x1FEB0] =	vst v49;
	v5 =	vmov v10;
	v10 =	vld [tilespmem:$0x1FED0];
	v46 =	vmul.f32 v1, v63  }
0x1e0: {  	v31 =	vsub.f32 v31, v50;
	v37 =	vsub.f32 v37, v50;
	v7 =	vmul.f32 v7, v9;
	v38 =	vld.idx.msk [tilespmem:v51+s13+$0x0], $0xffff  }
0x1e1: {  	v33 =	vsub.f32 v33, v50;
	v60 =	vsub.f32 v35, v50;
	v47 =	vld [tilespmem:s16+$0x50];
	(xrf2) =	vadd.scan.msk.f32 $0xffff, v2;
	v2 =	vmul.f32 v1, v46  }
0x1e2: {  	v61 =	vmovc v22;
	v42 =	vmul.f32 v42, v12;
	v7 =	vadd.f32 v7, v55;
	v51 =	vadd.f32 v48, v21;
	v48 =	vld [tilespmem:s16+$0x20]  }
0x1e3: {  	v22 =	vmovc v23;
	v40 =	vmul.f32 v40, v23;
	v23 =	vmovc v55;
	v55 =	vadd.f32 v44, v61;
	v44 =	vld [tilespmem:s16+$0x30];
	v2 =	vadd.f32 $1.500000000e+00, v2  }
0x1e4: {  	v3 =	vmul.f32 v4, v3;
	v46 =	vsub.f32 v34, v50;
	v50 =	vadd.f32 v42, v10;
	v42 =	vld [tilespmem:s16+$0x40]  }
0x1e5: {  	v40 =	vadd.f32 v40, v11;
	v63 =	vld [tilespmem:s16+$0x0];
	v34 =	vmul.f32 v1, v2;
	v1 =	vcvt.s32.f32 v38  }
0x1e6: {  	v3 =	vmul.f32 v3, v62;
	v36 =	vadd.f32 v45, v36;
	v2 =	vadd.f32 v41, v47  }
0x1e7: {  	v19 =	vmovc v18;
	v41 =	vadd.f32 v54, v48;
	v45 =	vmul.f32 v34, v33;
	v48 =	vmul.f32 v1, v57  }
0x1e8: {  	v4 =	vadd.f32 v43, v44;
	v38 =	vmul.f32 v34, v60;
	v35 =	vmul.f32 v1, v19  }
0x1e9: {  	v16 =	vmovc v11;
	v11 =	vld [tilespmem:$0x1FFD0];
	v42 =	vadd.f32 v52, v42;
	v43 =	vadd.f32 v41, v48;
	v41 =	vmul.f32 v1, v59  }
0x1ea: {  	[tilespmem:s4+$0x0] =	vst v40;
	v49 =	vadd.f32 v53, v63;
	v60 =	vmul.f32 v1, v13;
	v54 =	vmul.f32 v34, v39  }
0x1eb: {  	[tilespmem:s4+$0x30] =	vst v7;
	v63, _, _ =	vpop (xrf2);
	v39 =	vadd.f32 v4, v35;
	v35 =	vadd.f32 v42, v41;
	v42 =	vmul.f32 v1, v58  }
0x1ec: {  	[tilespmem:s4+$0x20] =	vst v55;
	v52 =	vmul.f32 $7.812500000e-03, v63;
	v33 =	vadd.f32 v49, v60;
	v60 =	vmul.f32 v1, v15  }
0x1ed: {  	[tilespmem:s4+$0x40] =	vst v51;
	v4 =	vmul.f32 v43, v43;
	v57 =	vmul.f32 v39, v39;
	v44 =	vadd.f32 v2, v42  }
0x1ee: {  	v3 =	vadd.f32 v3, v11;
	v18 =	vmovc v10;
	[tilespmem:s4+$0x10] =	vst v50;
	v48 =	vmul.f32 v52, v52;
	v41 =	vbroadcast v52, $0xF  }
0x1ef: {  	v53 =	vld [tilespmem:s16+$0x60];
	v63 =	vmovc v59;
	v59 =	vmul.f32 v35, v35;
	v52 =	vadd.f32 v57, v4;
	v57 =	vmul.f32 v44, v44  }
0x1f0: {  	v10 =	vmovc v11;
	v11 =	vmovc v58;
	v15 =	vmov v8;
	v58 =	vmul.f32 v1, v20;
	v1 =	vmul.f32 v1, v8;
	v8 =	vld [tilespmem:$0x1FEF0]  }
0x1f1: {  	v51 =	vadd.f32 v57, v59;
	v59 =	vld [tilespmem:$0x1FEA0]  }
0x1f2: {  	v47 =	vld [tilespmem:s22+$0xFFFFFFF0]  }
0x1f3: {  	v0 =	vadd.f32 v0, v14;
	_ =	sdelay $0x1  }
0x1f4: {  	[tilespmem:s4+$0x70] =	vst v0  }
0x1f5: {  	v55 =	vmul.f32 v59, v8;
	v59 =	vld [tilespmem:$0x1FF40];
	[tilespmem:s4+$0x50] =	vst v3  }
0x1f6: {  	v50 =	vmul.f32 v34, v46;
	v47 =	vadd.f32 v47, v53;
	v36 =	vadd.f32 v36, v60;
	v0 =	vld [tilespmem:$0x1FEB0]  }
0x1f7: {  	v37 =	vmul.f32 v34, v37;
	v46 =	vmul.f32 v54, v17;
	v60 =	vadd.f32 v39, v43  }
0x1f8: {  	v13 =	vmovc v20;
	v42 =	vadd.f32 v47, v1;
	v47 =	vmul.f32 v34, v6;
	v6 =	vadd.f32 v36, v33  }
0x1f9: {  	v49, _, _ =	vpop (xrf2);
	v1 =	vmul.f32 v33, v33;
	v7 =	vmul.f32 v36, v36;
	v40 =	vadd.f32 v56, v58  }
0x1fa: {  	v49 =	vmul.f32 $7.812500000e-03, v49;
	v20 =	vmovc v22;
	v22 =	vmovc v17;
	v53 =	vadd.f32 v44, v35;
	v56 =	vadd.f32 v60, v6;
	v19 =	vld [tilespmem:$0x1FFE0]  }
0x1fb: {  	s18 =	sadd.s32 $0x80, s16;
	s17 =	simm.s32 $0x4;
	s20 =	simm.s32 $0x1A070;
	v60 =	vmovc v5;
	v58 =	vadd.f32 v7, v1;
	v57 =	vmul.f32 v42, v42;
	v54 =	vmul.f32 v34, v0  }
.LBB2_13:
0x1fc: {  	v0 =	vld [tilespmem:s18+$0x70]  }
0x1fd: {  	v1 =	vsub.f32 v49, v48;
	v2 =	vsub.f32 v26, v41;
	v4 =	vld [tilespmem:s20+$0x0]  }
0x1fe: {  	v3 =	vmul.f32 v45, v20;
	v26 =	vmovc v43;
	v43 =	vld [tilespmem:s20+$0xFFFFFFC0];
	v5 =	vadd.f32 v40, v42;
	v6 =	vmul.f32 v40, v40  }
0x1ff: {  	v49 =	vld [tilespmem:s20+$0xFFFFFFD0];
	v7 =	vadd.f32 v52, v58;
	v58 =	vadd.f32 v55, v19;
	v47 =	vmul.f32 v47, v9  }
0x200: {  	s21 =	smov.u32 s17;
	v45 =	vmul.f32 v54, v60;
	v1 =	vadd.f32 $9.999999960e-13, v1;
	v5 =	vadd.f32 v5, v53;
	v53 =	vld [tilespmem:s20+$0xFFFFFF90]  }
0x201: {  	v52 =	vmov s21;
	v6 =	vadd.f32 v6, v57;
	[tilespmem:s4+$0x60] =	vst v58;
	v55 =	vadd.f32 v47, v23;
	v47 =	vld [tilespmem:s18+$0x20]  }
0x202: {  	v50 =	vmul.f32 v50, v59;
	v54 =	vsub.f32 v30, v41;
	v30 =	vmovc v44;
	v3 =	vadd.f32 v3, v16;
	v44 =	vld [tilespmem:s20+$0xFFFFFFB0]  }
0x203: {  	v58 =	vsub.f32 v29, v41;
	v1 =	vbroadcast v1, $0xF;
	v48 =	vld [tilespmem:s20+$0xFFFFFFE0];
	v6 =	vadd.f32 v6, v51  }
0x204: {  	v57 =	vmul.f32 v38, v12;
	v38 =	vadd.f32 v50, v21;
	v5 =	vadd.f32 v5, v56;
	v51 =	vld [tilespmem:s20+$0xFFFFFFA0]  }
0x205: {  	s4 =	smov.u32 s6;
	v56 =	vmul.f32 $-5.000000000e-01, v1;
	v1 =	vshrl.u32 v1, $0x1;
	v6 =	vadd.f32 v6, v7;
	v7 =	vld [tilespmem:s18+$0x10]  }
0x206: {  	(xrf2) =	vadd.scan.msk.f32 $0xffff, v5;
	v1 =	vsub.s32 $0x5F3759DF, v1;
	v5 =	vsub.f32 v25, v41;
	v25 =	vmovc v39;
	v39 =	vld.idx.msk [tilespmem:v52+s13+$0x0], $0xffff;
	[tilespmem:s4+$0x0] =	vst v3  }
0x207: {  	v29 =	vmovc v42;
	v0 =	vadd.f32 v4, v0;
	v3 =	vmul.f32 v34, v31;
	v4 =	vmul.f32 v1, v56;
	v52 =	vld [tilespmem:s18+$0x0]  }
0x208: {  	v50 =	vsub.f32 v24, v41;
	v24 =	vmovc v33;
	v42 =	vld [tilespmem:s18+$0x50];
	v31 =	vmov v54;
	v54 =	vadd.f32 v45, v14;
	[tilespmem:s4+$0x30] =	vst v55  }
0x209: {  	v56 =	vadd.f32 v57, v18;
	v33 =	vld [tilespmem:s18+$0x40];
	[tilespmem:s4+$0x40] =	vst v38;
	v3 =	vmul.f32 v3, v62;
	v4 =	vmul.f32 v1, v4  }
0x20a: {  	v57 =	vadd.f32 v46, v61;
	[tilespmem:s4+$0x70] =	vst v54  }
0x20b: {  	v55 =	vld [tilespmem:s18+$0x30];
	[tilespmem:s4+$0x10] =	vst v56;
	v3 =	vadd.f32 v3, v10;
	v4 =	vadd.f32 $1.500000000e+00, v4  }
0x20c: {  	[tilespmem:s4+$0x20] =	vst v57;
	v57 =	vadd.f32 v44, v47;
	v47 =	vadd.f32 v53, v52;
	v52 =	vld [tilespmem:$0x1FF20]  }
0x20d: {  	(xrf2) =	vadd.scan.msk.f32 $0xffff, v6;
	[tilespmem:s4+$0x50] =	vst v3;
	v34 =	vmul.f32 v1, v4;
	v4 =	vadd.f32 v48, v42;
	v48 =	vld [tilespmem:$0x1FF00]  }
0x20e: {  	v17 =	vsub.f32 v32, v41;
	v42 =	vld [tilespmem:s20+$0xFFFFFFF0]  }
0x20f: {  	v6 =	vsub.f32 v27, v41;
	v41 =	vsub.f32 v28, v41;
	v44 =	vld [tilespmem:s18+$0x60]  }
0x210: {  	v1 =	vcvt.s32.f32 v39;
	v53 =	vadd.f32 v49, v33;
	v49 =	vld [tilespmem:$0x1FF10]  }
0x211: {  	v45 =	vmul.f32 v34, v50;
	v38 =	vmul.f32 v34, v41  }
0x212: {  	v54 =	vadd.f32 v43, v55;
	v55 =	vld [tilespmem:$0x1FF80];
	v2 =	vmul.f32 v34, v2;
	v56 =	vmul.f32 v1, v63  }
0x213: {  	v7 =	vadd.f32 v51, v7;
	v51 =	vmul.f32 v1, v11;
	v50, _, _ =	vpop (xrf2);
	v3 =	vmul.f32 v1, v52  }
0x214: {  	v32 =	vmovc v40;
	v27 =	vmovc v35;
	v40 =	vmul.f32 $7.812500000e-03, v50;
	v35 =	vadd.f32 v53, v56;
	v39 =	vmul.f32 v1, v48  }
0x215: {  	v46 =	vmul.f32 v1, v49;
	v42 =	vadd.f32 v42, v44;
	v44 =	vadd.f32 v4, v51  }
0x216: {  	v43 =	vadd.f32 v57, v3;
	v48 =	vmul.f32 v40, v40;
	v41 =	vbroadcast v40, $0xF  }
0x217: {  	v57, _, _ =	vpop (xrf2);
	v4 =	vmul.f32 v35, v35;
	v33 =	vadd.f32 v47, v39;
	v39 =	vmul.f32 v1, v55  }
0x218: {  	v49 =	vmul.f32 $7.812500000e-03, v57;
	v47 =	vmul.f32 v34, v5  }
0x219: {  	v28 =	vmovc v36;
	v36 =	vadd.f32 v7, v46;
	v40 =	vmul.f32 v44, v44;
	v55 =	vmul.f32 v37, v8  }
0x21a: {  	v53 =	vadd.f32 v44, v35;
	v37 =	vmul.f32 v34, v58;
	v50 =	vmul.f32 v43, v43  }
0x21b: {  	p1 =	sne.s32 s17, $0x63;
	v39 =	vadd.f32 v54, v39;
	v54 =	vmul.f32 v1, v13;
	v1 =	vmul.f32 v1, v15  }
.Ltmp7:
0x21c: {  	v46 =	vadd.f32 v36, v33;
	v7 =	vmul.f32 v36, v36;
	v51 =	vadd.f32 v40, v4;
	(pc) =	sbr.rel @p1 .LBB2_13-.Ltmp7, $4  }
0x21d: {  	v56 =	vadd.f32 v39, v43;
	v57 =	vmul.f32 v39, v39;
	v42 =	vadd.f32 v42, v1  }
0x21e: {  	v1 =	vmul.f32 v33, v33;
	v40 =	vadd.f32 v0, v54;
	v54 =	vmul.f32 v34, v17  }
0x21f: {  	s17 =	sadd.s32 $0x1, s17;
	s6 =	smov.u32 s15;
	s15 =	smov.u32 s16;
	v52 =	vadd.f32 v57, v50;
	v50 =	vmul.f32 v34, v6;
	v57 =	vmul.f32 v42, v42  }
0x220: {  	s16 =	smov.u32 s18;
	s18 =	sadd.s32 $0x80, s18;
	s20 =	sadd.s32 $0x80, s20;
	v56 =	vadd.f32 v56, v46;
	v58 =	vadd.f32 v7, v1;
	v46 =	vmul.f32 v2, v22  }
0x221: {  	v0 =	vadd.f32 v40, v42;
	v1 =	vmul.f32 v40, v40;
	_ =	sdelay $0x1  }
0x222: {  	v0 =	vadd.f32 v0, v53;
	v1 =	vadd.f32 v1, v57  }
0x223: {  	v2 =	vadd.f32 v52, v58  }
0x224: {  	v0 =	vadd.f32 v0, v56;
	v1 =	vadd.f32 v1, v51;
	_ =	sdelay $0x1  }
0x225: {  	v1 =	vadd.f32 v1, v2;
	(xrf2) =	vadd.scan.msk.f32 $0xffff, v0;
	_ =	sdelay $0x1  }
0x226: {  	v58 =	vsub.f32 v49, v48;
	(xrf2) =	vadd.scan.msk.f32 $0xffff, v1;
	_ =	sdelay $0x1  }
0x227: {  	v0 =	vadd.f32 $9.999999960e-13, v58;
	_ =	sdelay $0x1  }
0x228: {  	v0 =	vbroadcast v0, $0xF  }
0x229: {  	v3 =	vmul.f32 v45, v20;
	v4 =	vadd.f32 v55, v19;
	v5 =	vsub.f32 v30, v41  }
0x22a: {  	v6 =	vsub.f32 v25, v41;
	v48 =	vmul.f32 $-5.000000000e-01, v0;
	v0 =	vshrl.u32 v0, $0x1  }
0x22b: {  	v7 =	vmul.f32 v50, v59;
	v27 =	vsub.f32 v27, v41;
	v0 =	vsub.s32 $0x5F3759DF, v0  }
0x22c: {  	v24 =	vsub.f32 v24, v41;
	v31 =	vmul.f32 v34, v31;
	v2 =	vmul.f32 v0, v48;
	v50, _, _ =	vpop (xrf2)  }
0x22d: {  	v28 =	vsub.f32 v28, v41;
	v49 =	vsub.f32 v29, v41;
	v29 =	vmul.f32 $7.812500000e-03, v50  }
0x22e: {  	v3 =	vadd.f32 v3, v16;
	v1 =	vsub.f32 v26, v41;
	v2 =	vmul.f32 v0, v2;
	v52, _, _ =	vpop (xrf2)  }
0x22f: {  	v26 =	vsub.f32 v32, v41;
	v53 =	vmul.f32 v29, v29;
	v32 =	vmul.f32 $7.812500000e-03, v52  }
0x230: {  	v38 =	vmul.f32 v38, v12;
	v7 =	vadd.f32 v7, v21;
	v2 =	vadd.f32 $1.500000000e+00, v2  }
0x231: {  	v31 =	vmul.f32 v31, v62;
	v51 =	vmul.f32 v47, v9;
	v55 =	vsub.f32 v32, v53  }
0x232: {  	v57 =	vadd.f32 v38, v18;
	[tilespmem:s4+$0x60] =	vst v4;
	v56 =	vmul.f32 v54, v60;
	v0 =	vmul.f32 v0, v2  }
0x233: {  	v4 =	vadd.f32 v31, v10;
	[tilespmem:s6+$0x0] =	vst v3;
	v3 =	vmul.f32 v37, v8;
	v2 =	vadd.f32 $9.999999960e-13, v55  }
0x234: {  	v30 =	vadd.f32 v51, v23;
	v29 =	vbroadcast v29, $0xF;
	v24 =	vmul.f32 v0, v24  }
0x235: {  	v58 =	vadd.f32 v46, v61;
	v28 =	vmul.f32 v0, v28;
	v2 =	vbroadcast v2, $0xF  }
0x236: {  	v3 =	vadd.f32 v3, v19;
	v1 =	vmul.f32 v0, v1;
	v6 =	vmul.f32 v0, v6  }
0x237: {  	v27 =	vmul.f32 v0, v27;
	v41 =	vmul.f32 $-5.000000000e-01, v2;
	v2 =	vshrl.u32 v2, $0x1  }
0x238: {  	[tilespmem:s6+$0x50] =	vst v4;
	v25 =	vmul.f32 v0, v49;
	v4 =	vmul.f32 v0, v26;
	v2 =	vsub.s32 $0x5F3759DF, v2  }
0x239: {  	[tilespmem:s6+$0x40] =	vst v7;
	v32 =	vadd.f32 v56, v14;
	v7 =	vsub.f32 v43, v29;
	v43 =	vmul.f32 v2, v41  }
0x23a: {  	[tilespmem:s6+$0x10] =	vst v57;
	v0 =	vmul.f32 v0, v5;
	v45 =	vsub.f32 v44, v29;
	v46 =	vsub.f32 v39, v29  }
0x23b: {  	[tilespmem:s6+$0x30] =	vst v30;
	v48 =	vsub.f32 v42, v29;
	v24 =	vmul.f32 v24, v20;
	v30 =	vmul.f32 v2, v43  }
0x23c: {  	[tilespmem:s6+$0x20] =	vst v58;
	v49 =	vsub.f32 v40, v29;
	v52 =	vsub.f32 v35, v29;
	v6 =	vmul.f32 v6, v9  }
0x23d: {  	[tilespmem:s6+$0x60] =	vst v3;
	v27 =	vmul.f32 v27, v59;
	v24 =	vadd.f32 v24, v16;
	v51 =	vadd.f32 $1.500000000e+00, v30  }
0x23e: {  	v53 =	vsub.f32 v33, v29;
	v3 =	vmul.f32 v28, v12;
	[tilespmem:s6+$0x70] =	vst v32;
	v6 =	vadd.f32 v6, v23  }
0x23f: {  	v1 =	vmul.f32 v1, v22;
	v50 =	vadd.f32 v27, v21;
	[tilespmem:s15+$0x0] =	vst v24;
	v2 =	vmul.f32 v2, v51  }
0x240: {  	v5 =	vsub.f32 v36, v29;
	v4 =	vmul.f32 v4, v60;
	v3 =	vadd.f32 v3, v18;
	[tilespmem:s15+$0x30] =	vst v6  }
0x241: {  	v0 =	vmul.f32 v0, v62;
	v1 =	vadd.f32 v1, v61;
	[tilespmem:s15+$0x40] =	vst v50;
	v6 =	vmul.f32 v2, v53  }
0x242: {  	v54 =	vmul.f32 v25, v8;
	v4 =	vadd.f32 v4, v14;
	[tilespmem:s15+$0x10] =	vst v3;
	v3 =	vmul.f32 v2, v46  }
0x243: {  	v0 =	vadd.f32 v0, v10;
	[tilespmem:s15+$0x20] =	vst v1;
	v55 =	vmul.f32 v2, v52;
	v6 =	vmul.f32 v6, v20  }
0x244: {  	[tilespmem:s15+$0x70] =	vst v4;
	v4 =	vadd.f32 v54, v19;
	v5 =	vmul.f32 v2, v5;
	v3 =	vmul.f32 v3, v9  }
0x245: {  	[tilespmem:s15+$0x50] =	vst v0;
	v7 =	vmul.f32 v2, v7;
	v56 =	vmul.f32 v55, v59;
	v57 =	vadd.f32 v6, v16  }
0x246: {  	[tilespmem:s15+$0x60] =	vst v4;
	v58 =	vmul.f32 v2, v45;
	v4 =	vmul.f32 v5, v12;
	v3 =	vadd.f32 v3, v23  }
0x247: {  	v5 =	vmul.f32 v7, v22;
	v6 =	vmul.f32 v2, v49;
	v0 =	vadd.f32 v56, v21;
	[tilespmem:s16+$0x0] =	vst v57  }
0x248: {  	v59 =	vmul.f32 v58, v62;
	v2 =	vmul.f32 v2, v48;
	v4 =	vadd.f32 v4, v18;
	[tilespmem:s16+$0x30] =	vst v3  }
0x249: {  	v6 =	vmul.f32 v6, v60;
	v3 =	vadd.f32 v5, v61;
	[tilespmem:s16+$0x40] =	vst v0  }
0x24a: {  	[tilespmem:s16+$0x10] =	vst v4;
	v2 =	vmul.f32 v2, v8;
	v0 =	vadd.f32 v59, v10  }
.Ltmp8:
0x24b: {  	v61 =	vadd.f32 v6, v14;
	[tilespmem:s16+$0x20] =	vst v3;
	(pc) =	sbr.rel .LBB2_15-.Ltmp8, $4  }
0x24c: {  	v62 =	vadd.f32 v2, v19;
	[tilespmem:s16+$0x50] =	vst v0  }
0x24d: {  	[tilespmem:s16+$0x70] =	vst v61  }
0x24e: {  	v47 =	vmov v12;
	[tilespmem:s16+$0x60] =	vst v62  }
0x24f: {  	v12 =	vmovc v63;
	v8 =	vmovc v20;
	v5 =	vmov v47;
	v14 =	vmov v11;
	v18 =	vld [tilespmem:$0x1FF80];
	v61 =	vmov v9  }
.LBB2_5:
0x250: {  	v9 =	vld [tilespmem:$0x1FF00]  }
0x251: {  	s17 =	simm.s32 $0x0;
	v16 =	vld [tilespmem:$0x1FF10]  }
0x252: {  	v24 =	vld [tilespmem:s17+$0x16C00]  }
0x253: {  	v25 =	vld [tilespmem:s17+$0x16C10]  }
0x254: {  	v26 =	vld [tilespmem:s17+$0x16C20]  }
0x255: {  	v27 =	vld [tilespmem:s17+$0x16C30]  }
0x256: {  	v28 =	vld [tilespmem:s17+$0x16C40]  }
0x257: {  	v30 =	vld [tilespmem:s17+$0x16C50]  }
0x258: {  	v29 =	vmov s30;
	s16 =	sadd.s32 $0x0, s13;
	v31 =	vld [tilespmem:s17+$0x16C60]  }
0x259: {  	v33 =	vld [tilespmem:s16+$0x0]  }
0x25a: {  	v34 =	vld [tilespmem:s16+$0x10]  }
0x25b: {  	v35 =	vld [tilespmem:s16+$0x20]  }
0x25c: {  	v36 =	vld [tilespmem:s16+$0x30]  }
0x25d: {  	v29 =	vld.idx.msk [tilespmem:v29+s15+$0x0], $0xffff  }
0x25e: {  	v37 =	vld [tilespmem:s16+$0x40]  }
0x25f: {  	v38 =	vld [tilespmem:s16+$0x50]  }
0x260: {  	v39 =	vld [tilespmem:s16+$0x60]  }
0x261: {  	v17 =	vld [tilespmem:$0x1FF20]  }
0x262: {  	v32 =	vld [tilespmem:s17+$0x16C70];
	v24 =	vadd.f32 v24, v33;
	v25 =	vadd.f32 v25, v34;
	v40 =	vcvt.s32.f32 v29  }
0x263: {  	v26 =	vadd.f32 v26, v35;
	v27 =	vadd.f32 v27, v36;
	v29 =	vld [tilespmem:s16+$0x70]  }
0x264: {  	v10 =	vmovc v61;
	s18 =	simm.s32 $0x80;
	v61 =	vadd.f32 v28, v37;
	v63 =	vadd.f32 v30, v38;
	v60 =	vmul.f32 v40, v9  }
0x265: {  	v3 =	vld [tilespmem:s18+$0x16C00];
	v1 =	vadd.f32 v31, v39;
	v28 =	vmul.f32 v40, v16;
	v30 =	vmul.f32 v40, v18  }
0x266: {  	v19 =	vmovc v5;
	v5 =	vld [tilespmem:s18+$0x16C10];
	v62 =	vmul.f32 v40, v17;
	v0 =	vmul.f32 v40, v12;
	v31 =	vadd.f32 v24, v60  }
0x267: {  	v54 =	vld [tilespmem:s18+$0x16C20];
	v2 =	vmul.f32 v40, v14;
	v28 =	vadd.f32 v25, v28;
	v27 =	vadd.f32 v27, v30  }
0x268: {  	v43 =	vld [tilespmem:s18+$0x16C30];
	v24 =	vmul.f32 v40, v15;
	v30 =	vadd.f32 v61, v0;
	v32 =	vadd.f32 v32, v29  }
0x269: {  	s22 =	simm.s32 $0x1;
	v47 =	vld [tilespmem:s18+$0x16C40];
	v25 =	vmul.f32 v40, v13;
	v29 =	vadd.f32 v26, v62;
	v26 =	vadd.f32 v63, v2  }
0x26a: {  	v56 =	vld [tilespmem:s18+$0x16C60];
	s17 =	sadd.s32 $0x80, s13;
	v0 =	vadd.f32 v1, v24;
	v24 =	vmov s22;
	v4 =	vmul.f32 v31, v31  }
0x26b: {  	v59 =	vld [tilespmem:s17+$0x0];
	v52 =	vmul.f32 v28, v28;
	v42 =	vmul.f32 v27, v27;
	v32 =	vadd.f32 v32, v25  }
0x26c: {  	v39 =	vld [tilespmem:s18+$0x16C70];
	v45 =	vmul.f32 v30, v30;
	v25 =	vadd.f32 v28, v31;
	v51 =	vadd.f32 v27, v29  }
0x26d: {  	v60 =	vld [tilespmem:s17+$0x10];
	v53 =	vmul.f32 v29, v29;
	v41 =	vadd.f32 v26, v30;
	v46 =	vmul.f32 v26, v26  }
0x26e: {  	v61 =	vld [tilespmem:s17+$0x30];
	v55 =	vmul.f32 v0, v0;
	v35 =	vadd.f32 v52, v4;
	v48 =	vmul.f32 v32, v32  }
0x26f: {  	v62 =	vld [tilespmem:s17+$0x40];
	v44 =	vadd.f32 v32, v0;
	v57 =	vadd.f32 v42, v53  }
0x270: {  	v58 =	vadd.f32 v46, v45;
	v37 =	vadd.f32 v48, v55;
	v24 =	vld.idx.msk [tilespmem:v24+s15+$0x0], $0xffff  }
0x271: {  	v2 =	vld [tilespmem:s17+$0x70];
	v25 =	vadd.f32 v51, v25;
	v41 =	vadd.f32 v44, v41  }
0x272: {  	v1 =	vld [tilespmem:s17+$0x60];
	v35 =	vadd.f32 v57, v35;
	v37 =	vadd.f32 v37, v58  }
0x273: {  	v49 =	vld [tilespmem:s18+$0x16C50];
	v25 =	vadd.f32 v41, v25  }
0x274: {  	v63 =	vld [tilespmem:s17+$0x50];
	v35 =	vadd.f32 v37, v35  }
0x275: {  	v33 =	vadd.f32 v3, v59;
	v36 =	vadd.f32 v5, v60;
	(xrf2) =	vadd.scan.msk.f32 $0xffff, v25;
	v25 =	vld [tilespmem:s17+$0x20];
	v24 =	vcvt.s32.f32 v24  }
0x276: {  	v4 =	vadd.f32 v43, v61;
	v5 =	vadd.f32 v47, v62;
	(xrf2) =	vadd.scan.msk.f32 $0xffff, v35  }
0x277: {  	s23 =	simm.s32 $0x2;
	v45 =	vadd.f32 v39, v2;
	v42 =	vadd.f32 v56, v1;
	v3 =	vmul.f32 v24, v9  }
0x278: {  	v41 =	vmov s23;
	v52 =	vmul.f32 v24, v16;
	v53 =	vmul.f32 v24, v17  }
0x279: {  	v35 =	vadd.f32 v49, v63;
	v55 =	vmul.f32 v24, v12;
	v57 =	vmul.f32 v24, v14  }
0x27a: {  	v59 =	vmul.f32 v24, v13;
	v25 =	vadd.f32 v54, v25;
	v61 =	vadd.f32 v33, v3  }
0x27b: {  	v54 =	vmul.f32 v24, v18;
	v2 =	vadd.f32 v36, v52;
	v3 =	vadd.f32 v5, v55  }
0x27c: {  	v58 =	vmul.f32 v24, v15;
	v45 =	vadd.f32 v45, v59;
	v62 =	vadd.f32 v25, v53  }
0x27d: {  	s20 =	simm.s32 $0x100;
	v1 =	vadd.f32 v4, v54;
	v25 =	vadd.f32 v35, v57;
	v36 =	vmul.f32 v61, v61  }
0x27e: {  	v50 =	vld [tilespmem:s20+$0x16C20];
	v4 =	vadd.f32 v2, v61;
	v37 =	vmul.f32 v2, v2;
	v53 =	vmul.f32 v3, v3  }
0x27f: {  	v47 =	vld [tilespmem:s20+$0x16C10];
	v5 =	vadd.f32 v1, v62;
	v38 =	vmul.f32 v62, v62;
	v51 =	vadd.f32 v25, v3;
	v56, _, _ =	vpop (xrf2)  }
0x280: {  	v49 =	vld [tilespmem:s20+$0x16C70];
	v52 =	vmul.f32 v1, v1;
	v46 =	vadd.f32 v37, v36;
	v33 =	vmul.f32 $7.812500000e-03, v56;
	v24, _, _ =	vpop (xrf2)  }
0x281: {  	v41 =	vld.idx.msk [tilespmem:v41+s15+$0x0], $0xffff;
	v56 =	vmul.f32 v25, v25;
	v60 =	vmul.f32 $7.812500000e-03, v24;
	v24 =	vadd.f32 v42, v58  }
0x282: {  	v59 =	vld [tilespmem:s20+$0x16C50];
	v43 =	vadd.f32 v5, v4;
	v4 =	vadd.f32 v52, v38;
	v44 =	vmul.f32 v33, v33  }
0x283: {  	v54 =	vld [tilespmem:s20+$0x16C30];
	v58 =	vmul.f32 v45, v45;
	v55 =	vadd.f32 v45, v24;
	v39 =	vmul.f32 v24, v24  }
0x284: {  	s18 =	sadd.s32 $0x100, s13;
	v57 =	vld [tilespmem:s20+$0x16C40];
	v5 =	vadd.f32 v56, v53;
	v63 =	vsub.f32 v60, v44  }
0x285: {  	v37 =	vld [tilespmem:s18+$0x20];
	v51 =	vadd.f32 v55, v51;
	v44 =	vadd.f32 v58, v39  }
0x286: {  	v42 =	vld [tilespmem:s20+$0x16C00];
	v46 =	vadd.f32 v4, v46;
	v53 =	vbroadcast v33, $0xF;
	v35 =	vadd.f32 $9.999999960e-13, v63  }
0x287: {  	v60 =	vld [tilespmem:s20+$0x16C60];
	v43 =	vadd.f32 v51, v43;
	v44 =	vadd.f32 v44, v5  }
0x288: {  	v52 =	vsub.f32 v32, v53;
	v56 =	vsub.f32 v28, v53;
	v55 =	vld [tilespmem:s18+$0x0];
	v35 =	vbroadcast v35, $0xF  }
0x289: {  	v7 =	vsub.f32 v27, v53;
	v51 =	vld [tilespmem:s18+$0x10];
	(xrf2) =	vadd.scan.msk.f32 $0xffff, v43;
	v44 =	vadd.f32 v44, v46  }
0x28a: {  	v58 =	vsub.f32 v29, v53;
	v29 =	vld [tilespmem:s18+$0x70];
	v40 =	vmul.f32 $-5.000000000e-01, v35;
	v35 =	vshrl.u32 v35, $0x1  }
0x28b: {  	v28 =	vld [tilespmem:s18+$0x60];
	v6 =	vsub.f32 v30, v53;
	v30 =	vcvt.s32.f32 v41;
	v35 =	vsub.s32 $0x5F3759DF, v35;
	(xrf2) =	vadd.scan.msk.f32 $0xffff, v44  }
0x28c: {  	v32 =	vadd.f32 v50, v37;
	v5 =	vsub.f32 v26, v53;
	v34 =	vmul.f32 v35, v40;
	v40 =	vld [tilespmem:s18+$0x40]  }
0x28d: {  	v33 =	vmul.f32 v30, v9;
	v27 =	vadd.f32 v42, v55;
	v44 =	vsub.f32 v31, v53;
	v31 =	vld [tilespmem:s18+$0x50]  }
0x28e: {  	v39 =	vld [tilespmem:s18+$0x30];
	v55 =	vmul.f32 v30, v16;
	v26 =	vadd.f32 v47, v51;
	v36 =	vmul.f32 v35, v34  }
0x28f: {  	v4 =	vmul.f32 v30, v12;
	v49 =	vadd.f32 v49, v29;
	v29 =	vadd.f32 v27, v33  }
0x290: {  	v37 =	vmul.f32 v30, v14;
	v27 =	vadd.f32 v26, v55;
	v38 =	vadd.f32 $1.500000000e+00, v36  }
0x291: {  	v36 =	vadd.f32 v60, v28;
	v41 =	vadd.f32 v57, v40;
	v57 =	vmul.f32 v30, v17  }
0x292: {  	s21 =	simm.s32 $0x3;
	v46 =	vadd.f32 v59, v31;
	v31 =	vmul.f32 v30, v18;
	v47 =	vadd.f32 v27, v29  }
0x293: {  	v40 =	vmov s21;
	v63 =	vmul.f32 v35, v38;
	v35 =	vadd.f32 v54, v39;
	v28, _, _ =	vpop (xrf2)  }
0x294: {  	v38 =	vmul.f32 v30, v15;
	v32 =	vadd.f32 v32, v57;
	v55 =	vmul.f32 $7.812500000e-03, v28  }
0x295: {  	v57 =	vmul.f32 v30, v13;
	v30 =	vadd.f32 v46, v37;
	v50 =	vmul.f32 v63, v52;
	v26, _, _ =	vpop (xrf2)  }
0x296: {  	v31 =	vadd.f32 v35, v31;
	v59 =	vmul.f32 $7.812500000e-03, v26;
	v60 =	vmul.f32 v55, v55  }
0x297: {  	v51 =	vmul.f32 v63, v44;
	v52 =	vmul.f32 v27, v27;
	v28 =	vadd.f32 v41, v4  }
0x298: {  	s22 =	simm.s32 $0x180;
	v56 =	vmul.f32 v63, v56;
	v33 =	vadd.f32 v49, v57;
	v35 =	vsub.f32 v59, v60  }
0x299: {  	v43 =	vld [tilespmem:s22+$0x16C20];
	v49 =	vmul.f32 v29, v29;
	v48 =	vadd.f32 v31, v32;
	v26 =	vadd.f32 v36, v38  }
0x29a: {  	v42 =	vld [tilespmem:s22+$0x16C10];
	v54 =	vmul.f32 v32, v32;
	[tilespmem:s16+$0x0] =	vst v51;
	v51 =	vsub.f32 v0, v53;
	v35 =	vadd.f32 $9.999999960e-13, v35  }
0x29b: {  	v46 =	vld [tilespmem:s22+$0x16C40];
	v57 =	vadd.f32 v30, v28;
	v36 =	vmul.f32 v30, v30;
	v4 =	vadd.f32 v33, v26  }
0x29c: {  	v44 =	vld [tilespmem:s22+$0x16C30];
	v39 =	vadd.f32 v52, v49;
	v59 =	vmul.f32 v31, v31;
	v35 =	vbroadcast v35, $0xF  }
0x29d: {  	s20 =	sadd.s32 $0x180, s13;
	v41 =	vld [tilespmem:s22+$0x16C00];
	v60 =	vmul.f32 v28, v28;
	v37 =	vmul.f32 v26, v26;
	v34 =	vadd.f32 v4, v57  }
0x29e: {  	v53 =	vld [tilespmem:s20+$0x10];
	v4 =	vmul.f32 v33, v33;
	v57 =	vmul.f32 $-5.000000000e-01, v35;
	v35 =	vshrl.u32 v35, $0x1  }
0x29f: {  	[tilespmem:s16+$0x10] =	vst v56;
	v56 =	vld.idx.msk [tilespmem:v40+s15+$0x0], $0xffff;
	v38 =	vadd.f32 v48, v47;
	v54 =	vadd.f32 v59, v54;
	v59 =	vsub.s32 $0x5F3759DF, v35  }
0x2a0: {  	v49 =	vld [tilespmem:s22+$0x16C70];
	v36 =	vadd.f32 v36, v60;
	v37 =	vadd.f32 v4, v37;
	v57 =	vmul.f32 v59, v57  }
0x2a1: {  	v5 =	vmul.f32 v63, v5;
	v52 =	vld [tilespmem:s20+$0x0];
	v34 =	vadd.f32 v34, v38  }
0x2a2: {  	[tilespmem:s16+$0x70] =	vst v50;
	v47 =	vld [tilespmem:s22+$0x16C50];
	v39 =	vadd.f32 v54, v39;
	v36 =	vadd.f32 v37, v36;
	v50 =	vmul.f32 v59, v57  }
0x2a3: {  	v48 =	vld [tilespmem:s22+$0x16C60];
	v38 =	vmul.f32 v63, v58;
	(xrf2) =	vadd.scan.msk.f32 $0xffff, v34  }
0x2a4: {  	[tilespmem:s16+$0x50] =	vst v5;
	v54 =	vld [tilespmem:s20+$0x20];
	v35 =	vbroadcast v55, $0xF;
	v36 =	vadd.f32 v36, v39;
	v4 =	vadd.f32 $1.500000000e+00, v50  }
0x2a5: {  	v0 =	vmul.f32 v63, v6;
	v58 =	vmul.f32 v63, v7;
	[tilespmem:s16+$0x20] =	vst v38;
	v55 =	vld [tilespmem:s20+$0x30]  }
0x2a6: {  	v45 =	vsub.f32 v45, v35;
	v40 =	vsub.f32 v2, v35;
	v57 =	vld [tilespmem:s20+$0x40];
	(xrf2) =	vadd.scan.msk.f32 $0xffff, v36;
	v34 =	vmul.f32 v59, v4  }
0x2a7: {  	[tilespmem:s16+$0x30] =	vst v58;
	v58 =	vld [tilespmem:s20+$0x50];
	v38 =	vsub.f32 v62, v35;
	v37 =	vsub.f32 v3, v35;
	v50 =	vmul.f32 v63, v51  }
0x2a8: {  	[tilespmem:s16+$0x40] =	vst v0;
	s22 =	simm.s32 $0x800;
	v36 =	vsub.f32 v1, v35;
	v51 =	vsub.f32 v61, v35;
	v59 =	vld [tilespmem:s20+$0x60];
	v45 =	vmul.f32 v34, v45  }
.LBB2_6:
0x2a9: {  	p1 =	seq.s32 s22, $0xC600;
	v56 =	vcvt.s32.f32 v56;
	v41 =	vadd.f32 v41, v52;
	v52 =	vld [tilespmem:s20+$0x70];
	v60 =	vsub.f32 v25, v35;
	[tilespmem:s16+$0x60] =	vst v50;
	v39 =	vmovc v32;
	s16 =	smov.u32 s17;
	s17 =	smov.u32 s18  }
0x2aa: {  	v25 =	vadd.f32 v42, v53;
	v32 =	vadd.f32 v43, v54;
	v42 =	vmul.f32 v34, v51;
	s18 =	smov.u32 s20;
	[tilespmem:s16+$0x70] =	vst v45  }
0x2ab: {  	v61 =	vmovc v31;
	v44 =	vadd.f32 v44, v55;
	v43 =	vmul.f32 v56, v9;
	v45 =	vadd.f32 v46, v57  }
0x2ac: {  	v31 =	vmul.f32 v56, v16;
	v46 =	vmul.f32 v56, v17;
	v47 =	vadd.f32 v47, v58;
	[tilespmem:s16+$0x0] =	vst v42  }
0x2ad: {  	v50 =	vmul.f32 v56, v12;
	v42 =	vmul.f32 v56, v18;
	v48 =	vadd.f32 v48, v59;
	v51, _, _ =	vpop (xrf2)  }
0x2ae: {  	v62 =	vmovc v28;
	v53 =	vmul.f32 v56, v14;
	v54 =	vmul.f32 v56, v15;
	v49 =	vadd.f32 v49, v52  }
0x2af: {  	v58 =	vmovc v33;
	v59 =	vadd.f32 v41, v43;
	v63 =	vadd.f32 v25, v31;
	v25 =	vmovc v30;
	v51 =	vmul.f32 $7.812500000e-03, v51  }
0x2b0: {  	v33 =	vmul.f32 v56, v13;
	v32 =	vadd.f32 v32, v46;
	v31 =	vadd.f32 v44, v42;
	v30, _, _ =	vpop (xrf2)  }
0x2b1: {  	v28 =	vadd.f32 v45, v50;
	v42 =	vmul.f32 v51, v51;
	v41 =	vmul.f32 $7.812500000e-03, v30  }
0x2b2: {  	s21 =	sadd.s32 $0x1, s21;
	v40 =	vmul.f32 v34, v40;
	v45 =	vadd.f32 v48, v54;
	v30 =	vadd.f32 v47, v53  }
0x2b3: {  	s23 =	sshra.s32 s22, $0x2;
	v50 =	vmov s21;
	v33 =	vadd.f32 v49, v33;
	v43 =	vsub.f32 v41, v42  }
0x2b4: {  	v48 =	vadd.f32 v31, v32;
	v49 =	vmul.f32 v59, v59;
	v47 =	vadd.f32 v63, v59;
	v41 =	vld [tilespmem:s23+$0x16C00];
	[tilespmem:s16+$0x10] =	vst v40  }
0x2b5: {  	v52 =	vmul.f32 v32, v32;
	v40 =	vmul.f32 v63, v63;
	v42 =	vld [tilespmem:s23+$0x16C10];
	v46 =	vadd.f32 $9.999999960e-13, v43  }
0x2b6: {  	v55 =	vmul.f32 v28, v28;
	v54 =	vmul.f32 v31, v31;
	v53 =	vadd.f32 v30, v28;
	v43 =	vld [tilespmem:s23+$0x16C20]  }
0x2b7: {  	v56 =	vadd.f32 v33, v45;
	v57 =	vmul.f32 v30, v30;
	v44 =	vld [tilespmem:s23+$0x16C30];
	v0 =	vbroadcast v46, $0xF  }
0x2b8: {  	v2 =	vmul.f32 v45, v45;
	v3 =	vmul.f32 v33, v33;
	v1 =	vadd.f32 v48, v47;
	v46 =	vld [tilespmem:s23+$0x16C40]  }
0x2b9: {  	v53 =	vadd.f32 v56, v53;
	v47 =	vld [tilespmem:s23+$0x16C50];
	v56 =	vmul.f32 $-5.000000000e-01, v0;
	v0 =	vshrl.u32 v0, $0x1  }
0x2ba: {  	v54 =	vadd.f32 v54, v52;
	v40 =	vadd.f32 v40, v49;
	v48 =	vld [tilespmem:s23+$0x16C60];
	v0 =	vsub.s32 $0x5F3759DF, v0  }
0x2bb: {  	s20 =	sadd.s32 s23, s13;
	v2 =	vadd.f32 v3, v2;
	v55 =	vadd.f32 v57, v55;
	v49 =	vld [tilespmem:s23+$0x16C70];
	v3 =	vmul.f32 v0, v56  }
0x2bc: {  	v38 =	vmul.f32 v34, v38;
	v57 =	vsub.f32 v24, v35;
	v24 =	vmovc v26;
	v1 =	vadd.f32 v53, v1;
	v52 =	vld [tilespmem:s20+$0x0]  }
0x2bd: {  	v26 =	vmovc v45;
	v2 =	vadd.f32 v2, v55;
	v35 =	vadd.f32 v54, v40;
	v53 =	vld [tilespmem:s20+$0x10];
	v3 =	vmul.f32 v0, v3  }
0x2be: {  	v56 =	vld.idx.msk [tilespmem:v50+s15+$0x0], $0xffff;
	(xrf2) =	vadd.scan.msk.f32 $0xffff, v1;
	[tilespmem:s16+$0x20] =	vst v38;
	v1 =	vmul.f32 v34, v36;
	v36 =	vmul.f32 v34, v37  }
.Ltmp9:
0x2bf: {  	v2 =	vadd.f32 v2, v35;
	v35 =	vbroadcast v51, $0xF;
	v54 =	vld [tilespmem:s20+$0x20];
	v3 =	vadd.f32 $1.500000000e+00, v3;
	(pc) =	sbr.rel @!p1 .LBB2_6-.Ltmp9, $4  }
0x2c0: {  	v50 =	vmul.f32 v34, v57;
	v55 =	vld [tilespmem:s20+$0x30];
	[tilespmem:s16+$0x30] =	vst v1;
	v1 =	vmul.f32 v34, v60  }
0x2c1: {  	v51 =	vsub.f32 v29, v35;
	v57 =	vld [tilespmem:s20+$0x40];
	(xrf2) =	vadd.scan.msk.f32 $0xffff, v2;
	v34 =	vmul.f32 v0, v3;
	v0 =	vsub.f32 v58, v35  }
0x2c2: {  	v40 =	vsub.f32 v27, v35;
	v29 =	vmovc v59;
	v27 =	vmov v63;
	v38 =	vsub.f32 v39, v35;
	v58 =	vld [tilespmem:s20+$0x50];
	[tilespmem:s16+$0x40] =	vst v36  }
0x2c3: {  	s22 =	sadd.s32 $0x200, s22;
	v37 =	vsub.f32 v62, v35;
	v36 =	vsub.f32 v61, v35;
	v59 =	vld [tilespmem:s20+$0x60];
	v45 =	vmul.f32 v34, v0;
	[tilespmem:s16+$0x50] =	vst v1  }
0x2c4: {  	v0 =	vcvt.s32.f32 v56;
	v1 =	vadd.f32 v41, v52  }
0x2c5: {  	v3 =	vadd.f32 v42, v53;
	v39 =	vadd.f32 v43, v54  }
0x2c6: {  	v2 =	vld [tilespmem:s20+$0x70];
	v42 =	vadd.f32 v44, v55;
	v61 =	vmul.f32 v0, v9;
	v62 =	vmul.f32 v0, v16  }
0x2c7: {  	v43 =	vadd.f32 v46, v57;
	v63 =	vmul.f32 v0, v17;
	v57 =	vmul.f32 v0, v18  }
0x2c8: {  	v60 =	vmul.f32 v0, v14;
	v47 =	vadd.f32 v47, v58;
	v48 =	vadd.f32 v48, v59  }
0x2c9: {  	v58 =	vmul.f32 v0, v12;
	v1 =	vadd.f32 v1, v61;
	v3 =	vadd.f32 v3, v62  }
0x2ca: {  	v61 =	vmul.f32 v0, v15;
	v39 =	vadd.f32 v39, v63;
	v42 =	vadd.f32 v42, v57  }
0x2cb: {  	v0 =	vmul.f32 v0, v13;
	v2 =	vadd.f32 v49, v2;
	v43 =	vadd.f32 v43, v58  }
0x2cc: {  	v44 =	vadd.f32 v47, v60;
	v41 =	vadd.f32 v48, v61  }
0x2cd: {  	v46 =	vmul.f32 v1, v1;
	v62 =	vadd.f32 v42, v39;
	v0 =	vadd.f32 v2, v0  }
0x2ce: {  	v48 =	vmul.f32 v3, v3;
	v49 =	vmul.f32 v39, v39;
	v2 =	vadd.f32 v3, v1  }
0x2cf: {  	v4 =	vmul.f32 v42, v42;
	v63 =	vadd.f32 v44, v43;
	v5 =	vadd.f32 v0, v41  }
0x2d0: {  	v60 =	vmul.f32 v43, v43;
	v61 =	vmul.f32 v44, v44;
	v2 =	vadd.f32 v62, v2  }
0x2d1: {  	v62 =	vmul.f32 v41, v41;
	v52 =	vadd.f32 v5, v63;
	v63 =	vmul.f32 v0, v0  }
0x2d2: {  	v46 =	vadd.f32 v48, v46;
	v4 =	vadd.f32 v4, v49  }
0x2d3: {  	v5 =	vadd.f32 v61, v60;
	v47 =	vadd.f32 v63, v62  }
0x2d4: {  	v46 =	vadd.f32 v4, v46  }
0x2d5: {  	v2 =	vadd.f32 v52, v2;
	v47 =	vadd.f32 v47, v5;
	_ =	sdelay $0x1  }
0x2d6: {  	(xrf2) =	vadd.scan.msk.f32 $0xffff, v2;
	v52 =	vadd.f32 v47, v46  }
0x2d7: {  	v53, _, _ =	vpop (xrf2)  }
0x2d8: {  	v46 =	vmul.f32 $7.812500000e-03, v53;
	(xrf2) =	vadd.scan.msk.f32 $0xffff, v52  }
0x2d9: {  	v54, _, _ =	vpop (xrf2)  }
0x2da: {  	v2 =	vmul.f32 $7.812500000e-03, v54;
	v55 =	vmul.f32 v46, v46;
	_ =	sdelay $0x1  }
0x2db: {  	v2 =	vsub.f32 v2, v55;
	_ =	sdelay $0x1  }
0x2dc: {  	v2 =	vadd.f32 $9.999999960e-13, v2;
	_ =	sdelay $0x1  }
0x2dd: {  	v2 =	vbroadcast v2, $0xF;
	v56, _, _ =	vpop (xrf2)  }
0x2de: {  	v47 =	vmul.f32 $7.812500000e-03, v56  }
0x2df: {  	v57 =	vmul.f32 $-5.000000000e-01, v2;
	v58, _, _ =	vpop (xrf2)  }
0x2e0: {  	v2 =	vshrl.u32 v2, $0x1;
	v59 =	vmul.f32 v47, v47;
	v49 =	vmul.f32 $7.812500000e-03, v58  }
0x2e1: {  	v2 =	vsub.s32 $0x5F3759DF, v2  }
0x2e2: {  	v48 =	vmul.f32 v2, v57;
	v49 =	vsub.f32 v49, v59  }
0x2e3: {  	v25 =	vsub.f32 v25, v35;
	[tilespmem:s16+$0x60] =	vst v50;
	v40 =	vmul.f32 v34, v40  }
0x2e4: {  	v38 =	vmul.f32 v34, v38;
	[tilespmem:s17+$0x70] =	vst v45;
	v48 =	vmul.f32 v2, v48;
	v61 =	vadd.f32 $9.999999960e-13, v49  }
0x2e5: {  	v24 =	vsub.f32 v24, v35;
	v36 =	vmul.f32 v34, v36;
	[tilespmem:s17+$0x10] =	vst v40;
	v62 =	vbroadcast v46, $0xF  }
0x2e6: {  	v37 =	vmul.f32 v34, v37;
	[tilespmem:s17+$0x20] =	vst v38;
	v48 =	vadd.f32 $1.500000000e+00, v48;
	v45 =	vbroadcast v61, $0xF  }
0x2e7: {  	v25 =	vmul.f32 v34, v25;
	v24 =	vmul.f32 v34, v24;
	[tilespmem:s17+$0x30] =	vst v36;
	v33 =	vsub.f32 v33, v62  }
0x2e8: {  	[tilespmem:s17+$0x40] =	vst v37;
	v2 =	vmul.f32 v2, v48;
	v63 =	vmul.f32 $-5.000000000e-01, v45;
	v4 =	vshrl.u32 v45, $0x1  }
0x2e9: {  	[tilespmem:s17+$0x50] =	vst v25;
	v60 =	vmul.f32 v34, v51;
	v29 =	vsub.f32 v29, v62;
	v5 =	vsub.s32 $0x5F3759DF, v4  }
0x2ea: {  	[tilespmem:s17+$0x60] =	vst v24;
	v27 =	vsub.f32 v27, v62;
	v33 =	vmul.f32 v2, v33;
	v25 =	vmul.f32 v5, v63  }
0x2eb: {  	[tilespmem:s17+$0x0] =	vst v60;
	v32 =	vsub.f32 v32, v62;
	v24 =	vmul.f32 v2, v29  }
0x2ec: {  	v29 =	vsub.f32 v31, v62;
	v27 =	vmul.f32 v2, v27;
	[tilespmem:s18+$0x70] =	vst v33;
	v25 =	vmul.f32 v5, v25  }
0x2ed: {  	v28 =	vsub.f32 v28, v62;
	v30 =	vsub.f32 v30, v62;
	[tilespmem:s18+$0x0] =	vst v24;
	v24 =	vmul.f32 v2, v32  }
0x2ee: {  	[tilespmem:s18+$0x10] =	vst v27;
	v27 =	vmul.f32 v2, v29;
	v29 =	vbroadcast v47, $0xF;
	v25 =	vadd.f32 $1.500000000e+00, v25  }
0x2ef: {  	v26 =	vsub.f32 v26, v62;
	[tilespmem:s18+$0x20] =	vst v24;
	v24 =	vmul.f32 v2, v28  }
0x2f0: {  	[tilespmem:s18+$0x30] =	vst v27;
	v27 =	vmul.f32 v2, v30;
	v0 =	vsub.f32 v0, v29;
	v25 =	vmul.f32 v5, v25  }
0x2f1: {  	v2 =	vmul.f32 v2, v26;
	v1 =	vsub.f32 v1, v29;
	[tilespmem:s18+$0x40] =	vst v24  }
0x2f2: {  	v3 =	vsub.f32 v3, v29;
	[tilespmem:s18+$0x50] =	vst v27;
	v0 =	vmul.f32 v25, v0  }
0x2f3: {  	v24 =	vsub.f32 v39, v29;
	[tilespmem:s18+$0x60] =	vst v2;
	v1 =	vmul.f32 v25, v1  }
0x2f4: {  	v33 =	vsub.f32 v42, v29;
	v34 =	vmul.f32 v25, v3;
	[tilespmem:s20+$0x70] =	vst v0  }
0x2f5: {  	v35 =	vsub.f32 v43, v29;
	v36 =	vmul.f32 v25, v24;
	[tilespmem:s20+$0x0] =	vst v1  }
0x2f6: {  	v38 =	vsub.f32 v41, v29;
	v37 =	vmul.f32 v25, v33;
	[tilespmem:s20+$0x10] =	vst v34  }
0x2f7: {  	v24 =	vsub.f32 v44, v29;
	v39 =	vmul.f32 v25, v35;
	[tilespmem:s20+$0x20] =	vst v36  }
0x2f8: {  	v2 =	vmul.f32 v25, v38;
	[tilespmem:s20+$0x30] =	vst v37  }
0x2f9: {  	v40 =	vmul.f32 v25, v24;
	[tilespmem:s20+$0x40] =	vst v39  }
0x2fa: {  	[tilespmem:s20+$0x60] =	vst v2  }
0x2fb: {  	[tilespmem:s20+$0x50] =	vst v40  }
0x2fc: {  	s17 =	simm.s32 $0x19E70;
	v0 =	vld [tilespmem:s4+$0x0]  }
0x2fd: {  	v1 =	vld [tilespmem:s17+$0xFFFFFF90]  }
0x2fe: {  	v2 =	vld [tilespmem:s4+$0x10]  }
0x2ff: {  	v41 =	vld [tilespmem:s17+$0xFFFFFFA0]  }
0x300: {  	s15 =	simm.s32 $0x0;
	v4 =	vld [tilespmem:s4+$0x20]  }
0x301: {  	v5 =	vmov s15;
	v6 =	vld [tilespmem:s17+$0xFFFFFFB0]  }
0x302: {  	v7 =	vld [tilespmem:s4+$0x30]  }
0x303: {  	v24 =	vld [tilespmem:s17+$0xFFFFFFC0]  }
0x304: {  	v25 =	vld [tilespmem:s4+$0x40]  }
0x305: {  	s13 =	sadd.s32 $0x2080, s6;
	v26 =	vld [tilespmem:s17+$0xFFFFFFD0]  }
0x306: {  	v5 =	vld.idx.msk [tilespmem:v5+s13+$0x0], $0xffff  }
0x307: {  	v27 =	vld [tilespmem:s4+$0x50]  }
0x308: {  	v28 =	vld [tilespmem:s17+$0xFFFFFFE0]  }
0x309: {  	v29 =	vld [tilespmem:s4+$0x60]  }
0x30a: {  	v30 =	vld [tilespmem:s17+$0xFFFFFFF0]  }
0x30b: {  	v31 =	vld [tilespmem:s4+$0x70]  }
0x30c: {  	v42 =	vld [tilespmem:s17+$0x0];
	v0 =	vadd.f32 v1, v0  }
0x30d: {  	v5 =	vcvt.s32.f32 v5;
	v2 =	vadd.f32 v41, v2;
	v43 =	vadd.f32 v6, v4  }
0x30e: {  	v6 =	vadd.f32 v24, v7;
	v7 =	vadd.f32 v26, v25  }
0x30f: {  	v26 =	vadd.f32 v28, v27;
	v44 =	vmul.f32 v5, v9;
	v24 =	vmul.f32 v5, v16  }
0x310: {  	v47 =	vadd.f32 v30, v29;
	v25 =	vmul.f32 v5, v17;
	v45 =	vmul.f32 v5, v18  }
0x311: {  	v1 =	vadd.f32 v42, v31;
	v46 =	vmul.f32 v5, v12;
	v48 =	vmul.f32 v5, v14  }
0x312: {  	v49 =	vmul.f32 v5, v15;
	v30 =	vadd.f32 v0, v44;
	v27 =	vadd.f32 v2, v24  }
0x313: {  	v50 =	vmul.f32 v5, v13;
	v28 =	vadd.f32 v43, v25;
	v29 =	vadd.f32 v6, v45  }
0x314: {  	s6 =	sadd.s32 $0x80, s4;
	s18 =	simm.s32 $0x1;
	v31 =	vadd.f32 v7, v46;
	v26 =	vadd.f32 v26, v48  }
0x315: {  	v51 =	vmov s18;
	s20 =	simm.s32 $0x19EF0;
	v52 =	vld [tilespmem:s6+$0x0];
	v34 =	vadd.f32 v47, v49;
	v1 =	vadd.f32 v1, v50  }
0x316: {  	v54 =	vld [tilespmem:s20+$0xFFFFFF90];
	v53 =	vadd.f32 v27, v30;
	v4 =	vmul.f32 v30, v30;
	v6 =	vadd.f32 v29, v28  }
0x317: {  	v57 =	vld [tilespmem:s20+$0xFFFFFFA0];
	v7 =	vmul.f32 v27, v27;
	v24 =	vmul.f32 v28, v28;
	v55 =	vadd.f32 v26, v31  }
0x318: {  	v61 =	vld [tilespmem:s6+$0x20];
	v56 =	vmul.f32 v29, v29;
	v58 =	vadd.f32 v1, v34;
	v59 =	vmul.f32 v31, v31  }
0x319: {  	v63 =	vld [tilespmem:s20+$0xFFFFFFB0];
	v60 =	vmul.f32 v26, v26;
	v62 =	vmul.f32 v1, v1  }
0x31a: {  	v25 =	vld [tilespmem:s6+$0x10];
	v2 =	vadd.f32 v6, v53;
	v6 =	vmul.f32 v34, v34;
	v32 =	vadd.f32 v58, v55  }
0x31b: {  	v43 =	vld [tilespmem:s6+$0x30];
	v4 =	vadd.f32 v7, v4;
	v7 =	vadd.f32 v56, v24  }
0x31c: {  	v45 =	vld [tilespmem:s6+$0x40];
	v44 =	vadd.f32 v60, v59;
	v6 =	vadd.f32 v62, v6  }
0x31d: {  	v0 =	vld.idx.msk [tilespmem:v51+s13+$0x0], $0xffff;
	v2 =	vadd.f32 v32, v2  }
0x31e: {  	v49 =	vld [tilespmem:s6+$0x70];
	v4 =	vadd.f32 v7, v4;
	v6 =	vadd.f32 v6, v44  }
0x31f: {  	v50 =	vld [tilespmem:s20+$0x0]  }
0x320: {  	v46 =	vld [tilespmem:s20+$0xFFFFFFD0];
	(xrf2) =	vadd.scan.msk.f32 $0xffff, v2;
	v4 =	vadd.f32 v6, v4  }
0x321: {  	v24 =	vld [tilespmem:s20+$0xFFFFFFC0]  }
0x322: {  	v47 =	vld [tilespmem:s6+$0x50];
	v0 =	vcvt.s32.f32 v0;
	(xrf2) =	vadd.scan.msk.f32 $0xffff, v4  }
0x323: {  	v3 =	vadd.f32 v54, v52;
	v51 =	vadd.f32 v63, v61;
	v6 =	vld [tilespmem:s20+$0xFFFFFFE0]  }
0x324: {  	v48 =	vld [tilespmem:s20+$0xFFFFFFF0];
	v25 =	vadd.f32 v57, v25;
	v5 =	vadd.f32 v50, v49;
	v52 =	vmul.f32 v0, v9  }
0x325: {  	v7 =	vld [tilespmem:s6+$0x60];
	v32 =	vadd.f32 v46, v45;
	v53 =	vmul.f32 v0, v16;
	v54 =	vmul.f32 v0, v17  }
0x326: {  	v55 =	vmul.f32 v0, v12;
	v56 =	vmul.f32 v0, v14;
	v24 =	vadd.f32 v24, v43  }
0x327: {  	v57 =	vmul.f32 v0, v15;
	v40 =	vadd.f32 v3, v52;
	v37 =	vadd.f32 v25, v53  }
0x328: {  	v38 =	vadd.f32 v51, v54;
	v2 =	vadd.f32 v6, v47;
	v6 =	vmul.f32 v0, v18  }
0x329: {  	v39 =	vadd.f32 v32, v55;
	v59 =	vadd.f32 v37, v40;
	v60 =	vmul.f32 v37, v37  }
0x32a: {  	v35 =	vmul.f32 v38, v38;
	v4 =	vadd.f32 v48, v7;
	v0 =	vmul.f32 v0, v13;
	v7, _, _ =	vpop (xrf2)  }
0x32b: {  	v36 =	vadd.f32 v24, v6;
	v25 =	vadd.f32 v2, v56;
	v3 =	vmul.f32 $7.812500000e-03, v7  }
0x32c: {  	s21 =	simm.s32 $0x2;
	v63 =	vmul.f32 v39, v39;
	v24 =	vadd.f32 v4, v57;
	v42 =	vadd.f32 v5, v0;
	v6, _, _ =	vpop (xrf2)  }
0x32d: {  	s15 =	sadd.s32 $0x80, s6;
	v2 =	vmov s21;
	v7 =	vmul.f32 v3, v3;
	v6 =	vmul.f32 $7.812500000e-03, v6  }
0x32e: {  	v41 =	vld [tilespmem:s15+$0x10];
	v61 =	vadd.f32 v25, v39;
	v62 =	vmul.f32 v36, v36;
	v55 =	vadd.f32 v42, v24  }
0x32f: {  	s22 =	simm.s32 $0x19F70;
	v49 =	vld [tilespmem:s15+$0x20];
	v56 =	vmul.f32 v25, v25;
	v58 =	vsub.f32 v6, v7;
	v6 =	vadd.f32 v36, v38  }
0x330: {  	v46 =	vld [tilespmem:s22+$0xFFFFFFA0];
	v57 =	vmul.f32 v42, v42;
	v43 =	vadd.f32 v55, v61;
	v7 =	vmul.f32 v40, v40  }
0x331: {  	v32 =	vld [tilespmem:s22+$0xFFFFFF90];
	v0 =	vadd.f32 $9.999999960e-13, v58;
	v5 =	vadd.f32 v6, v59;
	v6 =	vmul.f32 v24, v24  }
0x332: {  	v51 =	vld [tilespmem:s22+$0xFFFFFFB0];
	v7 =	vadd.f32 v60, v7;
	v59 =	vadd.f32 v62, v35  }
0x333: {  	v4 =	vld [tilespmem:s15+$0x0];
	v60 =	vadd.f32 v56, v63;
	v6 =	vadd.f32 v57, v6  }
0x334: {  	v52 =	vld [tilespmem:s15+$0x30];
	v3 =	vbroadcast v3, $0xF;
	v0 =	vbroadcast v0, $0xF;
	v5 =	vadd.f32 v43, v5  }
0x335: {  	v2 =	vld.idx.msk [tilespmem:v2+s13+$0x0], $0xffff;
	v7 =	vadd.f32 v59, v7;
	v6 =	vadd.f32 v6, v60  }
0x336: {  	v50 =	vsub.f32 v27, v3;
	v27 =	vld [tilespmem:s15+$0x70];
	v58 =	vmul.f32 $-5.000000000e-01, v0;
	v0 =	vshrl.u32 v0, $0x1  }
0x337: {  	v35 =	vld [tilespmem:s22+$0xFFFFFFC0];
	(xrf2) =	vadd.scan.msk.f32 $0xffff, v5;
	v0 =	vsub.s32 $0x5F3759DF, v0;
	v6 =	vadd.f32 v6, v7  }
0x338: {  	v4 =	vadd.f32 v32, v4;
	v62 =	vld [tilespmem:s15+$0x40];
	v61 =	vmul.f32 v0, v58  }
0x339: {  	v53 =	vsub.f32 v28, v3;
	v54 =	vsub.f32 v29, v3;
	v63 =	vld [tilespmem:s22+$0xFFFFFFD0];
	(xrf2) =	vadd.scan.msk.f32 $0xffff, v6  }
0x33a: {  	v55 =	vsub.f32 v31, v3;
	v2 =	vcvt.s32.f32 v2;
	v5 =	vld [tilespmem:s15+$0x50];
	v59 =	vmul.f32 v0, v61  }
0x33b: {  	v28 =	vadd.f32 v51, v49;
	v56 =	vsub.f32 v26, v3;
	v60 =	vld [tilespmem:s22+$0xFFFFFFE0]  }
0x33c: {  	v26 =	vadd.f32 v46, v41;
	v29 =	vmul.f32 v2, v9;
	v61 =	vld [tilespmem:s15+$0x60];
	v7 =	vadd.f32 $1.500000000e+00, v59  }
0x33d: {  	v48 =	vmul.f32 v2, v17;
	v49 =	vmul.f32 v2, v18;
	v6 =	vsub.f32 v30, v3;
	v30 =	vld [tilespmem:s22+$0xFFFFFFF0]  }
0x33e: {  	v51 =	vmul.f32 v2, v12;
	v31 =	vadd.f32 v35, v52;
	v0 =	vmul.f32 v0, v7;
	v7 =	vld [tilespmem:s22+$0x0]  }
0x33f: {  	v57 =	vmul.f32 v2, v15;
	v29 =	vadd.f32 v4, v29;
	v62 =	vadd.f32 v63, v62  }
0x340: {  	v32 =	vadd.f32 v28, v48;
	v63 =	vmul.f32 v2, v16;
	v31 =	vadd.f32 v31, v49  }
0x341: {  	v35 =	vmul.f32 v29, v29;
	v28 =	vadd.f32 v62, v51;
	v5 =	vadd.f32 v60, v5;
	v52, _, _ =	vpop (xrf2)  }
0x342: {  	v44 =	vadd.f32 v30, v61;
	v30 =	vmul.f32 v2, v14;
	v4 =	vmul.f32 $7.812500000e-03, v52  }
0x343: {  	v49 =	vmul.f32 v32, v32;
	v7 =	vadd.f32 v7, v27;
	v27 =	vadd.f32 v26, v63;
	v26, _, _ =	vpop (xrf2)  }
0x344: {  	v30 =	vadd.f32 v5, v30;
	v59 =	vmul.f32 v4, v4;
	v58 =	vmul.f32 $7.812500000e-03, v26  }
0x345: {  	v1 =	vsub.f32 v1, v3;
	v51 =	vmul.f32 v31, v31;
	v2 =	vmul.f32 v2, v13  }
0x346: {  	s17 =	simm.s32 $0x19FF0;
	v52 =	vmul.f32 v28, v28;
	v61 =	vadd.f32 v30, v28;
	v60 =	vsub.f32 v58, v59  }
0x347: {  	v45 =	vld [tilespmem:s17+$0xFFFFFFA0];
	v63 =	vmul.f32 v0, v50;
	v26 =	vadd.f32 v44, v57;
	v33 =	vadd.f32 v7, v2  }
0x348: {  	s16 =	sadd.s32 $0x80, s15;
	v47 =	vld [tilespmem:s17+$0xFFFFFFB0];
	v2 =	vmul.f32 v0, v6;
	v6 =	vadd.f32 v27, v29;
	v5 =	vadd.f32 $9.999999960e-13, v60  }
0x349: {  	v41 =	vld [tilespmem:s16+$0x0];
	v7 =	vadd.f32 v31, v32;
	v48 =	vmul.f32 v27, v27;
	v62 =	vadd.f32 v33, v26  }
0x34a: {  	v46 =	vld [tilespmem:s16+$0x20];
	v51 =	vadd.f32 v51, v49;
	v59 =	vmul.f32 v30, v30;
	v5 =	vbroadcast v5, $0xF  }
0x34b: {  	v43 =	vld [tilespmem:s17+$0xFFFFFF90];
	v6 =	vadd.f32 v7, v6;
	v7 =	vmul.f32 v26, v26;
	v57 =	vadd.f32 v62, v61  }
0x34c: {  	s23 =	simm.s32 $0x3;
	v49 =	vld [tilespmem:s17+$0xFFFFFFC0];
	v61 =	vmul.f32 v33, v33;
	v60 =	vmul.f32 $-5.000000000e-01, v5;
	v5 =	vshrl.u32 v5, $0x1  }
0x34d: {  	v44 =	vld [tilespmem:s16+$0x10];
	v58 =	vmov s23;
	v35 =	vadd.f32 v48, v35;
	v5 =	vsub.s32 $0x5F3759DF, v5  }
0x34e: {  	v48 =	vld [tilespmem:s16+$0x30];
	v50 =	vadd.f32 v59, v52;
	v61 =	vadd.f32 v61, v7;
	v60 =	vmul.f32 v5, v60  }
0x34f: {  	v1 =	vmul.f32 v0, v1;
	[tilespmem:s4+$0x10] =	vst v63;
	v52 =	vld [tilespmem:s16+$0x40];
	v62 =	vmul.f32 v0, v53;
	v6 =	vadd.f32 v57, v6  }
0x350: {  	[tilespmem:s4+$0x0] =	vst v2;
	v53 =	vld [tilespmem:s17+$0xFFFFFFD0];
	v63 =	vadd.f32 v51, v35;
	v2 =	vadd.f32 v61, v50;
	v7 =	vmul.f32 v5, v60  }
0x351: {  	[tilespmem:s4+$0x70] =	vst v1;
	v59 =	vmul.f32 v0, v54;
	v54 =	vld [tilespmem:s16+$0x50];
	v35 =	vbroadcast v4, $0xF;
	(xrf2) =	vadd.scan.msk.f32 $0xffff, v6  }
0x352: {  	[tilespmem:s4+$0x20] =	vst v62;
	v57 =	vld.idx.msk [tilespmem:v58+s13+$0x0], $0xffff;
	v61 =	vadd.f32 v2, v63;
	v60 =	vadd.f32 $1.500000000e+00, v7  }
0x353: {  	v3 =	vsub.f32 v34, v3;
	v62 =	vmul.f32 v0, v56;
	[tilespmem:s4+$0x30] =	vst v59;
	v56 =	vld [tilespmem:s16+$0x60];
	v51 =	vsub.f32 v40, v35  }
0x354: {  	v59 =	vld [tilespmem:s16+$0x70];
	v6 =	vmul.f32 v0, v55;
	v63 =	vsub.f32 v42, v35;
	(xrf2) =	vadd.scan.msk.f32 $0xffff, v61;
	v34 =	vmul.f32 v5, v60  }
0x355: {  	v40 =	vsub.f32 v37, v35;
	v38 =	vsub.f32 v38, v35;
	v55 =	vld [tilespmem:s17+$0xFFFFFFE0];
	v50 =	vmul.f32 v0, v3;
	[tilespmem:s4+$0x50] =	vst v62  }
0x356: {  	s18 =	simm.s32 $0x4;
	v36 =	vsub.f32 v36, v35;
	v37 =	vsub.f32 v39, v35;
	v58 =	vld [tilespmem:s17+$0xFFFFFFF0];
	[tilespmem:s4+$0x40] =	vst v6;
	v42 =	vmul.f32 v34, v63  }
.LBB2_8:
0x357: {  	p1 =	seq.s32 s18, $0x63;
	v0 =	vcvt.s32.f32 v57;
	v1 =	vadd.f32 v43, v41;
	v2 =	vld [tilespmem:s17+$0x0];
	v3 =	vsub.f32 v25, v35;
	[tilespmem:s4+$0x60] =	vst v50;
	v39 =	vmovc v32;
	s4 =	smov.u32 s6;
	s6 =	smov.u32 s15  }
0x358: {  	v4 =	vadd.f32 v45, v44;
	v5 =	vadd.f32 v47, v46;
	v6 =	vmul.f32 v34, v51;
	s15 =	smov.u32 s16;
	[tilespmem:s4+$0x70] =	vst v42  }
0x359: {  	v41 =	vadd.f32 v49, v48;
	v60 =	vmovc v31;
	v42 =	vadd.f32 v53, v52;
	v7 =	vmul.f32 v0, v9  }
0x35a: {  	v43 =	vadd.f32 v55, v54;
	v11 =	vmul.f32 v0, v16;
	v31 =	vmul.f32 v0, v17;
	[tilespmem:s4+$0x0] =	vst v6  }
0x35b: {  	v44 =	vmul.f32 v0, v12;
	v6 =	vmul.f32 v0, v18;
	v45 =	vadd.f32 v58, v56;
	v32, _, _ =	vpop (xrf2)  }
0x35c: {  	v61 =	vmovc v28;
	v46 =	vmul.f32 v0, v14;
	v47 =	vmul.f32 v0, v15;
	v2 =	vadd.f32 v2, v59  }
0x35d: {  	v25 =	vmovc v30;
	v58 =	vmovc v33;
	v1 =	vadd.f32 v1, v7;
	v4 =	vadd.f32 v4, v11;
	v7 =	vmul.f32 $7.812500000e-03, v32  }
0x35e: {  	v0 =	vmul.f32 v0, v13;
	v32 =	vadd.f32 v5, v31;
	v31 =	vadd.f32 v41, v6;
	v5, _, _ =	vpop (xrf2)  }
0x35f: {  	v28 =	vadd.f32 v42, v44;
	v6 =	vmul.f32 v7, v7;
	v5 =	vmul.f32 $7.812500000e-03, v5  }
0x360: {  	v40 =	vmul.f32 v34, v40;
	v30 =	vadd.f32 v43, v46;
	v42 =	vadd.f32 v45, v47  }
0x361: {  	v50 =	vmov s18;
	s16 =	sadd.s32 $0x80, s16;
	v33 =	vadd.f32 v2, v0;
	v0 =	vsub.f32 v5, v6  }
0x362: {  	s17 =	sadd.s32 $0x80, s17;
	v2 =	vadd.f32 v4, v1;
	v5 =	vadd.f32 v31, v32;
	v6 =	vmul.f32 v1, v1;
	v41 =	vld [tilespmem:s16+$0x0];
	[tilespmem:s4+$0x10] =	vst v40  }
0x363: {  	v49 =	vmul.f32 v32, v32;
	v40 =	vmul.f32 v4, v4;
	v43 =	vld [tilespmem:s17+$0xFFFFFF90];
	v0 =	vadd.f32 $9.999999960e-13, v0  }
0x364: {  	v48 =	vadd.f32 v30, v28;
	v52 =	vmul.f32 v28, v28;
	v51 =	vmul.f32 v31, v31;
	v44 =	vld [tilespmem:s16+$0x10]  }
0x365: {  	v54 =	vmul.f32 v30, v30;
	v53 =	vadd.f32 v33, v42;
	v45 =	vld [tilespmem:s17+$0xFFFFFFA0];
	v0 =	vbroadcast v0, $0xF  }
0x366: {  	v55 =	vmul.f32 v33, v33;
	v2 =	vadd.f32 v5, v2;
	v5 =	vmul.f32 v42, v42;
	v46 =	vld [tilespmem:s16+$0x20]  }
0x367: {  	v53 =	vadd.f32 v53, v48;
	v47 =	vld [tilespmem:s17+$0xFFFFFFB0];
	v56 =	vmul.f32 $-5.000000000e-01, v0;
	v0 =	vshrl.u32 v0, $0x1  }
0x368: {  	v6 =	vadd.f32 v40, v6;
	v40 =	vadd.f32 v51, v49;
	v48 =	vld [tilespmem:s16+$0x30];
	v0 =	vsub.s32 $0x5F3759DF, v0  }
0x369: {  	v51 =	vadd.f32 v54, v52;
	v5 =	vadd.f32 v55, v5;
	v49 =	vld [tilespmem:s17+$0xFFFFFFC0];
	v54 =	vmul.f32 v0, v56  }
0x36a: {  	v38 =	vmul.f32 v34, v38;
	v2 =	vadd.f32 v53, v2;
	v56 =	vsub.f32 v24, v35;
	v24 =	vmovc v26;
	v52 =	vld [tilespmem:s16+$0x40]  }
0x36b: {  	v6 =	vadd.f32 v40, v6;
	v5 =	vadd.f32 v5, v51;
	v26 =	vmovc v42;
	v53 =	vld [tilespmem:s17+$0xFFFFFFD0];
	v40 =	vmul.f32 v0, v54  }
0x36c: {  	v57 =	vld.idx.msk [tilespmem:v50+s13+$0x0], $0xffff;
	(xrf2) =	vadd.scan.msk.f32 $0xffff, v2;
	[tilespmem:s4+$0x20] =	vst v38;
	v2 =	vmul.f32 v34, v36;
	v36 =	vmul.f32 v34, v37  }
.Ltmp10:
0x36d: {  	v5 =	vadd.f32 v5, v6;
	v35 =	vbroadcast v7, $0xF;
	v54 =	vld [tilespmem:s16+$0x50];
	v6 =	vadd.f32 $1.500000000e+00, v40;
	(pc) =	sbr.rel @!p1 .LBB2_8-.Ltmp10, $4  }
0x36e: {  	v50 =	vmul.f32 v34, v56;
	v55 =	vld [tilespmem:s17+$0xFFFFFFE0];
	[tilespmem:s4+$0x30] =	vst v2;
	v2 =	vmul.f32 v34, v3  }
0x36f: {  	v51 =	vsub.f32 v29, v35;
	v56 =	vld [tilespmem:s16+$0x60];
	(xrf2) =	vadd.scan.msk.f32 $0xffff, v5;
	v34 =	vmul.f32 v0, v6;
	v0 =	vsub.f32 v58, v35  }
0x370: {  	v29 =	vmovc v1;
	v38 =	vsub.f32 v39, v35;
	v40 =	vsub.f32 v27, v35;
	v27 =	vmov v4;
	v58 =	vld [tilespmem:s17+$0xFFFFFFF0];
	[tilespmem:s4+$0x40] =	vst v36  }
0x371: {  	s18 =	sadd.s32 $0x1, s18;
	v37 =	vsub.f32 v61, v35;
	v36 =	vsub.f32 v60, v35;
	v59 =	vld [tilespmem:s16+$0x70];
	v42 =	vmul.f32 v34, v0;
	[tilespmem:s4+$0x50] =	vst v2  }
0x372: {  	v0 =	vcvt.s32.f32 v57;
	v1 =	vadd.f32 v43, v41  }
0x373: {  	v3 =	vadd.f32 v45, v44;
	v4 =	vadd.f32 v47, v46  }
0x374: {  	v6 =	vadd.f32 v49, v48;
	v7 =	vadd.f32 v53, v52;
	v5 =	vmul.f32 v0, v9  }
0x375: {  	v2 =	vld [tilespmem:s17+$0x0];
	v49 =	vadd.f32 v55, v54;
	v39 =	vmul.f32 v0, v16;
	v48 =	vmul.f32 v0, v17  }
0x376: {  	v52 =	vmul.f32 v0, v18;
	v53 =	vmul.f32 v0, v12;
	v54 =	vadd.f32 v58, v56  }
0x377: {  	v55 =	vmul.f32 v0, v14;
	v1 =	vadd.f32 v1, v5;
	v3 =	vadd.f32 v3, v39  }
0x378: {  	v5 =	vmul.f32 v0, v15;
	v4 =	vadd.f32 v4, v48;
	v6 =	vadd.f32 v6, v52  }
0x379: {  	v7 =	vadd.f32 v7, v53;
	v39 =	vadd.f32 v49, v55  }
0x37a: {  	v0 =	vmul.f32 v0, v13;
	v2 =	vadd.f32 v2, v59;
	v5 =	vadd.f32 v54, v5  }
0x37b: {  	v56 =	vadd.f32 v3, v1;
	v57 =	vmul.f32 v1, v1;
	v58 =	vadd.f32 v6, v4  }
0x37c: {  	v59 =	vmul.f32 v3, v3;
	v60 =	vmul.f32 v4, v4;
	v61 =	vadd.f32 v39, v7  }
0x37d: {  	v62 =	vmul.f32 v6, v6;
	v21 =	vmul.f32 v7, v7;
	v0 =	vadd.f32 v2, v0  }
0x37e: {  	v22 =	vmul.f32 v39, v39;
	v2 =	vadd.f32 v58, v56;
	v23 =	vmul.f32 v5, v5  }
0x37f: {  	v41 =	vadd.f32 v59, v57;
	v63 =	vadd.f32 v0, v5;
	v53 =	vmul.f32 v0, v0  }
0x380: {  	v54 =	vadd.f32 v62, v60;
	v55 =	vadd.f32 v22, v21  }
0x381: {  	v46 =	vadd.f32 v63, v61;
	v43 =	vadd.f32 v53, v23  }
0x382: {  	v41 =	vadd.f32 v54, v41  }
0x383: {  	v2 =	vadd.f32 v46, v2;
	v43 =	vadd.f32 v43, v55;
	_ =	sdelay $0x1  }
0x384: {  	(xrf2) =	vadd.scan.msk.f32 $0xffff, v2;
	v56 =	vadd.f32 v43, v41  }
0x385: {  	v57, _, _ =	vpop (xrf2)  }
0x386: {  	v41 =	vmul.f32 $7.812500000e-03, v57;
	(xrf2) =	vadd.scan.msk.f32 $0xffff, v56  }
0x387: {  	v58, _, _ =	vpop (xrf2)  }
0x388: {  	v2 =	vmul.f32 $7.812500000e-03, v58;
	v59 =	vmul.f32 v41, v41;
	_ =	sdelay $0x1  }
0x389: {  	v2 =	vsub.f32 v2, v59;
	_ =	sdelay $0x1  }
0x38a: {  	v2 =	vadd.f32 $9.999999960e-13, v2;
	_ =	sdelay $0x1  }
0x38b: {  	v2 =	vbroadcast v2, $0xF;
	v60, _, _ =	vpop (xrf2)  }
0x38c: {  	v43 =	vmul.f32 $7.812500000e-03, v60  }
0x38d: {  	v61 =	vmul.f32 $-5.000000000e-01, v2;
	v62, _, _ =	vpop (xrf2)  }
0x38e: {  	v2 =	vshrl.u32 v2, $0x1;
	v45 =	vmul.f32 $7.812500000e-03, v62;
	v63 =	vmul.f32 v43, v43  }
0x38f: {  	v2 =	vsub.s32 $0x5F3759DF, v2  }
0x390: {  	v44 =	vmul.f32 v2, v61;
	v45 =	vsub.f32 v45, v63  }
0x391: {  	v25 =	vsub.f32 v25, v35;
	[tilespmem:s4+$0x60] =	vst v50;
	v40 =	vmul.f32 v34, v40  }
0x392: {  	v38 =	vmul.f32 v34, v38;
	[tilespmem:s6+$0x70] =	vst v42;
	v44 =	vmul.f32 v2, v44;
	v22 =	vadd.f32 $9.999999960e-13, v45  }
0x393: {  	v24 =	vsub.f32 v24, v35;
	v36 =	vmul.f32 v34, v36;
	[tilespmem:s6+$0x10] =	vst v40;
	v23 =	vbroadcast v41, $0xF  }
0x394: {  	v37 =	vmul.f32 v34, v37;
	[tilespmem:s6+$0x20] =	vst v38;
	v44 =	vadd.f32 $1.500000000e+00, v44;
	v45 =	vbroadcast v22, $0xF  }
0x395: {  	v25 =	vmul.f32 v34, v25;
	v24 =	vmul.f32 v34, v24;
	[tilespmem:s6+$0x30] =	vst v36;
	v33 =	vsub.f32 v33, v23  }
0x396: {  	[tilespmem:s6+$0x40] =	vst v37;
	v2 =	vmul.f32 v2, v44;
	v46 =	vmul.f32 $-5.000000000e-01, v45;
	v47 =	vshrl.u32 v45, $0x1  }
0x397: {  	[tilespmem:s6+$0x50] =	vst v25;
	v21 =	vmul.f32 v34, v51;
	v29 =	vsub.f32 v29, v23;
	v48 =	vsub.s32 $0x5F3759DF, v47  }
0x398: {  	[tilespmem:s6+$0x60] =	vst v24;
	v27 =	vsub.f32 v27, v23;
	v33 =	vmul.f32 v2, v33;
	v49 =	vmul.f32 v48, v46  }
0x399: {  	[tilespmem:s6+$0x0] =	vst v21;
	v32 =	vsub.f32 v32, v23;
	v50 =	vmul.f32 v2, v29  }
0x39a: {  	v51 =	vsub.f32 v31, v23;
	v27 =	vmul.f32 v2, v27;
	[tilespmem:s15+$0x70] =	vst v33;
	v25 =	vmul.f32 v48, v49  }
0x39b: {  	v28 =	vsub.f32 v28, v23;
	v30 =	vsub.f32 v30, v23;
	v52 =	vmul.f32 v2, v32;
	[tilespmem:s15+$0x0] =	vst v50  }
0x39c: {  	v54 =	vbroadcast v43, $0xF;
	v53 =	vmul.f32 v2, v51;
	[tilespmem:s15+$0x10] =	vst v27;
	v25 =	vadd.f32 $1.500000000e+00, v25  }
0x39d: {  	v26 =	vsub.f32 v26, v23;
	v55 =	vmul.f32 v2, v28;
	[tilespmem:s15+$0x20] =	vst v52  }
0x39e: {  	v0 =	vsub.f32 v0, v54;
	v56 =	vmul.f32 v2, v30;
	[tilespmem:s15+$0x30] =	vst v53;
	v25 =	vmul.f32 v48, v25  }
0x39f: {  	v1 =	vsub.f32 v1, v54;
	v2 =	vmul.f32 v2, v26;
	[tilespmem:s15+$0x40] =	vst v55  }
0x3a0: {  	v3 =	vsub.f32 v3, v54;
	[tilespmem:s15+$0x50] =	vst v56;
	v0 =	vmul.f32 v25, v0  }
0x3a1: {  	v4 =	vsub.f32 v4, v54;
	[tilespmem:s15+$0x60] =	vst v2;
	v1 =	vmul.f32 v25, v1  }
0x3a2: {  	v57 =	vsub.f32 v6, v54;
	v58 =	vmul.f32 v25, v3;
	[tilespmem:s16+$0x70] =	vst v0  }
0x3a3: {  	v61 =	vsub.f32 v5, v54;
	v59 =	vmul.f32 v25, v4;
	[tilespmem:s16+$0x0] =	vst v1  }
0x3a4: {  	v3 =	vsub.f32 v7, v54;
	v60 =	vmul.f32 v25, v57;
	[tilespmem:s16+$0x10] =	vst v58  }
.Ltmp11:
0x3a5: {  	v4 =	vsub.f32 v39, v54;
	v2 =	vmul.f32 v25, v61;
	[tilespmem:s16+$0x20] =	vst v59;
	(pc) =	sbr.rel .LBB2_15-.Ltmp11, $4  }
0x3a6: {  	v62 =	vmul.f32 v25, v3;
	[tilespmem:s16+$0x30] =	vst v60  }
0x3a7: {  	v63 =	vmul.f32 v25, v4;
	[tilespmem:s16+$0x60] =	vst v2  }
0x3a8: {  	[tilespmem:s16+$0x40] =	vst v62  }
0x3a9: {  	v5 =	vmov v19;
	v61 =	vmov v10;
	[tilespmem:s16+$0x50] =	vst v63;
	v60 =	vmov v20  }
.LBB2_17:
0x3aa: {  	_ =	sfence.sel $0x180000  }
0x3ab: {  	[bflag:$0x0] =	sbarrier.arrive $0xFFFF  }
0x3ac: {  	_ =	strace $0x90000047  }
0x3ad: {  	s0 =	stileid.u32;
	[bflag:$0x2] =	sbarrier.arrive $0xFFFF  }
0x3ae: {  	p0 =	sne.s32 s0, $0x0;
	s0 =	rddreg [dreg:$0x7]  }
0x3af: {  	s0 =	sadd.s32 @!p0 $0x100000, s0  }
0x3b0: {  	[sflag:s0] =	ssyncadd.tile.s32 @!p0 $0x1;
	_ =	shalt  }
.Lfunc_end2:
_tile_overlayer_lowered:
.L_overlay_start_2:
0x3b1: {  	(tag) =	ssettag $0x2  }
0x3b2: {  	s0 =	rddreg [dreg:$0x0];
	s2 =	stileid.u32  }
0x3b3: {  	s1 =	rddreg [dreg:$0x1];
	p0 =	sne.s32 s2, $0x0  }
0x3b4: {  	s3 =	rddreg [dreg:$0x2];
	[bflag:$0x3] =	sbarrier.arrive $0xFFFF;
	s2 =	simm.s32 @!p0 $0x1C07  }
0x3b5: {  	[timem:s3], [sflag:s2] =	dma.local @!p0 [hbm:s0], s1  }
0x3b6: {  	s0 =	simm.s32 @!p0 $0x7  }
0x3b7: {  	_ =	swait.ge @!p0 [sflag:s0], s1  }
0x3b8: {  	s1 =	ssub.s32 @!p0 $0x0, s1;
	[sflag:s0] =	ssyncset.done @!p0 $0x0  }
0x3b9: {  	[sflag:s0] =	ssyncadd.s32 @!p0 s1  }
0x3ba: {  	[bflag:$0x3] =	sbarrier.arrive $0xFFFF  }
0x3bb: {  	_ =	shalt  }

</sc_bundles>
